<compile_context>
chip_gen: v7x
topology: tpu7x:2x2x1
jax: 0.10.2.dev20260603
libtpu: 0.0.44.dev20260713+nightly
codegen_flags: <defaults>
</compile_context>

<pallas_src>
import jax
import jax.numpy as jnp
from jax import lax
from jax.experimental import pallas as pl
from jax.experimental.pallas import tpu as pltpu
from jax.experimental.pallas import tpu_sc as plsc

NUM_EMBEDDINGS = 1000000
EMBEDDING_DIM = 32
BATCH = 16384
HIST = 50

NC, NS, L = 2, 16, 16
NW = NC * NS
BW = BATCH // NW
N_CHUNKS = HIST
NB = 4


def _transpose_chunk(rows, tbuf):

    def jb_body(jb, carry):
        row_idx = jb * L + lax.iota(jnp.int32, L)
        for d in range(EMBEDDING_DIM):
            col_idx = jnp.full((L,), d, jnp.int32)
            tbuf[d, pl.ds(jb * L, L)] = plsc.load_gather(rows, [row_idx, col_idx])
        return carry

    lax.fori_loop(0, BW // L, jb_body, 0, unroll=False)


def _gather_body(table_hbm, xt_hbm, out_hbm,
                 idx_all, rv0, rv1, rv2, rv3, tb0, tb1,
                 sem_i, sg0, sg1, sg2, sg3, ss0, ss1):
    wid = lax.axis_index("s") * NC + lax.axis_index("c")
    b0 = wid * BW
    rv = (rv0, rv1, rv2, rv3)
    sg = (sg0, sg1, sg2, sg3)
    tb = (tb0, tb1)
    ss = (ss0, ss1)

    pltpu.async_copy(xt_hbm.at[:, pl.ds(b0, BW)], idx_all, sem_i).wait()

    def gather_desc(h, j):
        return pltpu.make_async_copy(table_hbm.at[idx_all.at[h]], rv[j], sg[j])

    def store_desc(h, t):
        return pltpu.make_async_copy(
            tb[t], out_hbm.at[h, :, pl.ds(b0, BW)], ss[t])

    for j in range(NB):
        gather_desc(j, j).start()

    def group_body(g, carry):
        k0 = NB * g
        for j in range(NB):
            k = k0 + j

            @pl.when(k < N_CHUNKS)
            def _(k=k, j=j):
                gather_desc(k, j).wait()

                @pl.when(k >= 2)
                def _(k=k, j=j):
                    store_desc(k - 2, j % 2).wait()

                _transpose_chunk(rv[j], tb[j % 2])
                store_desc(k, j % 2).start()

                @pl.when(k + NB < N_CHUNKS)
                def _(k=k, j=j):
                    gather_desc(k + NB, j).start()

        return carry

    n_groups = (N_CHUNKS + NB - 1) // NB
    lax.fori_loop(0, n_groups, group_body, 0, unroll=False)
    store_desc(N_CHUNKS - 2, 0).wait()
    store_desc(N_CHUNKS - 1, 1).wait()


_sc_gather = pl.kernel(
    _gather_body,
    out_type=jax.ShapeDtypeStruct((HIST, EMBEDDING_DIM, BATCH), jnp.float32),
    mesh=plsc.VectorSubcoreMesh(core_axis_name="c", subcore_axis_name="s"),
    scratch_types=(
        [pltpu.VMEM((HIST, BW), jnp.int32)]
        + [pltpu.VMEM((BW, EMBEDDING_DIM), jnp.float32) for _ in range(NB)]
        + [pltpu.VMEM((EMBEDDING_DIM, BW), jnp.float32) for _ in range(2)]
        + [pltpu.SemaphoreType.DMA for _ in range(1 + NB + 2)]
    ),
    compiler_params=pltpu.CompilerParams(
        use_tc_tiling_on_sc=False, needs_layout_passes=False),
)


@jax.jit
def kernel(x, table):
    xt = x.T.astype(jnp.int32)
    out_t = _sc_gather(table, xt)
    return jnp.transpose(out_t, (2, 0, 1))

# --- scband reference (transcript-rebuilt; emitter-appended) ---
"""Pipeline reference for scband-embedding-packable-87540023427452 (READ-ONLY COPY).

The authoritative reference and input builder live on the scoring server;
editing this copy changes nothing except your own understanding.
"""

import jax, jax.numpy as jnp
import numpy as np

NUM_EMBEDDINGS = 1000000
EMBEDDING_DIM = 32
BATCH = 16384
HIST = 50

def setup_inputs(seed: int = 0) -> dict:
    key = jax.random.key(seed)
    k_idx, k_tab = jax.random.split(key)
    x = jax.random.randint(k_idx, (BATCH, HIST), 0, NUM_EMBEDDINGS, dtype=jnp.int64 if jax.config.jax_enable_x64 else jnp.int32)
    table = jax.random.normal(k_tab, (NUM_EMBEDDINGS, EMBEDDING_DIM), dtype=jnp.float32)
    return {"x": x, "table": table}

def reference(x, table):
    # EmbeddingPackable with a plain tensor input: just self.embd_layer(x)
    return jnp.take(table, x, axis=0)

if __name__ == "__main__":
    import jax
    _d = setup_inputs()
    print(jax.jit(kernel)(*tuple(_d.values())))

</pallas_src>

<mosaic_0001>
#map = affine_map<(d0, d1) -> (0, 0)>
#map1 = affine_map<(d0, d1) -> (0, 0, 0)>
module attributes {stable_mosaic.version = 14 : i64} {
  func.func @_gather_body(%arg0: i32, %arg1: i32, %arg2: memref<1000000x32xf32, #tpu.memory_space<hbm>>, %arg3: memref<50x16384xi32, #tpu.memory_space<hbm>>, %arg4: memref<50x32x16384xf32, #tpu.memory_space<hbm>>, %arg5: memref<50x512xi32, #tpu.memory_space<vmem>>, %arg6: memref<512x32xf32, #tpu.memory_space<vmem>>, %arg7: memref<512x32xf32, #tpu.memory_space<vmem>>, %arg8: memref<512x32xf32, #tpu.memory_space<vmem>>, %arg9: memref<512x32xf32, #tpu.memory_space<vmem>>, %arg10: memref<32x512xf32, #tpu.memory_space<vmem>>, %arg11: memref<32x512xf32, #tpu.memory_space<vmem>>, %arg12: memref<!tpu.dma_semaphore, #tpu.memory_space<semaphore_mem>>, %arg13: memref<!tpu.dma_semaphore, #tpu.memory_space<semaphore_mem>>, %arg14: memref<!tpu.dma_semaphore, #tpu.memory_space<semaphore_mem>>, %arg15: memref<!tpu.dma_semaphore, #tpu.memory_space<semaphore_mem>>, %arg16: memref<!tpu.dma_semaphore, #tpu.memory_space<semaphore_mem>>, %arg17: memref<!tpu.dma_semaphore, #tpu.memory_space<semaphore_mem>>, %arg18: memref<!tpu.dma_semaphore, #tpu.memory_space<semaphore_mem>>) attributes {dimension_semantics = [#tpu.dimension_semantics<core_parallel>, #tpu.dimension_semantics<subcore_parallel>], iteration_bounds = array<i64: 2, 16>, scalar_prefetch = 0 : i64, scratch_operands = 14 : i64, tpu.core_type = #tpu.core_type<sc_vector_subcore>, window_params = [{transform_indices = #map}, {transform_indices = #map}, {transform_indices = #map1}]} {
    %mul3A = arith.constant 2 : i32
    %mul3A_0 = arith.muli %arg1, %mul3A : i32
    %add3A = arith.addi %mul3A_0, %arg0 : i32
    %mul3A_1 = arith.constant 512 : i32
    %mul3A_2 = arith.muli %add3A, %mul3A_1 : i32
    %dma_start3A = arith.constant 0 : i32
    %dma_start3A_3 = tpu.memref_slice %arg3[%dma_start3A, %mul3A_2] : memref<50x16384xi32, #tpu.memory_space<hbm>> -> memref<50x512xi32, #tpu.memory_space<hbm>>
    %dma_start3A_4 = arith.constant 0 : i32
    %dma_start3A_5 = tpu.memref_slice %arg3[%dma_start3A_4, %mul3A_2] : memref<50x16384xi32, #tpu.memory_space<hbm>> -> memref<50x512xi32, #tpu.memory_space<hbm>>
    tpu.enqueue_dma source(%dma_start3A_5 : memref<50x512xi32, #tpu.memory_space<hbm>>) target(%arg5 : memref<50x512xi32, #tpu.memory_space<vmem>>) target_semaphore(%arg12 : memref<!tpu.dma_semaphore, #tpu.memory_space<semaphore_mem>>)
    %dma_wait3A = arith.constant 0 : i32
    %dma_wait3A_6 = tpu.memref_slice %arg3[%dma_wait3A, %mul3A_2] : memref<50x16384xi32, #tpu.memory_space<hbm>> -> memref<50x512xi32, #tpu.memory_space<hbm>>
    %dma_wait3A_7 = arith.constant 0 : i32
    %dma_wait3A_8 = tpu.memref_slice %arg3[%dma_wait3A_7, %mul3A_2] : memref<50x16384xi32, #tpu.memory_space<hbm>> -> memref<50x512xi32, #tpu.memory_space<hbm>>
    tpu.wait_dma2 semaphore(%arg12 : memref<!tpu.dma_semaphore, #tpu.memory_space<semaphore_mem>>) src(%dma_wait3A_8 : memref<50x512xi32, #tpu.memory_space<hbm>>) dst(%arg5 : memref<50x512xi32, #tpu.memory_space<vmem>>)
    %dma_start3A_9 = arith.constant 0 : i32
    %dma_start3A_10 = arith.constant 0 : i32
    %dma_start3A_11 = tpu.memref_slice %arg5[%dma_start3A_9, %dma_start3A_10] : memref<50x512xi32, #tpu.memory_space<vmem>> -> memref<1x512xi32, #tpu.memory_space<vmem>>
    %dma_start3A_12 = tpu.memref_squeeze %dma_start3A_11 : memref<1x512xi32, #tpu.memory_space<vmem>> -> memref<512xi32, #tpu.memory_space<vmem>>
    %dma_start3A_13 = arith.constant 0 : i32
    %dma_start3A_14 = arith.constant 0 : i32
    %dma_start3A_15 = tpu.memref_slice %arg2[%dma_start3A_13, %dma_start3A_14] : memref<1000000x32xf32, #tpu.memory_space<hbm>> -> memref<1000000x32xf32, #tpu.memory_space<hbm>>
    tpu.enqueue_indirect_dma source(%dma_start3A_15 : memref<1000000x32xf32, #tpu.memory_space<hbm>>) target(%arg6 : memref<512x32xf32, #tpu.memory_space<vmem>>) offsets(%dma_start3A_12 : memref<512xi32, #tpu.memory_space<vmem>>) semaphore(%arg13 : memref<!tpu.dma_semaphore, #tpu.memory_space<semaphore_mem>>)
    %dma_start3A_16 = arith.constant 1 : i32
    %dma_start3A_17 = arith.constant 0 : i32
    %dma_start3A_18 = tpu.memref_slice %arg5[%dma_start3A_16, %dma_start3A_17] : memref<50x512xi32, #tpu.memory_space<vmem>> -> memref<1x512xi32, #tpu.memory_space<vmem>>
    %dma_start3A_19 = tpu.memref_squeeze %dma_start3A_18 : memref<1x512xi32, #tpu.memory_space<vmem>> -> memref<512xi32, #tpu.memory_space<vmem>>
    %dma_start3A_20 = arith.constant 0 : i32
    %dma_start3A_21 = arith.constant 0 : i32
    %dma_start3A_22 = tpu.memref_slice %arg2[%dma_start3A_20, %dma_start3A_21] : memref<1000000x32xf32, #tpu.memory_space<hbm>> -> memref<1000000x32xf32, #tpu.memory_space<hbm>>
    tpu.enqueue_indirect_dma source(%dma_start3A_22 : memref<1000000x32xf32, #tpu.memory_space<hbm>>) target(%arg7 : memref<512x32xf32, #tpu.memory_space<vmem>>) offsets(%dma_start3A_19 : memref<512xi32, #tpu.memory_space<vmem>>) semaphore(%arg14 : memref<!tpu.dma_semaphore, #tpu.memory_space<semaphore_mem>>)
    %dma_start3A_23 = arith.constant 2 : i32
    %dma_start3A_24 = arith.constant 0 : i32
    %dma_start3A_25 = tpu.memref_slice %arg5[%dma_start3A_23, %dma_start3A_24] : memref<50x512xi32, #tpu.memory_space<vmem>> -> memref<1x512xi32, #tpu.memory_space<vmem>>
    %dma_start3A_26 = tpu.memref_squeeze %dma_start3A_25 : memref<1x512xi32, #tpu.memory_space<vmem>> -> memref<512xi32, #tpu.memory_space<vmem>>
    %dma_start3A_27 = arith.constant 0 : i32
    %dma_start3A_28 = arith.constant 0 : i32
    %dma_start3A_29 = tpu.memref_slice %arg2[%dma_start3A_27, %dma_start3A_28] : memref<1000000x32xf32, #tpu.memory_space<hbm>> -> memref<1000000x32xf32, #tpu.memory_space<hbm>>
    tpu.enqueue_indirect_dma source(%dma_start3A_29 : memref<1000000x32xf32, #tpu.memory_space<hbm>>) target(%arg8 : memref<512x32xf32, #tpu.memory_space<vmem>>) offsets(%dma_start3A_26 : memref<512xi32, #tpu.memory_space<vmem>>) semaphore(%arg15 : memref<!tpu.dma_semaphore, #tpu.memory_space<semaphore_mem>>)
    %dma_start3A_30 = arith.constant 3 : i32
    %dma_start3A_31 = arith.constant 0 : i32
    %dma_start3A_32 = tpu.memref_slice %arg5[%dma_start3A_30, %dma_start3A_31] : memref<50x512xi32, #tpu.memory_space<vmem>> -> memref<1x512xi32, #tpu.memory_space<vmem>>
    %dma_start3A_33 = tpu.memref_squeeze %dma_start3A_32 : memref<1x512xi32, #tpu.memory_space<vmem>> -> memref<512xi32, #tpu.memory_space<vmem>>
    %dma_start3A_34 = arith.constant 0 : i32
    %dma_start3A_35 = arith.constant 0 : i32
    %dma_start3A_36 = tpu.memref_slice %arg2[%dma_start3A_34, %dma_start3A_35] : memref<1000000x32xf32, #tpu.memory_space<hbm>> -> memref<1000000x32xf32, #tpu.memory_space<hbm>>
    tpu.enqueue_indirect_dma source(%dma_start3A_36 : memref<1000000x32xf32, #tpu.memory_space<hbm>>) target(%arg9 : memref<512x32xf32, #tpu.memory_space<vmem>>) offsets(%dma_start3A_33 : memref<512xi32, #tpu.memory_space<vmem>>) semaphore(%arg16 : memref<!tpu.dma_semaphore, #tpu.memory_space<semaphore_mem>>)
    %scan3A = arith.constant 0 : i32
    %scan3A_37 = arith.constant 0 : i32
    %scan3A_38 = arith.constant 13 : i32
    %scan3A_39 = arith.addi %scan3A_37, %scan3A_38 : i32
    %scan3A_40 = arith.constant 1 : i32
    scf.for %scan3A_56 = %scan3A_37 to %scan3A_39 step %scan3A_40  : i32 {
      %mul3A_57 = arith.constant 4 : i32
      %mul3A_58 = arith.muli %mul3A_57, %scan3A_56 : i32
      %add3A_59 = arith.constant 0 : i32
      %add3A_60 = arith.addi %mul3A_58, %add3A_59 : i32
      %lt3A = arith.constant 50 : i32
      %lt3A_61 = arith.cmpi slt, %add3A_60, %lt3A : i32
      %convert_element_type3A = arith.extui %lt3A_61 : i1 to i32
      %cond3A = arith.constant 0 : i32
      %cond3A_62 = arith.cmpi ne, %convert_element_type3A, %cond3A : i32
      scf.if %cond3A_62 {
        %dma_wait3A_84 = arith.constant 0 : i32
        %dma_wait3A_85 = tpu.memref_slice %arg5[%add3A_60, %dma_wait3A_84] : memref<50x512xi32, #tpu.memory_space<vmem>> -> memref<1x512xi32, #tpu.memory_space<vmem>>
        %dma_wait3A_86 = tpu.memref_squeeze %dma_wait3A_85 : memref<1x512xi32, #tpu.memory_space<vmem>> -> memref<512xi32, #tpu.memory_space<vmem>>
        %dma_wait3A_87 = arith.constant 0 : i32
        %dma_wait3A_88 = arith.constant 0 : i32
        %dma_wait3A_89 = tpu.memref_slice %arg2[%dma_wait3A_87, %dma_wait3A_88] : memref<1000000x32xf32, #tpu.memory_space<hbm>> -> memref<1000000x32xf32, #tpu.memory_space<hbm>>
        tpu.wait_indirect_dma semaphore(%arg13 : memref<!tpu.dma_semaphore, #tpu.memory_space<semaphore_mem>>) src(%dma_wait3A_89 : memref<1000000x32xf32, #tpu.memory_space<hbm>>) dst(%arg6 : memref<512x32xf32, #tpu.memory_space<vmem>>)
        %ge3A = arith.constant 2 : i32
        %ge3A_90 = arith.cmpi sge, %add3A_60, %ge3A : i32
        %convert_element_type3A_91 = arith.extui %ge3A_90 : i1 to i32
        %cond3A_92 = arith.constant 0 : i32
        %cond3A_93 = arith.cmpi ne, %convert_element_type3A_91, %cond3A_92 : i32
        scf.if %cond3A_93 {
          %sub3A = arith.constant 2 : i32
          %sub3A_113 = arith.subi %add3A_60, %sub3A : i32
          %dma_wait3A_114 = arith.constant 0 : i32
          %dma_wait3A_115 = tpu.memref_slice %arg4[%sub3A_113, %dma_wait3A_114, %mul3A_2] : memref<50x32x16384xf32, #tpu.memory_space<hbm>> -> memref<1x32x512xf32, #tpu.memory_space<hbm>>
          %dma_wait3A_116 = tpu.memref_squeeze %dma_wait3A_115 : memref<1x32x512xf32, #tpu.memory_space<hbm>> -> memref<32x512xf32, #tpu.memory_space<hbm>>
          %dma_wait3A_117 = arith.constant 0 : i32
          %dma_wait3A_118 = tpu.memref_slice %arg4[%sub3A_113, %dma_wait3A_117, %mul3A_2] : memref<50x32x16384xf32, #tpu.memory_space<hbm>> -> memref<1x32x512xf32, #tpu.memory_space<hbm>>
          %dma_wait3A_119 = tpu.memref_squeeze %dma_wait3A_118 : memref<1x32x512xf32, #tpu.memory_space<hbm>> -> memref<32x512xf32, #tpu.memory_space<hbm>>
          tpu.wait_dma2 semaphore(%arg17 : memref<!tpu.dma_semaphore, #tpu.memory_space<semaphore_mem>>) src(%arg10 : memref<32x512xf32, #tpu.memory_space<vmem>>) dst(%dma_wait3A_119 : memref<32x512xf32, #tpu.memory_space<hbm>>)
        } else {
        }
        %scan3A_94 = arith.constant 0 : i32
        %scan3A_95 = arith.constant 0 : i32
        %scan3A_96 = arith.constant 32 : i32
        %scan3A_97 = arith.addi %scan3A_95, %scan3A_96 : i32
        %scan3A_98 = arith.constant 1 : i32
        scf.for %scan3A_113 = %scan3A_95 to %scan3A_97 step %scan3A_98  : i32 {
          %mul3A_114 = arith.constant 16 : i32
          %mul3A_115 = arith.muli %scan3A_113, %mul3A_114 : i32
          %iota3A = tpu.iota {dimensions = array<i32: 0>} : vector<16xi32>
          %add3A_116 = vector.broadcast %mul3A_115 : i32 to vector<16xi32>
          %add3A_117 = arith.addi %add3A_116, %iota3A : vector<16xi32>
          %broadcast_in_dim3A = arith.constant 0 : i32
          %broadcast_in_dim3A_118 = vector.broadcast %broadcast_in_dim3A : i32 to vector<16xi32>
          %gather3A = tpu.vector_load_idx %arg6[%add3A_117, %broadcast_in_dim3A_118] : memref<512x32xf32, #tpu.memory_space<vmem>>[vector<16xi32>, vector<16xi32>], vector<16xf32>,
          %mul3A_119 = arith.constant 16 : i32
          %mul3A_120 = arith.muli %scan3A_113, %mul3A_119 : i32
          %swap3A = arith.constant 0 : i32
          %swap3A_121 = arith.index_cast %swap3A : i32 to index
          %swap3A_122 = arith.index_cast %mul3A_120 : i32 to index
          %swap3A_123 = tpu.vector_load %arg10[%swap3A_121, %swap3A_122] {strides = array<i32>} : memref<32x512xf32, #tpu.memory_space<vmem>>, vector<16xf32>,
          tpu.vector_store %arg10[%swap3A_121, %swap3A_122], %gather3A {strides = array<i32>} : memref<32x512xf32, #tpu.memory_space<vmem>>, vector<16xf32>,
          %broadcast_in_dim3A_124 = arith.constant 1 : i32
          %broadcast_in_dim3A_125 = vector.broadcast %broadcast_in_dim3A_124 : i32 to vector<16xi32>
          %gather3A_126 = tpu.vector_load_idx %arg6[%add3A_117, %broadcast_in_dim3A_125] : memref<512x32xf32, #tpu.memory_space<vmem>>[vector<16xi32>, vector<16xi32>], vector<16xf32>,
          %mul3A_127 = arith.constant 16 : i32
          %mul3A_128 = arith.muli %scan3A_113, %mul3A_127 : i32
          %swap3A_129 = arith.constant 1 : i32
          %swap3A_130 = arith.index_cast %swap3A_129 : i32 to index
          %swap3A_131 = arith.index_cast %mul3A_128 : i32 to index
          %swap3A_132 = tpu.vector_load %arg10[%swap3A_130, %swap3A_131] {strides = array<i32>} : memref<32x512xf32, #tpu.memory_space<vmem>>, vector<16xf32>,
          tpu.vector_store %arg10[%swap3A_130, %swap3A_131], %gather3A_126 {strides = array<i32>} : memref<32x512xf32, #tpu.memory_space<vmem>>, vector<16xf32>,
          %broadcast_in_dim3A_133 = arith.constant 2 : i32
          %broadcast_in_dim3A_134 = vector.broadcast %broadcast_in_dim3A_133 : i32 to vector<16xi32>
          %gather3A_135 = tpu.vector_load_idx %arg6[%add3A_117, %broadcast_in_dim3A_134] : memref<512x32xf32, #tpu.memory_space<vmem>>[vector<16xi32>, vector<16xi32>], vector<16xf32>,
          %mul3A_136 = arith.constant 16 : i32
          %mul3A_137 = arith.muli %scan3A_113, %mul3A_136 : i32
          %swap3A_138 = arith.constant 2 : i32
          %swap3A_139 = arith.index_cast %swap3A_138 : i32 to index
          %swap3A_140 = arith.index_cast %mul3A_137 : i32 to index
          %swap3A_141 = tpu.vector_load %arg10[%swap3A_139, %swap3A_140] {strides = array<i32>} : memref<32x512xf32, #tpu.memory_space<vmem>>, vector<16xf32>,
          tpu.vector_store %arg10[%swap3A_139, %swap3A_140], %gather3A_135 {strides = array<i32>} : memref<32x512xf32, #tpu.memory_space<vmem>>, vector<16xf32>,
          %broadcast_in_dim3A_142 = arith.constant 3 : i32
          %broadcast_in_dim3A_143 = vector.broadcast %broadcast_in_dim3A_142 : i32 to vector<16xi32>
          %gather3A_144 = tpu.vector_load_idx %arg6[%add3A_117, %broadcast_in_dim3A_143] : memref<512x32xf32, #tpu.memory_space<vmem>>[vector<16xi32>, vector<16xi32>], vector<16xf32>,
          %mul3A_145 = arith.constant 16 : i32
          %mul3A_146 = arith.muli %scan3A_113, %mul3A_145 : i32
          %swap3A_147 = arith.constant 3 : i32
          %swap3A_148 = arith.index_cast %swap3A_147 : i32 to index
          %swap3A_149 = arith.index_cast %mul3A_146 : i32 to index
          %swap3A_150 = tpu.vector_load %arg10[%swap3A_148, %swap3A_149] {strides = array<i32>} : memref<32x512xf32, #tpu.memory_space<vmem>>, vector<16xf32>,
          tpu.vector_store %arg10[%swap3A_148, %swap3A_149], %gather3A_144 {strides = array<i32>} : memref<32x512xf32, #tpu.memory_space<vmem>>, vector<16xf32>,
          %broadcast_in_dim3A_151 = arith.constant 4 : i32
          %broadcast_in_dim3A_152 = vector.broadcast %broadcast_in_dim3A_151 : i32 to vector<16xi32>
          %gather3A_153 = tpu.vector_load_idx %arg6[%add3A_117, %broadcast_in_dim3A_152] : memref<512x32xf32, #tpu.memory_space<vmem>>[vector<16xi32>, vector<16xi32>], vector<16xf32>,
          %mul3A_154 = arith.constant 16 : i32
          %mul3A_155 = arith.muli %scan3A_113, %mul3A_154 : i32
          %swap3A_156 = arith.constant 4 : i32
          %swap3A_157 = arith.index_cast %swap3A_156 : i32 to index
          %swap3A_158 = arith.index_cast %mul3A_155 : i32 to index
          %swap3A_159 = tpu.vector_load %arg10[%swap3A_157, %swap3A_158] {strides = array<i32>} : memref<32x512xf32, #tpu.memory_space<vmem>>, vector<16xf32>,
          tpu.vector_store %arg10[%swap3A_157, %swap3A_158], %gather3A_153 {strides = array<i32>} : memref<32x512xf32, #tpu.memory_space<vmem>>, vector<16xf32>,
          %broadcast_in_dim3A_160 = arith.constant 5 : i32
          %broadcast_in_dim3A_161 = vector.broadcast %broadcast_in_dim3A_160 : i32 to vector<16xi32>
          %gather3A_162 = tpu.vector_load_idx %arg6[%add3A_117, %broadcast_in_dim3A_161] : memref<512x32xf32, #tpu.memory_space<vmem>>[vector<16xi32>, vector<16xi32>], vector<16xf32>,
          %mul3A_163 = arith.constant 16 : i32
          %mul3A_164 = arith.muli %scan3A_113, %mul3A_163 : i32
          %swap3A_165 = arith.constant 5 : i32
          %swap3A_166 = arith.index_cast %swap3A_165 : i32 to index
          %swap3A_167 = arith.index_cast %mul3A_164 : i32 to index
          %swap3A_168 = tpu.vector_load %arg10[%swap3A_166, %swap3A_167] {strides = array<i32>} : memref<32x512xf32, #tpu.memory_space<vmem>>, vector<16xf32>,
          tpu.vector_store %arg10[%swap3A_166, %swap3A_167], %gather3A_162 {strides = array<i32>} : memref<32x512xf32, #tpu.memory_space<vmem>>, vector<16xf32>,
          %broadcast_in_dim3A_169 = arith.constant 6 : i32
          %broadcast_in_dim3A_170 = vector.broadcast %broadcast_in_dim3A_169 : i32 to vector<16xi32>
          %gather3A_171 = tpu.vector_load_idx %arg6[%add3A_117, %broadcast_in_dim3A_170] : memref<512x32xf32, #tpu.memory_space<vmem>>[vector<16xi32>, vector<16xi32>], vector<16xf32>,
          %mul3A_172 = arith.constant 16 : i32
          %mul3A_173 = arith.muli %scan3A_113, %mul3A_172 : i32
          %swap3A_174 = arith.constant 6 : i32
          %swap3A_175 = arith.index_cast %swap3A_174 : i32 to index
          %swap3A_176 = arith.index_cast %mul3A_173 : i32 to index
          %swap3A_177 = tpu.vector_load %arg10[%swap3A_175, %swap3A_176] {strides = array<i32>} : memref<32x512xf32, #tpu.memory_space<vmem>>, vector<16xf32>,
          tpu.vector_store %arg10[%swap3A_175, %swap3A_176], %gather3A_171 {strides = array<i32>} : memref<32x512xf32, #tpu.memory_space<vmem>>, vector<16xf32>,
          %broadcast_in_dim3A_178 = arith.constant 7 : i32
          %broadcast_in_dim3A_179 = vector.broadcast %broadcast_in_dim3A_178 : i32 to vector<16xi32>
          %gather3A_180 = tpu.vector_load_idx %arg6[%add3A_117, %broadcast_in_dim3A_179] : memref<512x32xf32, #tpu.memory_space<vmem>>[vector<16xi32>, vector<16xi32>], vector<16xf32>,
          %mul3A_181 = arith.constant 16 : i32
          %mul3A_182 = arith.muli %scan3A_113, %mul3A_181 : i32
          %swap3A_183 = arith.constant 7 : i32
          %swap3A_184 = arith.index_cast %swap3A_183 : i32 to index
          %swap3A_185 = arith.index_cast %mul3A_182 : i32 to index
          %swap3A_186 = tpu.vector_load %arg10[%swap3A_184, %swap3A_185] {strides = array<i32>} : memref<32x512xf32, #tpu.memory_space<vmem>>, vector<16xf32>,
          tpu.vector_store %arg10[%swap3A_184, %swap3A_185], %gather3A_180 {strides = array<i32>} : memref<32x512xf32, #tpu.memory_space<vmem>>, vector<16xf32>,
          %broadcast_in_dim3A_187 = arith.constant 8 : i32
          %broadcast_in_dim3A_188 = vector.broadcast %broadcast_in_dim3A_187 : i32 to vector<16xi32>
          %gather3A_189 = tpu.vector_load_idx %arg6[%add3A_117, %broadcast_in_dim3A_188] : memref<512x32xf32, #tpu.memory_space<vmem>>[vector<16xi32>, vector<16xi32>], vector<16xf32>,
          %mul3A_190 = arith.constant 16 : i32
          %mul3A_191 = arith.muli %scan3A_113, %mul3A_190 : i32
          %swap3A_192 = arith.constant 8 : i32
          %swap3A_193 = arith.index_cast %swap3A_192 : i32 to index
          %swap3A_194 = arith.index_cast %mul3A_191 : i32 to index
          %swap3A_195 = tpu.vector_load %arg10[%swap3A_193, %swap3A_194] {strides = array<i32>} : memref<32x512xf32, #tpu.memory_space<vmem>>, vector<16xf32>,
          tpu.vector_store %arg10[%swap3A_193, %swap3A_194], %gather3A_189 {strides = array<i32>} : memref<32x512xf32, #tpu.memory_space<vmem>>, vector<16xf32>,
          %broadcast_in_dim3A_196 = arith.constant 9 : i32
          %broadcast_in_dim3A_197 = vector.broadcast %broadcast_in_dim3A_196 : i32 to vector<16xi32>
          %gather3A_198 = tpu.vector_load_idx %arg6[%add3A_117, %broadcast_in_dim3A_197] : memref<512x32xf32, #tpu.memory_space<vmem>>[vector<16xi32>, vector<16xi32>], vector<16xf32>,
          %mul3A_199 = arith.constant 16 : i32
          %mul3A_200 = arith.muli %scan3A_113, %mul3A_199 : i32
          %swap3A_201 = arith.constant 9 : i32
          %swap3A_202 = arith.index_cast %swap3A_201 : i32 to index
          %swap3A_203 = arith.index_cast %mul3A_200 : i32 to index
          %swap3A_204 = tpu.vector_load %arg10[%swap3A_202, %swap3A_203] {strides = array<i32>} : memref<32x512xf32, #tpu.memory_space<vmem>>, vector<16xf32>,
          tpu.vector_store %arg10[%swap3A_202, %swap3A_203], %gather3A_198 {strides = array<i32>} : memref<32x512xf32, #tpu.memory_space<vmem>>, vector<16xf32>,
          %broadcast_in_dim3A_205 = arith.constant 10 : i32
          %broadcast_in_dim3A_206 = vector.broadcast %broadcast_in_dim3A_205 : i32 to vector<16xi32>
          %gather3A_207 = tpu.vector_load_idx %arg6[%add3A_117, %broadcast_in_dim3A_206] : memref<512x32xf32, #tpu.memory_space<vmem>>[vector<16xi32>, vector<16xi32>], vector<16xf32>,
          %mul3A_208 = arith.constant 16 : i32
          %mul3A_209 = arith.muli %scan3A_113, %mul3A_208 : i32
          %swap3A_210 = arith.constant 10 : i32
          %swap3A_211 = arith.index_cast %swap3A_210 : i32 to index
          %swap3A_212 = arith.index_cast %mul3A_209 : i32 to index
          %swap3A_213 = tpu.vector_load %arg10[%swap3A_211, %swap3A_212] {strides = array<i32>} : memref<32x512xf32, #tpu.memory_space<vmem>>, vector<16xf32>,
          tpu.vector_store %arg10[%swap3A_211, %swap3A_212], %gather3A_207 {strides = array<i32>} : memref<32x512xf32, #tpu.memory_space<vmem>>, vector<16xf32>,
          %broadcast_in_dim3A_214 = arith.constant 11 : i32
          %broadcast_in_dim3A_215 = vector.broadcast %broadcast_in_dim3A_214 : i32 to vector<16xi32>
          %gather3A_216 = tpu.vector_load_idx %arg6[%add3A_117, %broadcast_in_dim3A_215] : memref<512x32xf32, #tpu.memory_space<vmem>>[vector<16xi32>, vector<16xi32>], vector<16xf32>,
          %mul3A_217 = arith.constant 16 : i32
          %mul3A_218 = arith.muli %scan3A_113, %mul3A_217 : i32
          %swap3A_219 = arith.constant 11 : i32
          %swap3A_220 = arith.index_cast %swap3A_219 : i32 to index
          %swap3A_221 = arith.index_cast %mul3A_218 : i32 to index
          %swap3A_222 = tpu.vector_load %arg10[%swap3A_220, %swap3A_221] {strides = array<i32>} : memref<32x512xf32, #tpu.memory_space<vmem>>, vector<16xf32>,
          tpu.vector_store %arg10[%swap3A_220, %swap3A_221], %gather3A_216 {strides = array<i32>} : memref<32x512xf32, #tpu.memory_space<vmem>>, vector<16xf32>,
          %broadcast_in_dim3A_223 = arith.constant 12 : i32
          %broadcast_in_dim3A_224 = vector.broadcast %broadcast_in_dim3A_223 : i32 to vector<16xi32>
          %gather3A_225 = tpu.vector_load_idx %arg6[%add3A_117, %broadcast_in_dim3A_224] : memref<512x32xf32, #tpu.memory_space<vmem>>[vector<16xi32>, vector<16xi32>], vector<16xf32>,
          %mul3A_226 = arith.constant 16 : i32
          %mul3A_227 = arith.muli %scan3A_113, %mul3A_226 : i32
          %swap3A_228 = arith.constant 12 : i32
          %swap3A_229 = arith.index_cast %swap3A_228 : i32 to index
          %swap3A_230 = arith.index_cast %mul3A_227 : i32 to index
          %swap3A_231 = tpu.vector_load %arg10[%swap3A_229, %swap3A_230] {strides = array<i32>} : memref<32x512xf32, #tpu.memory_space<vmem>>, vector<16xf32>,
          tpu.vector_store %arg10[%swap3A_229, %swap3A_230], %gather3A_225 {strides = array<i32>} : memref<32x512xf32, #tpu.memory_space<vmem>>, vector<16xf32>,
          %broadcast_in_dim3A_232 = arith.constant 13 : i32
          %broadcast_in_dim3A_233 = vector.broadcast %broadcast_in_dim3A_232 : i32 to vector<16xi32>
          %gather3A_234 = tpu.vector_load_idx %arg6[%add3A_117, %broadcast_in_dim3A_233] : memref<512x32xf32, #tpu.memory_space<vmem>>[vector<16xi32>, vector<16xi32>], vector<16xf32>,
          %mul3A_235 = arith.constant 16 : i32
          %mul3A_236 = arith.muli %scan3A_113, %mul3A_235 : i32
          %swap3A_237 = arith.constant 13 : i32
          %swap3A_238 = arith.index_cast %swap3A_237 : i32 to index
          %swap3A_239 = arith.index_cast %mul3A_236 : i32 to index
          %swap3A_240 = tpu.vector_load %arg10[%swap3A_238, %swap3A_239] {strides = array<i32>} : memref<32x512xf32, #tpu.memory_space<vmem>>, vector<16xf32>,
          tpu.vector_store %arg10[%swap3A_238, %swap3A_239], %gather3A_234 {strides = array<i32>} : memref<32x512xf32, #tpu.memory_space<vmem>>, vector<16xf32>,
          %broadcast_in_dim3A_241 = arith.constant 14 : i32
          %broadcast_in_dim3A_242 = vector.broadcast %broadcast_in_dim3A_241 : i32 to vector<16xi32>
          %gather3A_243 = tpu.vector_load_idx %arg6[%add3A_117, %broadcast_in_dim3A_242] : memref<512x32xf32, #tpu.memory_space<vmem>>[vector<16xi32>, vector<16xi32>], vector<16xf32>,
          %mul3A_244 = arith.constant 16 : i32
          %mul3A_245 = arith.muli %scan3A_113, %mul3A_244 : i32
          %swap3A_246 = arith.constant 14 : i32
          %swap3A_247 = arith.index_cast %swap3A_246 : i32 to index
          %swap3A_248 = arith.index_cast %mul3A_245 : i32 to index
          %swap3A_249 = tpu.vector_load %arg10[%swap3A_247, %swap3A_248] {strides = array<i32>} : memref<32x512xf32, #tpu.memory_space<vmem>>, vector<16xf32>,
          tpu.vector_store %arg10[%swap3A_247, %swap3A_248], %gather3A_243 {strides = array<i32>} : memref<32x512xf32, #tpu.memory_space<vmem>>, vector<16xf32>,
          %broadcast_in_dim3A_250 = arith.constant 15 : i32
          %broadcast_in_dim3A_251 = vector.broadcast %broadcast_in_dim3A_250 : i32 to vector<16xi32>
          %gather3A_252 = tpu.vector_load_idx %arg6[%add3A_117, %broadcast_in_dim3A_251] : memref<512x32xf32, #tpu.memory_space<vmem>>[vector<16xi32>, vector<16xi32>], vector<16xf32>,
          %mul3A_253 = arith.constant 16 : i32
          %mul3A_254 = arith.muli %scan3A_113, %mul3A_253 : i32
          %swap3A_255 = arith.constant 15 : i32
          %swap3A_256 = arith.index_cast %swap3A_255 : i32 to index
          %swap3A_257 = arith.index_cast %mul3A_254 : i32 to index
          %swap3A_258 = tpu.vector_load %arg10[%swap3A_256, %swap3A_257] {strides = array<i32>} : memref<32x512xf32, #tpu.memory_space<vmem>>, vector<16xf32>,
          tpu.vector_store %arg10[%swap3A_256, %swap3A_257], %gather3A_252 {strides = array<i32>} : memref<32x512xf32, #tpu.memory_space<vmem>>, vector<16xf32>,
          %broadcast_in_dim3A_259 = arith.constant 16 : i32
          %broadcast_in_dim3A_260 = vector.broadcast %broadcast_in_dim3A_259 : i32 to vector<16xi32>
          %gather3A_261 = tpu.vector_load_idx %arg6[%add3A_117, %broadcast_in_dim3A_260] : memref<512x32xf32, #tpu.memory_space<vmem>>[vector<16xi32>, vector<16xi32>], vector<16xf32>,
          %mul3A_262 = arith.constant 16 : i32
          %mul3A_263 = arith.muli %scan3A_113, %mul3A_262 : i32
          %swap3A_264 = arith.constant 16 : i32
          %swap3A_265 = arith.index_cast %swap3A_264 : i32 to index
          %swap3A_266 = arith.index_cast %mul3A_263 : i32 to index
          %swap3A_267 = tpu.vector_load %arg10[%swap3A_265, %swap3A_266] {strides = array<i32>} : memref<32x512xf32, #tpu.memory_space<vmem>>, vector<16xf32>,
          tpu.vector_store %arg10[%swap3A_265, %swap3A_266], %gather3A_261 {strides = array<i32>} : memref<32x512xf32, #tpu.memory_space<vmem>>, vector<16xf32>,
          %broadcast_in_dim3A_268 = arith.constant 17 : i32
          %broadcast_in_dim3A_269 = vector.broadcast %broadcast_in_dim3A_268 : i32 to vector<16xi32>
          %gather3A_270 = tpu.vector_load_idx %arg6[%add3A_117, %broadcast_in_dim3A_269] : memref<512x32xf32, #tpu.memory_space<vmem>>[vector<16xi32>, vector<16xi32>], vector<16xf32>,
          %mul3A_271 = arith.constant 16 : i32
          %mul3A_272 = arith.muli %scan3A_113, %mul3A_271 : i32
          %swap3A_273 = arith.constant 17 : i32
          %swap3A_274 = arith.index_cast %swap3A_273 : i32 to index
          %swap3A_275 = arith.index_cast %mul3A_272 : i32 to index
          %swap3A_276 = tpu.vector_load %arg10[%swap3A_274, %swap3A_275] {strides = array<i32>} : memref<32x512xf32, #tpu.memory_space<vmem>>, vector<16xf32>,
          tpu.vector_store %arg10[%swap3A_274, %swap3A_275], %gather3A_270 {strides = array<i32>} : memref<32x512xf32, #tpu.memory_space<vmem>>, vector<16xf32>,
          %broadcast_in_dim3A_277 = arith.constant 18 : i32
          %broadcast_in_dim3A_278 = vector.broadcast %broadcast_in_dim3A_277 : i32 to vector<16xi32>
          %gather3A_279 = tpu.vector_load_idx %arg6[%add3A_117, %broadcast_in_dim3A_278] : memref<512x32xf32, #tpu.memory_space<vmem>>[vector<16xi32>, vector<16xi32>], vector<16xf32>,
          %mul3A_280 = arith.constant 16 : i32
          %mul3A_281 = arith.muli %scan3A_113, %mul3A_280 : i32
          %swap3A_282 = arith.constant 18 : i32
          %swap3A_283 = arith.index_cast %swap3A_282 : i32 to index
          %swap3A_284 = arith.index_cast %mul3A_281 : i32 to index
          %swap3A_285 = tpu.vector_load %arg10[%swap3A_283, %swap3A_284] {strides = array<i32>} : memref<32x512xf32, #tpu.memory_space<vmem>>, vector<16xf32>,
          tpu.vector_store %arg10[%swap3A_283, %swap3A_284], %gather3A_279 {strides = array<i32>} : memref<32x512xf32, #tpu.memory_space<vmem>>, vector<16xf32>,
          %broadcast_in_dim3A_286 = arith.constant 19 : i32
          %broadcast_in_dim3A_287 = vector.broadcast %broadcast_in_dim3A_286 : i32 to vector<16xi32>
          %gather3A_288 = tpu.vector_load_idx %arg6[%add3A_117, %broadcast_in_dim3A_287] : memref<512x32xf32, #tpu.memory_space<vmem>>[vector<16xi32>, vector<16xi32>], vector<16xf32>,
          %mul3A_289 = arith.constant 16 : i32
          %mul3A_290 = arith.muli %scan3A_113, %mul3A_289 : i32
          %swap3A_291 = arith.constant 19 : i32
          %swap3A_292 = arith.index_cast %swap3A_291 : i32 to index
          %swap3A_293 = arith.index_cast %mul3A_290 : i32 to index
          %swap3A_294 = tpu.vector_load %arg10[%swap3A_292, %swap3A_293] {strides = array<i32>} : memref<32x512xf32, #tpu.memory_space<vmem>>, vector<16xf32>,
          tpu.vector_store %arg10[%swap3A_292, %swap3A_293], %gather3A_288 {strides = array<i32>} : memref<32x512xf32, #tpu.memory_space<vmem>>, vector<16xf32>,
          %broadcast_in_dim3A_295 = arith.constant 20 : i32
          %broadcast_in_dim3A_296 = vector.broadcast %broadcast_in_dim3A_295 : i32 to vector<16xi32>
          %gather3A_297 = tpu.vector_load_idx %arg6[%add3A_117, %broadcast_in_dim3A_296] : memref<512x32xf32, #tpu.memory_space<vmem>>[vector<16xi32>, vector<16xi32>], vector<16xf32>,
          %mul3A_298 = arith.constant 16 : i32
          %mul3A_299 = arith.muli %scan3A_113, %mul3A_298 : i32
          %swap3A_300 = arith.constant 20 : i32
          %swap3A_301 = arith.index_cast %swap3A_300 : i32 to index
          %swap3A_302 = arith.index_cast %mul3A_299 : i32 to index
          %swap3A_303 = tpu.vector_load %arg10[%swap3A_301, %swap3A_302] {strides = array<i32>} : memref<32x512xf32, #tpu.memory_space<vmem>>, vector<16xf32>,
          tpu.vector_store %arg10[%swap3A_301, %swap3A_302], %gather3A_297 {strides = array<i32>} : memref<32x512xf32, #tpu.memory_space<vmem>>, vector<16xf32>,
          %broadcast_in_dim3A_304 = arith.constant 21 : i32
          %broadcast_in_dim3A_305 = vector.broadcast %broadcast_in_dim3A_304 : i32 to vector<16xi32>
          %gather3A_306 = tpu.vector_load_idx %arg6[%add3A_117, %broadcast_in_dim3A_305] : memref<512x32xf32, #tpu.memory_space<vmem>>[vector<16xi32>, vector<16xi32>], vector<16xf32>,
          %mul3A_307 = arith.constant 16 : i32
          %mul3A_308 = arith.muli %scan3A_113, %mul3A_307 : i32
          %swap3A_309 = arith.constant 21 : i32
          %swap3A_310 = arith.index_cast %swap3A_309 : i32 to index
          %swap3A_311 = arith.index_cast %mul3A_308 : i32 to index
          %swap3A_312 = tpu.vector_load %arg10[%swap3A_310, %swap3A_311] {strides = array<i32>} : memref<32x512xf32, #tpu.memory_space<vmem>>, vector<16xf32>,
          tpu.vector_store %arg10[%swap3A_310, %swap3A_311], %gather3A_306 {strides = array<i32>} : memref<32x512xf32, #tpu.memory_space<vmem>>, vector<16xf32>,
          %broadcast_in_dim3A_313 = arith.constant 22 : i32
          %broadcast_in_dim3A_314 = vector.broadcast %broadcast_in_dim3A_313 : i32 to vector<16xi32>
          %gather3A_315 = tpu.vector_load_idx %arg6[%add3A_117, %broadcast_in_dim3A_314] : memref<512x32xf32, #tpu.memory_space<vmem>>[vector<16xi32>, vector<16xi32>], vector<16xf32>,
          %mul3A_316 = arith.constant 16 : i32
          %mul3A_317 = arith.muli %scan3A_113, %mul3A_316 : i32
          %swap3A_318 = arith.constant 22 : i32
          %swap3A_319 = arith.index_cast %swap3A_318 : i32 to index
          %swap3A_320 = arith.index_cast %mul3A_317 : i32 to index
          %swap3A_321 = tpu.vector_load %arg10[%swap3A_319, %swap3A_320] {strides = array<i32>} : memref<32x512xf32, #tpu.memory_space<vmem>>, vector<16xf32>,
          tpu.vector_store %arg10[%swap3A_319, %swap3A_320], %gather3A_315 {strides = array<i32>} : memref<32x512xf32, #tpu.memory_space<vmem>>, vector<16xf32>,
          %broadcast_in_dim3A_322 = arith.constant 23 : i32
          %broadcast_in_dim3A_323 = vector.broadcast %broadcast_in_dim3A_322 : i32 to vector<16xi32>
          %gather3A_324 = tpu.vector_load_idx %arg6[%add3A_117, %broadcast_in_dim3A_323] : memref<512x32xf32, #tpu.memory_space<vmem>>[vector<16xi32>, vector<16xi32>], vector<16xf32>,
          %mul3A_325 = arith.constant 16 : i32
          %mul3A_326 = arith.muli %scan3A_113, %mul3A_325 : i32
          %swap3A_327 = arith.constant 23 : i32
          %swap3A_328 = arith.index_cast %swap3A_327 : i32 to index
          %swap3A_329 = arith.index_cast %mul3A_326 : i32 to index
          %swap3A_330 = tpu.vector_load %arg10[%swap3A_328, %swap3A_329] {strides = array<i32>} : memref<32x512xf32, #tpu.memory_space<vmem>>, vector<16xf32>,
          tpu.vector_store %arg10[%swap3A_328, %swap3A_329], %gather3A_324 {strides = array<i32>} : memref<32x512xf32, #tpu.memory_space<vmem>>, vector<16xf32>,
          %broadcast_in_dim3A_331 = arith.constant 24 : i32
          %broadcast_in_dim3A_332 = vector.broadcast %broadcast_in_dim3A_331 : i32 to vector<16xi32>
          %gather3A_333 = tpu.vector_load_idx %arg6[%add3A_117, %broadcast_in_dim3A_332] : memref<512x32xf32, #tpu.memory_space<vmem>>[vector<16xi32>, vector<16xi32>], vector<16xf32>,
          %mul3A_334 = arith.constant 16 : i32
          %mul3A_335 = arith.muli %scan3A_113, %mul3A_334 : i32
          %swap3A_336 = arith.constant 24 : i32
          %swap3A_337 = arith.index_cast %swap3A_336 : i32 to index
          %swap3A_338 = arith.index_cast %mul3A_335 : i32 to index
          %swap3A_339 = tpu.vector_load %arg10[%swap3A_337, %swap3A_338] {strides = array<i32>} : memref<32x512xf32, #tpu.memory_space<vmem>>, vector<16xf32>,
          tpu.vector_store %arg10[%swap3A_337, %swap3A_338], %gather3A_333 {strides = array<i32>} : memref<32x512xf32, #tpu.memory_space<vmem>>, vector<16xf32>,
          %broadcast_in_dim3A_340 = arith.constant 25 : i32
          %broadcast_in_dim3A_341 = vector.broadcast %broadcast_in_dim3A_340 : i32 to vector<16xi32>
          %gather3A_342 = tpu.vector_load_idx %arg6[%add3A_117, %broadcast_in_dim3A_341] : memref<512x32xf32, #tpu.memory_space<vmem>>[vector<16xi32>, vector<16xi32>], vector<16xf32>,
          %mul3A_343 = arith.constant 16 : i32
          %mul3A_344 = arith.muli %scan3A_113, %mul3A_343 : i32
          %swap3A_345 = arith.constant 25 : i32
          %swap3A_346 = arith.index_cast %swap3A_345 : i32 to index
          %swap3A_347 = arith.index_cast %mul3A_344 : i32 to index
          %swap3A_348 = tpu.vector_load %arg10[%swap3A_346, %swap3A_347] {strides = array<i32>} : memref<32x512xf32, #tpu.memory_space<vmem>>, vector<16xf32>,
          tpu.vector_store %arg10[%swap3A_346, %swap3A_347], %gather3A_342 {strides = array<i32>} : memref<32x512xf32, #tpu.memory_space<vmem>>, vector<16xf32>,
          %broadcast_in_dim3A_349 = arith.constant 26 : i32
          %broadcast_in_dim3A_350 = vector.broadcast %broadcast_in_dim3A_349 : i32 to vector<16xi32>
          %gather3A_351 = tpu.vector_load_idx %arg6[%add3A_117, %broadcast_in_dim3A_350] : memref<512x32xf32, #tpu.memory_space<vmem>>[vector<16xi32>, vector<16xi32>], vector<16xf32>,
          %mul3A_352 = arith.constant 16 : i32
          %mul3A_353 = arith.muli %scan3A_113, %mul3A_352 : i32
          %swap3A_354 = arith.constant 26 : i32
          %swap3A_355 = arith.index_cast %swap3A_354 : i32 to index
          %swap3A_356 = arith.index_cast %mul3A_353 : i32 to index
          %swap3A_357 = tpu.vector_load %arg10[%swap3A_355, %swap3A_356] {strides = array<i32>} : memref<32x512xf32, #tpu.memory_space<vmem>>, vector<16xf32>,
          tpu.vector_store %arg10[%swap3A_355, %swap3A_356], %gather3A_351 {strides = array<i32>} : memref<32x512xf32, #tpu.memory_space<vmem>>, vector<16xf32>,
          %broadcast_in_dim3A_358 = arith.constant 27 : i32
          %broadcast_in_dim3A_359 = vector.broadcast %broadcast_in_dim3A_358 : i32 to vector<16xi32>
          %gather3A_360 = tpu.vector_load_idx %arg6[%add3A_117, %broadcast_in_dim3A_359] : memref<512x32xf32, #tpu.memory_space<vmem>>[vector<16xi32>, vector<16xi32>], vector<16xf32>,
          %mul3A_361 = arith.constant 16 : i32
          %mul3A_362 = arith.muli %scan3A_113, %mul3A_361 : i32
          %swap3A_363 = arith.constant 27 : i32
          %swap3A_364 = arith.index_cast %swap3A_363 : i32 to index
          %swap3A_365 = arith.index_cast %mul3A_362 : i32 to index
          %swap3A_366 = tpu.vector_load %arg10[%swap3A_364, %swap3A_365] {strides = array<i32>} : memref<32x512xf32, #tpu.memory_space<vmem>>, vector<16xf32>,
          tpu.vector_store %arg10[%swap3A_364, %swap3A_365], %gather3A_360 {strides = array<i32>} : memref<32x512xf32, #tpu.memory_space<vmem>>, vector<16xf32>,
          %broadcast_in_dim3A_367 = arith.constant 28 : i32
          %broadcast_in_dim3A_368 = vector.broadcast %broadcast_in_dim3A_367 : i32 to vector<16xi32>
          %gather3A_369 = tpu.vector_load_idx %arg6[%add3A_117, %broadcast_in_dim3A_368] : memref<512x32xf32, #tpu.memory_space<vmem>>[vector<16xi32>, vector<16xi32>], vector<16xf32>,
          %mul3A_370 = arith.constant 16 : i32
          %mul3A_371 = arith.muli %scan3A_113, %mul3A_370 : i32
          %swap3A_372 = arith.constant 28 : i32
          %swap3A_373 = arith.index_cast %swap3A_372 : i32 to index
          %swap3A_374 = arith.index_cast %mul3A_371 : i32 to index
          %swap3A_375 = tpu.vector_load %arg10[%swap3A_373, %swap3A_374] {strides = array<i32>} : memref<32x512xf32, #tpu.memory_space<vmem>>, vector<16xf32>,
          tpu.vector_store %arg10[%swap3A_373, %swap3A_374], %gather3A_369 {strides = array<i32>} : memref<32x512xf32, #tpu.memory_space<vmem>>, vector<16xf32>,
          %broadcast_in_dim3A_376 = arith.constant 29 : i32
          %broadcast_in_dim3A_377 = vector.broadcast %broadcast_in_dim3A_376 : i32 to vector<16xi32>
          %gather3A_378 = tpu.vector_load_idx %arg6[%add3A_117, %broadcast_in_dim3A_377] : memref<512x32xf32, #tpu.memory_space<vmem>>[vector<16xi32>, vector<16xi32>], vector<16xf32>,
          %mul3A_379 = arith.constant 16 : i32
          %mul3A_380 = arith.muli %scan3A_113, %mul3A_379 : i32
          %swap3A_381 = arith.constant 29 : i32
          %swap3A_382 = arith.index_cast %swap3A_381 : i32 to index
          %swap3A_383 = arith.index_cast %mul3A_380 : i32 to index
          %swap3A_384 = tpu.vector_load %arg10[%swap3A_382, %swap3A_383] {strides = array<i32>} : memref<32x512xf32, #tpu.memory_space<vmem>>, vector<16xf32>,
          tpu.vector_store %arg10[%swap3A_382, %swap3A_383], %gather3A_378 {strides = array<i32>} : memref<32x512xf32, #tpu.memory_space<vmem>>, vector<16xf32>,
          %broadcast_in_dim3A_385 = arith.constant 30 : i32
          %broadcast_in_dim3A_386 = vector.broadcast %broadcast_in_dim3A_385 : i32 to vector<16xi32>
          %gather3A_387 = tpu.vector_load_idx %arg6[%add3A_117, %broadcast_in_dim3A_386] : memref<512x32xf32, #tpu.memory_space<vmem>>[vector<16xi32>, vector<16xi32>], vector<16xf32>,
          %mul3A_388 = arith.constant 16 : i32
          %mul3A_389 = arith.muli %scan3A_113, %mul3A_388 : i32
          %swap3A_390 = arith.constant 30 : i32
          %swap3A_391 = arith.index_cast %swap3A_390 : i32 to index
          %swap3A_392 = arith.index_cast %mul3A_389 : i32 to index
          %swap3A_393 = tpu.vector_load %arg10[%swap3A_391, %swap3A_392] {strides = array<i32>} : memref<32x512xf32, #tpu.memory_space<vmem>>, vector<16xf32>,
          tpu.vector_store %arg10[%swap3A_391, %swap3A_392], %gather3A_387 {strides = array<i32>} : memref<32x512xf32, #tpu.memory_space<vmem>>, vector<16xf32>,
          %broadcast_in_dim3A_394 = arith.constant 31 : i32
          %broadcast_in_dim3A_395 = vector.broadcast %broadcast_in_dim3A_394 : i32 to vector<16xi32>
          %gather3A_396 = tpu.vector_load_idx %arg6[%add3A_117, %broadcast_in_dim3A_395] : memref<512x32xf32, #tpu.memory_space<vmem>>[vector<16xi32>, vector<16xi32>], vector<16xf32>,
          %mul3A_397 = arith.constant 16 : i32
          %mul3A_398 = arith.muli %scan3A_113, %mul3A_397 : i32
          %swap3A_399 = arith.constant 31 : i32
          %swap3A_400 = arith.index_cast %swap3A_399 : i32 to index
          %swap3A_401 = arith.index_cast %mul3A_398 : i32 to index
          %swap3A_402 = tpu.vector_load %arg10[%swap3A_400, %swap3A_401] {strides = array<i32>} : memref<32x512xf32, #tpu.memory_space<vmem>>, vector<16xf32>,
          tpu.vector_store %arg10[%swap3A_400, %swap3A_401], %gather3A_396 {strides = array<i32>} : memref<32x512xf32, #tpu.memory_space<vmem>>, vector<16xf32>,
        }
        %scan3A_99 = arith.constant 32 : i32
        %dma_start3A_100 = arith.constant 0 : i32
        %dma_start3A_101 = tpu.memref_slice %arg4[%add3A_60, %dma_start3A_100, %mul3A_2] : memref<50x32x16384xf32, #tpu.memory_space<hbm>> -> memref<1x32x512xf32, #tpu.memory_space<hbm>>
        %dma_start3A_102 = tpu.memref_squeeze %dma_start3A_101 : memref<1x32x512xf32, #tpu.memory_space<hbm>> -> memref<32x512xf32, #tpu.memory_space<hbm>>
        %dma_start3A_103 = arith.constant 0 : i32
        %dma_start3A_104 = tpu.memref_slice %arg4[%add3A_60, %dma_start3A_103, %mul3A_2] : memref<50x32x16384xf32, #tpu.memory_space<hbm>> -> memref<1x32x512xf32, #tpu.memory_space<hbm>>
        %dma_start3A_105 = tpu.memref_squeeze %dma_start3A_104 : memref<1x32x512xf32, #tpu.memory_space<hbm>> -> memref<32x512xf32, #tpu.memory_space<hbm>>
        tpu.enqueue_dma source(%arg10 : memref<32x512xf32, #tpu.memory_space<vmem>>) target(%dma_start3A_105 : memref<32x512xf32, #tpu.memory_space<hbm>>) target_semaphore(%arg17 : memref<!tpu.dma_semaphore, #tpu.memory_space<semaphore_mem>>)
        %add3A_106 = arith.constant 4 : i32
        %add3A_107 = arith.addi %add3A_60, %add3A_106 : i32
        %lt3A_108 = arith.constant 50 : i32
        %lt3A_109 = arith.cmpi slt, %add3A_107, %lt3A_108 : i32
        %convert_element_type3A_110 = arith.extui %lt3A_109 : i1 to i32
        %cond3A_111 = arith.constant 0 : i32
        %cond3A_112 = arith.cmpi ne, %convert_element_type3A_110, %cond3A_111 : i32
        scf.if %cond3A_112 {
          %add3A_113 = arith.constant 4 : i32
          %add3A_114 = arith.addi %add3A_60, %add3A_113 : i32
          %dma_start3A_115 = arith.constant 0 : i32
          %dma_start3A_116 = tpu.memref_slice %arg5[%add3A_114, %dma_start3A_115] : memref<50x512xi32, #tpu.memory_space<vmem>> -> memref<1x512xi32, #tpu.memory_space<vmem>>
          %dma_start3A_117 = tpu.memref_squeeze %dma_start3A_116 : memref<1x512xi32, #tpu.memory_space<vmem>> -> memref<512xi32, #tpu.memory_space<vmem>>
          %dma_start3A_118 = arith.constant 0 : i32
          %dma_start3A_119 = arith.constant 0 : i32
          %dma_start3A_120 = tpu.memref_slice %arg2[%dma_start3A_118, %dma_start3A_119] : memref<1000000x32xf32, #tpu.memory_space<hbm>> -> memref<1000000x32xf32, #tpu.memory_space<hbm>>
          tpu.enqueue_indirect_dma source(%dma_start3A_120 : memref<1000000x32xf32, #tpu.memory_space<hbm>>) target(%arg6 : memref<512x32xf32, #tpu.memory_space<vmem>>) offsets(%dma_start3A_117 : memref<512xi32, #tpu.memory_space<vmem>>) semaphore(%arg13 : memref<!tpu.dma_semaphore, #tpu.memory_space<semaphore_mem>>)
        } else {
        }
      } else {
      }
      %add3A_63 = arith.constant 1 : i32
      %add3A_64 = arith.addi %mul3A_58, %add3A_63 : i32
      %lt3A_65 = arith.constant 50 : i32
      %lt3A_66 = arith.cmpi slt, %add3A_64, %lt3A_65 : i32
      %convert_element_type3A_67 = arith.extui %lt3A_66 : i1 to i32
      %cond3A_68 = arith.constant 0 : i32
      %cond3A_69 = arith.cmpi ne, %convert_element_type3A_67, %cond3A_68 : i32
      scf.if %cond3A_69 {
        %dma_wait3A_84 = arith.constant 0 : i32
        %dma_wait3A_85 = tpu.memref_slice %arg5[%add3A_64, %dma_wait3A_84] : memref<50x512xi32, #tpu.memory_space<vmem>> -> memref<1x512xi32, #tpu.memory_space<vmem>>
        %dma_wait3A_86 = tpu.memref_squeeze %dma_wait3A_85 : memref<1x512xi32, #tpu.memory_space<vmem>> -> memref<512xi32, #tpu.memory_space<vmem>>
        %dma_wait3A_87 = arith.constant 0 : i32
        %dma_wait3A_88 = arith.constant 0 : i32
        %dma_wait3A_89 = tpu.memref_slice %arg2[%dma_wait3A_87, %dma_wait3A_88] : memref<1000000x32xf32, #tpu.memory_space<hbm>> -> memref<1000000x32xf32, #tpu.memory_space<hbm>>
        tpu.wait_indirect_dma semaphore(%arg14 : memref<!tpu.dma_semaphore, #tpu.memory_space<semaphore_mem>>) src(%dma_wait3A_89 : memref<1000000x32xf32, #tpu.memory_space<hbm>>) dst(%arg7 : memref<512x32xf32, #tpu.memory_space<vmem>>)
        %ge3A = arith.constant 2 : i32
        %ge3A_90 = arith.cmpi sge, %add3A_64, %ge3A : i32
        %convert_element_type3A_91 = arith.extui %ge3A_90 : i1 to i32
        %cond3A_92 = arith.constant 0 : i32
        %cond3A_93 = arith.cmpi ne, %convert_element_type3A_91, %cond3A_92 : i32
        scf.if %cond3A_93 {
          %sub3A = arith.constant 2 : i32
          %sub3A_113 = arith.subi %add3A_64, %sub3A : i32
          %dma_wait3A_114 = arith.constant 0 : i32
          %dma_wait3A_115 = tpu.memref_slice %arg4[%sub3A_113, %dma_wait3A_114, %mul3A_2] : memref<50x32x16384xf32, #tpu.memory_space<hbm>> -> memref<1x32x512xf32, #tpu.memory_space<hbm>>
          %dma_wait3A_116 = tpu.memref_squeeze %dma_wait3A_115 : memref<1x32x512xf32, #tpu.memory_space<hbm>> -> memref<32x512xf32, #tpu.memory_space<hbm>>
          %dma_wait3A_117 = arith.constant 0 : i32
          %dma_wait3A_118 = tpu.memref_slice %arg4[%sub3A_113, %dma_wait3A_117, %mul3A_2] : memref<50x32x16384xf32, #tpu.memory_space<hbm>> -> memref<1x32x512xf32, #tpu.memory_space<hbm>>
          %dma_wait3A_119 = tpu.memref_squeeze %dma_wait3A_118 : memref<1x32x512xf32, #tpu.memory_space<hbm>> -> memref<32x512xf32, #tpu.memory_space<hbm>>
          tpu.wait_dma2 semaphore(%arg18 : memref<!tpu.dma_semaphore, #tpu.memory_space<semaphore_mem>>) src(%arg11 : memref<32x512xf32, #tpu.memory_space<vmem>>) dst(%dma_wait3A_119 : memref<32x512xf32, #tpu.memory_space<hbm>>)
        } else {
        }
        %scan3A_94 = arith.constant 0 : i32
        %scan3A_95 = arith.constant 0 : i32
        %scan3A_96 = arith.constant 32 : i32
        %scan3A_97 = arith.addi %scan3A_95, %scan3A_96 : i32
        %scan3A_98 = arith.constant 1 : i32
        scf.for %scan3A_113 = %scan3A_95 to %scan3A_97 step %scan3A_98  : i32 {
          %mul3A_114 = arith.constant 16 : i32
          %mul3A_115 = arith.muli %scan3A_113, %mul3A_114 : i32
          %iota3A = tpu.iota {dimensions = array<i32: 0>} : vector<16xi32>
          %add3A_116 = vector.broadcast %mul3A_115 : i32 to vector<16xi32>
          %add3A_117 = arith.addi %add3A_116, %iota3A : vector<16xi32>
          %broadcast_in_dim3A = arith.constant 0 : i32
          %broadcast_in_dim3A_118 = vector.broadcast %broadcast_in_dim3A : i32 to vector<16xi32>
          %gather3A = tpu.vector_load_idx %arg7[%add3A_117, %broadcast_in_dim3A_118] : memref<512x32xf32, #tpu.memory_space<vmem>>[vector<16xi32>, vector<16xi32>], vector<16xf32>,
          %mul3A_119 = arith.constant 16 : i32
          %mul3A_120 = arith.muli %scan3A_113, %mul3A_119 : i32
          %swap3A = arith.constant 0 : i32
          %swap3A_121 = arith.index_cast %swap3A : i32 to index
          %swap3A_122 = arith.index_cast %mul3A_120 : i32 to index
          %swap3A_123 = tpu.vector_load %arg11[%swap3A_121, %swap3A_122] {strides = array<i32>} : memref<32x512xf32, #tpu.memory_space<vmem>>, vector<16xf32>,
          tpu.vector_store %arg11[%swap3A_121, %swap3A_122], %gather3A {strides = array<i32>} : memref<32x512xf32, #tpu.memory_space<vmem>>, vector<16xf32>,
          %broadcast_in_dim3A_124 = arith.constant 1 : i32
          %broadcast_in_dim3A_125 = vector.broadcast %broadcast_in_dim3A_124 : i32 to vector<16xi32>
          %gather3A_126 = tpu.vector_load_idx %arg7[%add3A_117, %broadcast_in_dim3A_125] : memref<512x32xf32, #tpu.memory_space<vmem>>[vector<16xi32>, vector<16xi32>], vector<16xf32>,
          %mul3A_127 = arith.constant 16 : i32
          %mul3A_128 = arith.muli %scan3A_113, %mul3A_127 : i32
          %swap3A_129 = arith.constant 1 : i32
          %swap3A_130 = arith.index_cast %swap3A_129 : i32 to index
          %swap3A_131 = arith.index_cast %mul3A_128 : i32 to index
          %swap3A_132 = tpu.vector_load %arg11[%swap3A_130, %swap3A_131] {strides = array<i32>} : memref<32x512xf32, #tpu.memory_space<vmem>>, vector<16xf32>,
          tpu.vector_store %arg11[%swap3A_130, %swap3A_131], %gather3A_126 {strides = array<i32>} : memref<32x512xf32, #tpu.memory_space<vmem>>, vector<16xf32>,
          %broadcast_in_dim3A_133 = arith.constant 2 : i32
          %broadcast_in_dim3A_134 = vector.broadcast %broadcast_in_dim3A_133 : i32 to vector<16xi32>
          %gather3A_135 = tpu.vector_load_idx %arg7[%add3A_117, %broadcast_in_dim3A_134] : memref<512x32xf32, #tpu.memory_space<vmem>>[vector<16xi32>, vector<16xi32>], vector<16xf32>,
          %mul3A_136 = arith.constant 16 : i32
          %mul3A_137 = arith.muli %scan3A_113, %mul3A_136 : i32
          %swap3A_138 = arith.constant 2 : i32
          %swap3A_139 = arith.index_cast %swap3A_138 : i32 to index
          %swap3A_140 = arith.index_cast %mul3A_137 : i32 to index
          %swap3A_141 = tpu.vector_load %arg11[%swap3A_139, %swap3A_140] {strides = array<i32>} : memref<32x512xf32, #tpu.memory_space<vmem>>, vector<16xf32>,
          tpu.vector_store %arg11[%swap3A_139, %swap3A_140], %gather3A_135 {strides = array<i32>} : memref<32x512xf32, #tpu.memory_space<vmem>>, vector<16xf32>,
          %broadcast_in_dim3A_142 = arith.constant 3 : i32
          %broadcast_in_dim3A_143 = vector.broadcast %broadcast_in_dim3A_142 : i32 to vector<16xi32>
          %gather3A_144 = tpu.vector_load_idx %arg7[%add3A_117, %broadcast_in_dim3A_143] : memref<512x32xf32, #tpu.memory_space<vmem>>[vector<16xi32>, vector<16xi32>], vector<16xf32>,
          %mul3A_145 = arith.constant 16 : i32
          %mul3A_146 = arith.muli %scan3A_113, %mul3A_145 : i32
          %swap3A_147 = arith.constant 3 : i32
          %swap3A_148 = arith.index_cast %swap3A_147 : i32 to index
          %swap3A_149 = arith.index_cast %mul3A_146 : i32 to index
          %swap3A_150 = tpu.vector_load %arg11[%swap3A_148, %swap3A_149] {strides = array<i32>} : memref<32x512xf32, #tpu.memory_space<vmem>>, vector<16xf32>,
          tpu.vector_store %arg11[%swap3A_148, %swap3A_149], %gather3A_144 {strides = array<i32>} : memref<32x512xf32, #tpu.memory_space<vmem>>, vector<16xf32>,
          %broadcast_in_dim3A_151 = arith.constant 4 : i32
          %broadcast_in_dim3A_152 = vector.broadcast %broadcast_in_dim3A_151 : i32 to vector<16xi32>
          %gather3A_153 = tpu.vector_load_idx %arg7[%add3A_117, %broadcast_in_dim3A_152] : memref<512x32xf32, #tpu.memory_space<vmem>>[vector<16xi32>, vector<16xi32>], vector<16xf32>,
          %mul3A_154 = arith.constant 16 : i32
          %mul3A_155 = arith.muli %scan3A_113, %mul3A_154 : i32
          %swap3A_156 = arith.constant 4 : i32
          %swap3A_157 = arith.index_cast %swap3A_156 : i32 to index
          %swap3A_158 = arith.index_cast %mul3A_155 : i32 to index
          %swap3A_159 = tpu.vector_load %arg11[%swap3A_157, %swap3A_158] {strides = array<i32>} : memref<32x512xf32, #tpu.memory_space<vmem>>, vector<16xf32>,
          tpu.vector_store %arg11[%swap3A_157, %swap3A_158], %gather3A_153 {strides = array<i32>} : memref<32x512xf32, #tpu.memory_space<vmem>>, vector<16xf32>,
          %broadcast_in_dim3A_160 = arith.constant 5 : i32
          %broadcast_in_dim3A_161 = vector.broadcast %broadcast_in_dim3A_160 : i32 to vector<16xi32>
          %gather3A_162 = tpu.vector_load_idx %arg7[%add3A_117, %broadcast_in_dim3A_161] : memref<512x32xf32, #tpu.memory_space<vmem>>[vector<16xi32>, vector<16xi32>], vector<16xf32>,
          %mul3A_163 = arith.constant 16 : i32
          %mul3A_164 = arith.muli %scan3A_113, %mul3A_163 : i32
          %swap3A_165 = arith.constant 5 : i32
          %swap3A_166 = arith.index_cast %swap3A_165 : i32 to index
          %swap3A_167 = arith.index_cast %mul3A_164 : i32 to index
          %swap3A_168 = tpu.vector_load %arg11[%swap3A_166, %swap3A_167] {strides = array<i32>} : memref<32x512xf32, #tpu.memory_space<vmem>>, vector<16xf32>,
          tpu.vector_store %arg11[%swap3A_166, %swap3A_167], %gather3A_162 {strides = array<i32>} : memref<32x512xf32, #tpu.memory_space<vmem>>, vector<16xf32>,
          %broadcast_in_dim3A_169 = arith.constant 6 : i32
          %broadcast_in_dim3A_170 = vector.broadcast %broadcast_in_dim3A_169 : i32 to vector<16xi32>
          %gather3A_171 = tpu.vector_load_idx %arg7[%add3A_117, %broadcast_in_dim3A_170] : memref<512x32xf32, #tpu.memory_space<vmem>>[vector<16xi32>, vector<16xi32>], vector<16xf32>,
          %mul3A_172 = arith.constant 16 : i32
          %mul3A_173 = arith.muli %scan3A_113, %mul3A_172 : i32
          %swap3A_174 = arith.constant 6 : i32
          %swap3A_175 = arith.index_cast %swap3A_174 : i32 to index
          %swap3A_176 = arith.index_cast %mul3A_173 : i32 to index
          %swap3A_177 = tpu.vector_load %arg11[%swap3A_175, %swap3A_176] {strides = array<i32>} : memref<32x512xf32, #tpu.memory_space<vmem>>, vector<16xf32>,
          tpu.vector_store %arg11[%swap3A_175, %swap3A_176], %gather3A_171 {strides = array<i32>} : memref<32x512xf32, #tpu.memory_space<vmem>>, vector<16xf32>,
          %broadcast_in_dim3A_178 = arith.constant 7 : i32
          %broadcast_in_dim3A_179 = vector.broadcast %broadcast_in_dim3A_178 : i32 to vector<16xi32>
          %gather3A_180 = tpu.vector_load_idx %arg7[%add3A_117, %broadcast_in_dim3A_179] : memref<512x32xf32, #tpu.memory_space<vmem>>[vector<16xi32>, vector<16xi32>], vector<16xf32>,
          %mul3A_181 = arith.constant 16 : i32
          %mul3A_182 = arith.muli %scan3A_113, %mul3A_181 : i32
          %swap3A_183 = arith.constant 7 : i32
          %swap3A_184 = arith.index_cast %swap3A_183 : i32 to index
          %swap3A_185 = arith.index_cast %mul3A_182 : i32 to index
          %swap3A_186 = tpu.vector_load %arg11[%swap3A_184, %swap3A_185] {strides = array<i32>} : memref<32x512xf32, #tpu.memory_space<vmem>>, vector<16xf32>,
          tpu.vector_store %arg11[%swap3A_184, %swap3A_185], %gather3A_180 {strides = array<i32>} : memref<32x512xf32, #tpu.memory_space<vmem>>, vector<16xf32>,
          %broadcast_in_dim3A_187 = arith.constant 8 : i32
          %broadcast_in_dim3A_188 = vector.broadcast %broadcast_in_dim3A_187 : i32 to vector<16xi32>
          %gather3A_189 = tpu.vector_load_idx %arg7[%add3A_117, %broadcast_in_dim3A_188] : memref<512x32xf32, #tpu.memory_space<vmem>>[vector<16xi32>, vector<16xi32>], vector<16xf32>,
          %mul3A_190 = arith.constant 16 : i32
          %mul3A_191 = arith.muli %scan3A_113, %mul3A_190 : i32
          %swap3A_192 = arith.constant 8 : i32
          %swap3A_193 = arith.index_cast %swap3A_192 : i32 to index
          %swap3A_194 = arith.index_cast %mul3A_191 : i32 to index
          %swap3A_195 = tpu.vector_load %arg11[%swap3A_193, %swap3A_194] {strides = array<i32>} : memref<32x512xf32, #tpu.memory_space<vmem>>, vector<16xf32>,
          tpu.vector_store %arg11[%swap3A_193, %swap3A_194], %gather3A_189 {strides = array<i32>} : memref<32x512xf32, #tpu.memory_space<vmem>>, vector<16xf32>,
          %broadcast_in_dim3A_196 = arith.constant 9 : i32
          %broadcast_in_dim3A_197 = vector.broadcast %broadcast_in_dim3A_196 : i32 to vector<16xi32>
          %gather3A_198 = tpu.vector_load_idx %arg7[%add3A_117, %broadcast_in_dim3A_197] : memref<512x32xf32, #tpu.memory_space<vmem>>[vector<16xi32>, vector<16xi32>], vector<16xf32>,
          %mul3A_199 = arith.constant 16 : i32
          %mul3A_200 = arith.muli %scan3A_113, %mul3A_199 : i32
          %swap3A_201 = arith.constant 9 : i32
          %swap3A_202 = arith.index_cast %swap3A_201 : i32 to index
          %swap3A_203 = arith.index_cast %mul3A_200 : i32 to index
          %swap3A_204 = tpu.vector_load %arg11[%swap3A_202, %swap3A_203] {strides = array<i32>} : memref<32x512xf32, #tpu.memory_space<vmem>>, vector<16xf32>,
          tpu.vector_store %arg11[%swap3A_202, %swap3A_203], %gather3A_198 {strides = array<i32>} : memref<32x512xf32, #tpu.memory_space<vmem>>, vector<16xf32>,
          %broadcast_in_dim3A_205 = arith.constant 10 : i32
          %broadcast_in_dim3A_206 = vector.broadcast %broadcast_in_dim3A_205 : i32 to vector<16xi32>
          %gather3A_207 = tpu.vector_load_idx %arg7[%add3A_117, %broadcast_in_dim3A_206] : memref<512x32xf32, #tpu.memory_space<vmem>>[vector<16xi32>, vector<16xi32>], vector<16xf32>,
          %mul3A_208 = arith.constant 16 : i32
          %mul3A_209 = arith.muli %scan3A_113, %mul3A_208 : i32
          %swap3A_210 = arith.constant 10 : i32
          %swap3A_211 = arith.index_cast %swap3A_210 : i32 to index
          %swap3A_212 = arith.index_cast %mul3A_209 : i32 to index
          %swap3A_213 = tpu.vector_load %arg11[%swap3A_211, %swap3A_212] {strides = array<i32>} : memref<32x512xf32, #tpu.memory_space<vmem>>, vector<16xf32>,
          tpu.vector_store %arg11[%swap3A_211, %swap3A_212], %gather3A_207 {strides = array<i32>} : memref<32x512xf32, #tpu.memory_space<vmem>>, vector<16xf32>,
          %broadcast_in_dim3A_214 = arith.constant 11 : i32
          %broadcast_in_dim3A_215 = vector.broadcast %broadcast_in_dim3A_214 : i32 to vector<16xi32>
          %gather3A_216 = tpu.vector_load_idx %arg7[%add3A_117, %broadcast_in_dim3A_215] : memref<512x32xf32, #tpu.memory_space<vmem>>[vector<16xi32>, vector<16xi32>], vector<16xf32>,
          %mul3A_217 = arith.constant 16 : i32
          %mul3A_218 = arith.muli %scan3A_113, %mul3A_217 : i32
          %swap3A_219 = arith.constant 11 : i32
          %swap3A_220 = arith.index_cast %swap3A_219 : i32 to index
          %swap3A_221 = arith.index_cast %mul3A_218 : i32 to index
          %swap3A_222 = tpu.vector_load %arg11[%swap3A_220, %swap3A_221] {strides = array<i32>} : memref<32x512xf32, #tpu.memory_space<vmem>>, vector<16xf32>,
          tpu.vector_store %arg11[%swap3A_220, %swap3A_221], %gather3A_216 {strides = array<i32>} : memref<32x512xf32, #tpu.memory_space<vmem>>, vector<16xf32>,
          %broadcast_in_dim3A_223 = arith.constant 12 : i32
          %broadcast_in_dim3A_224 = vector.broadcast %broadcast_in_dim3A_223 : i32 to vector<16xi32>
          %gather3A_225 = tpu.vector_load_idx %arg7[%add3A_117, %broadcast_in_dim3A_224] : memref<512x32xf32, #tpu.memory_space<vmem>>[vector<16xi32>, vector<16xi32>], vector<16xf32>,
          %mul3A_226 = arith.constant 16 : i32
          %mul3A_227 = arith.muli %scan3A_113, %mul3A_226 : i32
          %swap3A_228 = arith.constant 12 : i32
          %swap3A_229 = arith.index_cast %swap3A_228 : i32 to index
          %swap3A_230 = arith.index_cast %mul3A_227 : i32 to index
          %swap3A_231 = tpu.vector_load %arg11[%swap3A_229, %swap3A_230] {strides = array<i32>} : memref<32x512xf32, #tpu.memory_space<vmem>>, vector<16xf32>,
          tpu.vector_store %arg11[%swap3A_229, %swap3A_230], %gather3A_225 {strides = array<i32>} : memref<32x512xf32, #tpu.memory_space<vmem>>, vector<16xf32>,
          %broadcast_in_dim3A_232 = arith.constant 13 : i32
          %broadcast_in_dim3A_233 = vector.broadcast %broadcast_in_dim3A_232 : i32 to vector<16xi32>
          %gather3A_234 = tpu.vector_load_idx %arg7[%add3A_117, %broadcast_in_dim3A_233] : memref<512x32xf32, #tpu.memory_space<vmem>>[vector<16xi32>, vector<16xi32>], vector<16xf32>,
          %mul3A_235 = arith.constant 16 : i32
          %mul3A_236 = arith.muli %scan3A_113, %mul3A_235 : i32
          %swap3A_237 = arith.constant 13 : i32
          %swap3A_238 = arith.index_cast %swap3A_237 : i32 to index
          %swap3A_239 = arith.index_cast %mul3A_236 : i32 to index
          %swap3A_240 = tpu.vector_load %arg11[%swap3A_238, %swap3A_239] {strides = array<i32>} : memref<32x512xf32, #tpu.memory_space<vmem>>, vector<16xf32>,
          tpu.vector_store %arg11[%swap3A_238, %swap3A_239], %gather3A_234 {strides = array<i32>} : memref<32x512xf32, #tpu.memory_space<vmem>>, vector<16xf32>,
          %broadcast_in_dim3A_241 = arith.constant 14 : i32
          %broadcast_in_dim3A_242 = vector.broadcast %broadcast_in_dim3A_241 : i32 to vector<16xi32>
          %gather3A_243 = tpu.vector_load_idx %arg7[%add3A_117, %broadcast_in_dim3A_242] : memref<512x32xf32, #tpu.memory_space<vmem>>[vector<16xi32>, vector<16xi32>], vector<16xf32>,
          %mul3A_244 = arith.constant 16 : i32
          %mul3A_245 = arith.muli %scan3A_113, %mul3A_244 : i32
          %swap3A_246 = arith.constant 14 : i32
          %swap3A_247 = arith.index_cast %swap3A_246 : i32 to index
          %swap3A_248 = arith.index_cast %mul3A_245 : i32 to index
          %swap3A_249 = tpu.vector_load %arg11[%swap3A_247, %swap3A_248] {strides = array<i32>} : memref<32x512xf32, #tpu.memory_space<vmem>>, vector<16xf32>,
          tpu.vector_store %arg11[%swap3A_247, %swap3A_248], %gather3A_243 {strides = array<i32>} : memref<32x512xf32, #tpu.memory_space<vmem>>, vector<16xf32>,
          %broadcast_in_dim3A_250 = arith.constant 15 : i32
          %broadcast_in_dim3A_251 = vector.broadcast %broadcast_in_dim3A_250 : i32 to vector<16xi32>
          %gather3A_252 = tpu.vector_load_idx %arg7[%add3A_117, %broadcast_in_dim3A_251] : memref<512x32xf32, #tpu.memory_space<vmem>>[vector<16xi32>, vector<16xi32>], vector<16xf32>,
          %mul3A_253 = arith.constant 16 : i32
          %mul3A_254 = arith.muli %scan3A_113, %mul3A_253 : i32
          %swap3A_255 = arith.constant 15 : i32
          %swap3A_256 = arith.index_cast %swap3A_255 : i32 to index
          %swap3A_257 = arith.index_cast %mul3A_254 : i32 to index
          %swap3A_258 = tpu.vector_load %arg11[%swap3A_256, %swap3A_257] {strides = array<i32>} : memref<32x512xf32, #tpu.memory_space<vmem>>, vector<16xf32>,
          tpu.vector_store %arg11[%swap3A_256, %swap3A_257], %gather3A_252 {strides = array<i32>} : memref<32x512xf32, #tpu.memory_space<vmem>>, vector<16xf32>,
          %broadcast_in_dim3A_259 = arith.constant 16 : i32
          %broadcast_in_dim3A_260 = vector.broadcast %broadcast_in_dim3A_259 : i32 to vector<16xi32>
          %gather3A_261 = tpu.vector_load_idx %arg7[%add3A_117, %broadcast_in_dim3A_260] : memref<512x32xf32, #tpu.memory_space<vmem>>[vector<16xi32>, vector<16xi32>], vector<16xf32>,
          %mul3A_262 = arith.constant 16 : i32
          %mul3A_263 = arith.muli %scan3A_113, %mul3A_262 : i32
          %swap3A_264 = arith.constant 16 : i32
          %swap3A_265 = arith.index_cast %swap3A_264 : i32 to index
          %swap3A_266 = arith.index_cast %mul3A_263 : i32 to index
          %swap3A_267 = tpu.vector_load %arg11[%swap3A_265, %swap3A_266] {strides = array<i32>} : memref<32x512xf32, #tpu.memory_space<vmem>>, vector<16xf32>,
          tpu.vector_store %arg11[%swap3A_265, %swap3A_266], %gather3A_261 {strides = array<i32>} : memref<32x512xf32, #tpu.memory_space<vmem>>, vector<16xf32>,
          %broadcast_in_dim3A_268 = arith.constant 17 : i32
          %broadcast_in_dim3A_269 = vector.broadcast %broadcast_in_dim3A_268 : i32 to vector<16xi32>
          %gather3A_270 = tpu.vector_load_idx %arg7[%add3A_117, %broadcast_in_dim3A_269] : memref<512x32xf32, #tpu.memory_space<vmem>>[vector<16xi32>, vector<16xi32>], vector<16xf32>,
          %mul3A_271 = arith.constant 16 : i32
          %mul3A_272 = arith.muli %scan3A_113, %mul3A_271 : i32
          %swap3A_273 = arith.constant 17 : i32
          %swap3A_274 = arith.index_cast %swap3A_273 : i32 to index
          %swap3A_275 = arith.index_cast %mul3A_272 : i32 to index
          %swap3A_276 = tpu.vector_load %arg11[%swap3A_274, %swap3A_275] {strides = array<i32>} : memref<32x512xf32, #tpu.memory_space<vmem>>, vector<16xf32>,
          tpu.vector_store %arg11[%swap3A_274, %swap3A_275], %gather3A_270 {strides = array<i32>} : memref<32x512xf32, #tpu.memory_space<vmem>>, vector<16xf32>,
          %broadcast_in_dim3A_277 = arith.constant 18 : i32
          %broadcast_in_dim3A_278 = vector.broadcast %broadcast_in_dim3A_277 : i32 to vector<16xi32>
          %gather3A_279 = tpu.vector_load_idx %arg7[%add3A_117, %broadcast_in_dim3A_278] : memref<512x32xf32, #tpu.memory_space<vmem>>[vector<16xi32>, vector<16xi32>], vector<16xf32>,
          %mul3A_280 = arith.constant 16 : i32
          %mul3A_281 = arith.muli %scan3A_113, %mul3A_280 : i32
          %swap3A_282 = arith.constant 18 : i32
          %swap3A_283 = arith.index_cast %swap3A_282 : i32 to index
          %swap3A_284 = arith.index_cast %mul3A_281 : i32 to index
          %swap3A_285 = tpu.vector_load %arg11[%swap3A_283, %swap3A_284] {strides = array<i32>} : memref<32x512xf32, #tpu.memory_space<vmem>>, vector<16xf32>,
          tpu.vector_store %arg11[%swap3A_283, %swap3A_284], %gather3A_279 {strides = array<i32>} : memref<32x512xf32, #tpu.memory_space<vmem>>, vector<16xf32>,
          %broadcast_in_dim3A_286 = arith.constant 19 : i32
          %broadcast_in_dim3A_287 = vector.broadcast %broadcast_in_dim3A_286 : i32 to vector<16xi32>
          %gather3A_288 = tpu.vector_load_idx %arg7[%add3A_117, %broadcast_in_dim3A_287] : memref<512x32xf32, #tpu.memory_space<vmem>>[vector<16xi32>, vector<16xi32>], vector<16xf32>,
          %mul3A_289 = arith.constant 16 : i32
          %mul3A_290 = arith.muli %scan3A_113, %mul3A_289 : i32
          %swap3A_291 = arith.constant 19 : i32
          %swap3A_292 = arith.index_cast %swap3A_291 : i32 to index
          %swap3A_293 = arith.index_cast %mul3A_290 : i32 to index
          %swap3A_294 = tpu.vector_load %arg11[%swap3A_292, %swap3A_293] {strides = array<i32>} : memref<32x512xf32, #tpu.memory_space<vmem>>, vector<16xf32>,
          tpu.vector_store %arg11[%swap3A_292, %swap3A_293], %gather3A_288 {strides = array<i32>} : memref<32x512xf32, #tpu.memory_space<vmem>>, vector<16xf32>,
          %broadcast_in_dim3A_295 = arith.constant 20 : i32
          %broadcast_in_dim3A_296 = vector.broadcast %broadcast_in_dim3A_295 : i32 to vector<16xi32>
          %gather3A_297 = tpu.vector_load_idx %arg7[%add3A_117, %broadcast_in_dim3A_296] : memref<512x32xf32, #tpu.memory_space<vmem>>[vector<16xi32>, vector<16xi32>], vector<16xf32>,
          %mul3A_298 = arith.constant 16 : i32
          %mul3A_299 = arith.muli %scan3A_113, %mul3A_298 : i32
          %swap3A_300 = arith.constant 20 : i32
          %swap3A_301 = arith.index_cast %swap3A_300 : i32 to index
          %swap3A_302 = arith.index_cast %mul3A_299 : i32 to index
          %swap3A_303 = tpu.vector_load %arg11[%swap3A_301, %swap3A_302] {strides = array<i32>} : memref<32x512xf32, #tpu.memory_space<vmem>>, vector<16xf32>,
          tpu.vector_store %arg11[%swap3A_301, %swap3A_302], %gather3A_297 {strides = array<i32>} : memref<32x512xf32, #tpu.memory_space<vmem>>, vector<16xf32>,
          %broadcast_in_dim3A_304 = arith.constant 21 : i32
          %broadcast_in_dim3A_305 = vector.broadcast %broadcast_in_dim3A_304 : i32 to vector<16xi32>
          %gather3A_306 = tpu.vector_load_idx %arg7[%add3A_117, %broadcast_in_dim3A_305] : memref<512x32xf32, #tpu.memory_space<vmem>>[vector<16xi32>, vector<16xi32>], vector<16xf32>,
          %mul3A_307 = arith.constant 16 : i32
          %mul3A_308 = arith.muli %scan3A_113, %mul3A_307 : i32
          %swap3A_309 = arith.constant 21 : i32
          %swap3A_310 = arith.index_cast %swap3A_309 : i32 to index
          %swap3A_311 = arith.index_cast %mul3A_308 : i32 to index
          %swap3A_312 = tpu.vector_load %arg11[%swap3A_310, %swap3A_311] {strides = array<i32>} : memref<32x512xf32, #tpu.memory_space<vmem>>, vector<16xf32>,
          tpu.vector_store %arg11[%swap3A_310, %swap3A_311], %gather3A_306 {strides = array<i32>} : memref<32x512xf32, #tpu.memory_space<vmem>>, vector<16xf32>,
          %broadcast_in_dim3A_313 = arith.constant 22 : i32
          %broadcast_in_dim3A_314 = vector.broadcast %broadcast_in_dim3A_313 : i32 to vector<16xi32>
          %gather3A_315 = tpu.vector_load_idx %arg7[%add3A_117, %broadcast_in_dim3A_314] : memref<512x32xf32, #tpu.memory_space<vmem>>[vector<16xi32>, vector<16xi32>], vector<16xf32>,
          %mul3A_316 = arith.constant 16 : i32
          %mul3A_317 = arith.muli %scan3A_113, %mul3A_316 : i32
          %swap3A_318 = arith.constant 22 : i32
          %swap3A_319 = arith.index_cast %swap3A_318 : i32 to index
          %swap3A_320 = arith.index_cast %mul3A_317 : i32 to index
          %swap3A_321 = tpu.vector_load %arg11[%swap3A_319, %swap3A_320] {strides = array<i32>} : memref<32x512xf32, #tpu.memory_space<vmem>>, vector<16xf32>,
          tpu.vector_store %arg11[%swap3A_319, %swap3A_320], %gather3A_315 {strides = array<i32>} : memref<32x512xf32, #tpu.memory_space<vmem>>, vector<16xf32>,
          %broadcast_in_dim3A_322 = arith.constant 23 : i32
          %broadcast_in_dim3A_323 = vector.broadcast %broadcast_in_dim3A_322 : i32 to vector<16xi32>
          %gather3A_324 = tpu.vector_load_idx %arg7[%add3A_117, %broadcast_in_dim3A_323] : memref<512x32xf32, #tpu.memory_space<vmem>>[vector<16xi32>, vector<16xi32>], vector<16xf32>,
          %mul3A_325 = arith.constant 16 : i32
          %mul3A_326 = arith.muli %scan3A_113, %mul3A_325 : i32
          %swap3A_327 = arith.constant 23 : i32
          %swap3A_328 = arith.index_cast %swap3A_327 : i32 to index
          %swap3A_329 = arith.index_cast %mul3A_326 : i32 to index
          %swap3A_330 = tpu.vector_load %arg11[%swap3A_328, %swap3A_329] {strides = array<i32>} : memref<32x512xf32, #tpu.memory_space<vmem>>, vector<16xf32>,
          tpu.vector_store %arg11[%swap3A_328, %swap3A_329], %gather3A_324 {strides = array<i32>} : memref<32x512xf32, #tpu.memory_space<vmem>>, vector<16xf32>,
          %broadcast_in_dim3A_331 = arith.constant 24 : i32
          %broadcast_in_dim3A_332 = vector.broadcast %broadcast_in_dim3A_331 : i32 to vector<16xi32>
          %gather3A_333 = tpu.vector_load_idx %arg7[%add3A_117, %broadcast_in_dim3A_332] : memref<512x32xf32, #tpu.memory_space<vmem>>[vector<16xi32>, vector<16xi32>], vector<16xf32>,
          %mul3A_334 = arith.constant 16 : i32
          %mul3A_335 = arith.muli %scan3A_113, %mul3A_334 : i32
          %swap3A_336 = arith.constant 24 : i32
          %swap3A_337 = arith.index_cast %swap3A_336 : i32 to index
          %swap3A_338 = arith.index_cast %mul3A_335 : i32 to index
          %swap3A_339 = tpu.vector_load %arg11[%swap3A_337, %swap3A_338] {strides = array<i32>} : memref<32x512xf32, #tpu.memory_space<vmem>>, vector<16xf32>,
          tpu.vector_store %arg11[%swap3A_337, %swap3A_338], %gather3A_333 {strides = array<i32>} : memref<32x512xf32, #tpu.memory_space<vmem>>, vector<16xf32>,
          %broadcast_in_dim3A_340 = arith.constant 25 : i32
          %broadcast_in_dim3A_341 = vector.broadcast %broadcast_in_dim3A_340 : i32 to vector<16xi32>
          %gather3A_342 = tpu.vector_load_idx %arg7[%add3A_117, %broadcast_in_dim3A_341] : memref<512x32xf32, #tpu.memory_space<vmem>>[vector<16xi32>, vector<16xi32>], vector<16xf32>,
          %mul3A_343 = arith.constant 16 : i32
          %mul3A_344 = arith.muli %scan3A_113, %mul3A_343 : i32
          %swap3A_345 = arith.constant 25 : i32
          %swap3A_346 = arith.index_cast %swap3A_345 : i32 to index
          %swap3A_347 = arith.index_cast %mul3A_344 : i32 to index
          %swap3A_348 = tpu.vector_load %arg11[%swap3A_346, %swap3A_347] {strides = array<i32>} : memref<32x512xf32, #tpu.memory_space<vmem>>, vector<16xf32>,
          tpu.vector_store %arg11[%swap3A_346, %swap3A_347], %gather3A_342 {strides = array<i32>} : memref<32x512xf32, #tpu.memory_space<vmem>>, vector<16xf32>,
          %broadcast_in_dim3A_349 = arith.constant 26 : i32
          %broadcast_in_dim3A_350 = vector.broadcast %broadcast_in_dim3A_349 : i32 to vector<16xi32>
          %gather3A_351 = tpu.vector_load_idx %arg7[%add3A_117, %broadcast_in_dim3A_350] : memref<512x32xf32, #tpu.memory_space<vmem>>[vector<16xi32>, vector<16xi32>], vector<16xf32>,
          %mul3A_352 = arith.constant 16 : i32
          %mul3A_353 = arith.muli %scan3A_113, %mul3A_352 : i32
          %swap3A_354 = arith.constant 26 : i32
          %swap3A_355 = arith.index_cast %swap3A_354 : i32 to index
          %swap3A_356 = arith.index_cast %mul3A_353 : i32 to index
          %swap3A_357 = tpu.vector_load %arg11[%swap3A_355, %swap3A_356] {strides = array<i32>} : memref<32x512xf32, #tpu.memory_space<vmem>>, vector<16xf32>,
          tpu.vector_store %arg11[%swap3A_355, %swap3A_356], %gather3A_351 {strides = array<i32>} : memref<32x512xf32, #tpu.memory_space<vmem>>, vector<16xf32>,
          %broadcast_in_dim3A_358 = arith.constant 27 : i32
          %broadcast_in_dim3A_359 = vector.broadcast %broadcast_in_dim3A_358 : i32 to vector<16xi32>
          %gather3A_360 = tpu.vector_load_idx %arg7[%add3A_117, %broadcast_in_dim3A_359] : memref<512x32xf32, #tpu.memory_space<vmem>>[vector<16xi32>, vector<16xi32>], vector<16xf32>,
          %mul3A_361 = arith.constant 16 : i32
          %mul3A_362 = arith.muli %scan3A_113, %mul3A_361 : i32
          %swap3A_363 = arith.constant 27 : i32
          %swap3A_364 = arith.index_cast %swap3A_363 : i32 to index
          %swap3A_365 = arith.index_cast %mul3A_362 : i32 to index
          %swap3A_366 = tpu.vector_load %arg11[%swap3A_364, %swap3A_365] {strides = array<i32>} : memref<32x512xf32, #tpu.memory_space<vmem>>, vector<16xf32>,
          tpu.vector_store %arg11[%swap3A_364, %swap3A_365], %gather3A_360 {strides = array<i32>} : memref<32x512xf32, #tpu.memory_space<vmem>>, vector<16xf32>,
          %broadcast_in_dim3A_367 = arith.constant 28 : i32
          %broadcast_in_dim3A_368 = vector.broadcast %broadcast_in_dim3A_367 : i32 to vector<16xi32>
          %gather3A_369 = tpu.vector_load_idx %arg7[%add3A_117, %broadcast_in_dim3A_368] : memref<512x32xf32, #tpu.memory_space<vmem>>[vector<16xi32>, vector<16xi32>], vector<16xf32>,
          %mul3A_370 = arith.constant 16 : i32
          %mul3A_371 = arith.muli %scan3A_113, %mul3A_370 : i32
          %swap3A_372 = arith.constant 28 : i32
          %swap3A_373 = arith.index_cast %swap3A_372 : i32 to index
          %swap3A_374 = arith.index_cast %mul3A_371 : i32 to index
          %swap3A_375 = tpu.vector_load %arg11[%swap3A_373, %swap3A_374] {strides = array<i32>} : memref<32x512xf32, #tpu.memory_space<vmem>>, vector<16xf32>,
          tpu.vector_store %arg11[%swap3A_373, %swap3A_374], %gather3A_369 {strides = array<i32>} : memref<32x512xf32, #tpu.memory_space<vmem>>, vector<16xf32>,
          %broadcast_in_dim3A_376 = arith.constant 29 : i32
          %broadcast_in_dim3A_377 = vector.broadcast %broadcast_in_dim3A_376 : i32 to vector<16xi32>
          %gather3A_378 = tpu.vector_load_idx %arg7[%add3A_117, %broadcast_in_dim3A_377] : memref<512x32xf32, #tpu.memory_space<vmem>>[vector<16xi32>, vector<16xi32>], vector<16xf32>,
          %mul3A_379 = arith.constant 16 : i32
          %mul3A_380 = arith.muli %scan3A_113, %mul3A_379 : i32
          %swap3A_381 = arith.constant 29 : i32
          %swap3A_382 = arith.index_cast %swap3A_381 : i32 to index
          %swap3A_383 = arith.index_cast %mul3A_380 : i32 to index
          %swap3A_384 = tpu.vector_load %arg11[%swap3A_382, %swap3A_383] {strides = array<i32>} : memref<32x512xf32, #tpu.memory_space<vmem>>, vector<16xf32>,
          tpu.vector_store %arg11[%swap3A_382, %swap3A_383], %gather3A_378 {strides = array<i32>} : memref<32x512xf32, #tpu.memory_space<vmem>>, vector<16xf32>,
          %broadcast_in_dim3A_385 = arith.constant 30 : i32
          %broadcast_in_dim3A_386 = vector.broadcast %broadcast_in_dim3A_385 : i32 to vector<16xi32>
          %gather3A_387 = tpu.vector_load_idx %arg7[%add3A_117, %broadcast_in_dim3A_386] : memref<512x32xf32, #tpu.memory_space<vmem>>[vector<16xi32>, vector<16xi32>], vector<16xf32>,
          %mul3A_388 = arith.constant 16 : i32
          %mul3A_389 = arith.muli %scan3A_113, %mul3A_388 : i32
          %swap3A_390 = arith.constant 30 : i32
          %swap3A_391 = arith.index_cast %swap3A_390 : i32 to index
          %swap3A_392 = arith.index_cast %mul3A_389 : i32 to index
          %swap3A_393 = tpu.vector_load %arg11[%swap3A_391, %swap3A_392] {strides = array<i32>} : memref<32x512xf32, #tpu.memory_space<vmem>>, vector<16xf32>,
          tpu.vector_store %arg11[%swap3A_391, %swap3A_392], %gather3A_387 {strides = array<i32>} : memref<32x512xf32, #tpu.memory_space<vmem>>, vector<16xf32>,
          %broadcast_in_dim3A_394 = arith.constant 31 : i32
          %broadcast_in_dim3A_395 = vector.broadcast %broadcast_in_dim3A_394 : i32 to vector<16xi32>
          %gather3A_396 = tpu.vector_load_idx %arg7[%add3A_117, %broadcast_in_dim3A_395] : memref<512x32xf32, #tpu.memory_space<vmem>>[vector<16xi32>, vector<16xi32>], vector<16xf32>,
          %mul3A_397 = arith.constant 16 : i32
          %mul3A_398 = arith.muli %scan3A_113, %mul3A_397 : i32
          %swap3A_399 = arith.constant 31 : i32
          %swap3A_400 = arith.index_cast %swap3A_399 : i32 to index
          %swap3A_401 = arith.index_cast %mul3A_398 : i32 to index
          %swap3A_402 = tpu.vector_load %arg11[%swap3A_400, %swap3A_401] {strides = array<i32>} : memref<32x512xf32, #tpu.memory_space<vmem>>, vector<16xf32>,
          tpu.vector_store %arg11[%swap3A_400, %swap3A_401], %gather3A_396 {strides = array<i32>} : memref<32x512xf32, #tpu.memory_space<vmem>>, vector<16xf32>,
        }
        %scan3A_99 = arith.constant 32 : i32
        %dma_start3A_100 = arith.constant 0 : i32
        %dma_start3A_101 = tpu.memref_slice %arg4[%add3A_64, %dma_start3A_100, %mul3A_2] : memref<50x32x16384xf32, #tpu.memory_space<hbm>> -> memref<1x32x512xf32, #tpu.memory_space<hbm>>
        %dma_start3A_102 = tpu.memref_squeeze %dma_start3A_101 : memref<1x32x512xf32, #tpu.memory_space<hbm>> -> memref<32x512xf32, #tpu.memory_space<hbm>>
        %dma_start3A_103 = arith.constant 0 : i32
        %dma_start3A_104 = tpu.memref_slice %arg4[%add3A_64, %dma_start3A_103, %mul3A_2] : memref<50x32x16384xf32, #tpu.memory_space<hbm>> -> memref<1x32x512xf32, #tpu.memory_space<hbm>>
        %dma_start3A_105 = tpu.memref_squeeze %dma_start3A_104 : memref<1x32x512xf32, #tpu.memory_space<hbm>> -> memref<32x512xf32, #tpu.memory_space<hbm>>
        tpu.enqueue_dma source(%arg11 : memref<32x512xf32, #tpu.memory_space<vmem>>) target(%dma_start3A_105 : memref<32x512xf32, #tpu.memory_space<hbm>>) target_semaphore(%arg18 : memref<!tpu.dma_semaphore, #tpu.memory_space<semaphore_mem>>)
        %add3A_106 = arith.constant 4 : i32
        %add3A_107 = arith.addi %add3A_64, %add3A_106 : i32
        %lt3A_108 = arith.constant 50 : i32
        %lt3A_109 = arith.cmpi slt, %add3A_107, %lt3A_108 : i32
        %convert_element_type3A_110 = arith.extui %lt3A_109 : i1 to i32
        %cond3A_111 = arith.constant 0 : i32
        %cond3A_112 = arith.cmpi ne, %convert_element_type3A_110, %cond3A_111 : i32
        scf.if %cond3A_112 {
          %add3A_113 = arith.constant 4 : i32
          %add3A_114 = arith.addi %add3A_64, %add3A_113 : i32
          %dma_start3A_115 = arith.constant 0 : i32
          %dma_start3A_116 = tpu.memref_slice %arg5[%add3A_114, %dma_start3A_115] : memref<50x512xi32, #tpu.memory_space<vmem>> -> memref<1x512xi32, #tpu.memory_space<vmem>>
          %dma_start3A_117 = tpu.memref_squeeze %dma_start3A_116 : memref<1x512xi32, #tpu.memory_space<vmem>> -> memref<512xi32, #tpu.memory_space<vmem>>
          %dma_start3A_118 = arith.constant 0 : i32
          %dma_start3A_119 = arith.constant 0 : i32
          %dma_start3A_120 = tpu.memref_slice %arg2[%dma_start3A_118, %dma_start3A_119] : memref<1000000x32xf32, #tpu.memory_space<hbm>> -> memref<1000000x32xf32, #tpu.memory_space<hbm>>
          tpu.enqueue_indirect_dma source(%dma_start3A_120 : memref<1000000x32xf32, #tpu.memory_space<hbm>>) target(%arg7 : memref<512x32xf32, #tpu.memory_space<vmem>>) offsets(%dma_start3A_117 : memref<512xi32, #tpu.memory_space<vmem>>) semaphore(%arg14 : memref<!tpu.dma_semaphore, #tpu.memory_space<semaphore_mem>>)
        } else {
        }
      } else {
      }
      %add3A_70 = arith.constant 2 : i32
      %add3A_71 = arith.addi %mul3A_58, %add3A_70 : i32
      %lt3A_72 = arith.constant 50 : i32
      %lt3A_73 = arith.cmpi slt, %add3A_71, %lt3A_72 : i32
      %convert_element_type3A_74 = arith.extui %lt3A_73 : i1 to i32
      %cond3A_75 = arith.constant 0 : i32
      %cond3A_76 = arith.cmpi ne, %convert_element_type3A_74, %cond3A_75 : i32
      scf.if %cond3A_76 {
        %dma_wait3A_84 = arith.constant 0 : i32
        %dma_wait3A_85 = tpu.memref_slice %arg5[%add3A_71, %dma_wait3A_84] : memref<50x512xi32, #tpu.memory_space<vmem>> -> memref<1x512xi32, #tpu.memory_space<vmem>>
        %dma_wait3A_86 = tpu.memref_squeeze %dma_wait3A_85 : memref<1x512xi32, #tpu.memory_space<vmem>> -> memref<512xi32, #tpu.memory_space<vmem>>
        %dma_wait3A_87 = arith.constant 0 : i32
        %dma_wait3A_88 = arith.constant 0 : i32
        %dma_wait3A_89 = tpu.memref_slice %arg2[%dma_wait3A_87, %dma_wait3A_88] : memref<1000000x32xf32, #tpu.memory_space<hbm>> -> memref<1000000x32xf32, #tpu.memory_space<hbm>>
        tpu.wait_indirect_dma semaphore(%arg15 : memref<!tpu.dma_semaphore, #tpu.memory_space<semaphore_mem>>) src(%dma_wait3A_89 : memref<1000000x32xf32, #tpu.memory_space<hbm>>) dst(%arg8 : memref<512x32xf32, #tpu.memory_space<vmem>>)
        %ge3A = arith.constant 2 : i32
        %ge3A_90 = arith.cmpi sge, %add3A_71, %ge3A : i32
        %convert_element_type3A_91 = arith.extui %ge3A_90 : i1 to i32
        %cond3A_92 = arith.constant 0 : i32
        %cond3A_93 = arith.cmpi ne, %convert_element_type3A_91, %cond3A_92 : i32
        scf.if %cond3A_93 {
          %sub3A = arith.constant 2 : i32
          %sub3A_113 = arith.subi %add3A_71, %sub3A : i32
          %dma_wait3A_114 = arith.constant 0 : i32
          %dma_wait3A_115 = tpu.memref_slice %arg4[%sub3A_113, %dma_wait3A_114, %mul3A_2] : memref<50x32x16384xf32, #tpu.memory_space<hbm>> -> memref<1x32x512xf32, #tpu.memory_space<hbm>>
          %dma_wait3A_116 = tpu.memref_squeeze %dma_wait3A_115 : memref<1x32x512xf32, #tpu.memory_space<hbm>> -> memref<32x512xf32, #tpu.memory_space<hbm>>
          %dma_wait3A_117 = arith.constant 0 : i32
          %dma_wait3A_118 = tpu.memref_slice %arg4[%sub3A_113, %dma_wait3A_117, %mul3A_2] : memref<50x32x16384xf32, #tpu.memory_space<hbm>> -> memref<1x32x512xf32, #tpu.memory_space<hbm>>
          %dma_wait3A_119 = tpu.memref_squeeze %dma_wait3A_118 : memref<1x32x512xf32, #tpu.memory_space<hbm>> -> memref<32x512xf32, #tpu.memory_space<hbm>>
          tpu.wait_dma2 semaphore(%arg17 : memref<!tpu.dma_semaphore, #tpu.memory_space<semaphore_mem>>) src(%arg10 : memref<32x512xf32, #tpu.memory_space<vmem>>) dst(%dma_wait3A_119 : memref<32x512xf32, #tpu.memory_space<hbm>>)
        } else {
        }
        %scan3A_94 = arith.constant 0 : i32
        %scan3A_95 = arith.constant 0 : i32
        %scan3A_96 = arith.constant 32 : i32
        %scan3A_97 = arith.addi %scan3A_95, %scan3A_96 : i32
        %scan3A_98 = arith.constant 1 : i32
        scf.for %scan3A_113 = %scan3A_95 to %scan3A_97 step %scan3A_98  : i32 {
          %mul3A_114 = arith.constant 16 : i32
          %mul3A_115 = arith.muli %scan3A_113, %mul3A_114 : i32
          %iota3A = tpu.iota {dimensions = array<i32: 0>} : vector<16xi32>
          %add3A_116 = vector.broadcast %mul3A_115 : i32 to vector<16xi32>
          %add3A_117 = arith.addi %add3A_116, %iota3A : vector<16xi32>
          %broadcast_in_dim3A = arith.constant 0 : i32
          %broadcast_in_dim3A_118 = vector.broadcast %broadcast_in_dim3A : i32 to vector<16xi32>
          %gather3A = tpu.vector_load_idx %arg8[%add3A_117, %broadcast_in_dim3A_118] : memref<512x32xf32, #tpu.memory_space<vmem>>[vector<16xi32>, vector<16xi32>], vector<16xf32>,
          %mul3A_119 = arith.constant 16 : i32
          %mul3A_120 = arith.muli %scan3A_113, %mul3A_119 : i32
          %swap3A = arith.constant 0 : i32
          %swap3A_121 = arith.index_cast %swap3A : i32 to index
          %swap3A_122 = arith.index_cast %mul3A_120 : i32 to index
          %swap3A_123 = tpu.vector_load %arg10[%swap3A_121, %swap3A_122] {strides = array<i32>} : memref<32x512xf32, #tpu.memory_space<vmem>>, vector<16xf32>,
          tpu.vector_store %arg10[%swap3A_121, %swap3A_122], %gather3A {strides = array<i32>} : memref<32x512xf32, #tpu.memory_space<vmem>>, vector<16xf32>,
          %broadcast_in_dim3A_124 = arith.constant 1 : i32
          %broadcast_in_dim3A_125 = vector.broadcast %broadcast_in_dim3A_124 : i32 to vector<16xi32>
          %gather3A_126 = tpu.vector_load_idx %arg8[%add3A_117, %broadcast_in_dim3A_125] : memref<512x32xf32, #tpu.memory_space<vmem>>[vector<16xi32>, vector<16xi32>], vector<16xf32>,
          %mul3A_127 = arith.constant 16 : i32
          %mul3A_128 = arith.muli %scan3A_113, %mul3A_127 : i32
          %swap3A_129 = arith.constant 1 : i32
          %swap3A_130 = arith.index_cast %swap3A_129 : i32 to index
          %swap3A_131 = arith.index_cast %mul3A_128 : i32 to index
          %swap3A_132 = tpu.vector_load %arg10[%swap3A_130, %swap3A_131] {strides = array<i32>} : memref<32x512xf32, #tpu.memory_space<vmem>>, vector<16xf32>,
          tpu.vector_store %arg10[%swap3A_130, %swap3A_131], %gather3A_126 {strides = array<i32>} : memref<32x512xf32, #tpu.memory_space<vmem>>, vector<16xf32>,
          %broadcast_in_dim3A_133 = arith.constant 2 : i32
          %broadcast_in_dim3A_134 = vector.broadcast %broadcast_in_dim3A_133 : i32 to vector<16xi32>
          %gather3A_135 = tpu.vector_load_idx %arg8[%add3A_117, %broadcast_in_dim3A_134] : memref<512x32xf32, #tpu.memory_space<vmem>>[vector<16xi32>, vector<16xi32>], vector<16xf32>,
          %mul3A_136 = arith.constant 16 : i32
          %mul3A_137 = arith.muli %scan3A_113, %mul3A_136 : i32
          %swap3A_138 = arith.constant 2 : i32
          %swap3A_139 = arith.index_cast %swap3A_138 : i32 to index
          %swap3A_140 = arith.index_cast %mul3A_137 : i32 to index
          %swap3A_141 = tpu.vector_load %arg10[%swap3A_139, %swap3A_140] {strides = array<i32>} : memref<32x512xf32, #tpu.memory_space<vmem>>, vector<16xf32>,
          tpu.vector_store %arg10[%swap3A_139, %swap3A_140], %gather3A_135 {strides = array<i32>} : memref<32x512xf32, #tpu.memory_space<vmem>>, vector<16xf32>,
          %broadcast_in_dim3A_142 = arith.constant 3 : i32
          %broadcast_in_dim3A_143 = vector.broadcast %broadcast_in_dim3A_142 : i32 to vector<16xi32>
          %gather3A_144 = tpu.vector_load_idx %arg8[%add3A_117, %broadcast_in_dim3A_143] : memref<512x32xf32, #tpu.memory_space<vmem>>[vector<16xi32>, vector<16xi32>], vector<16xf32>,
          %mul3A_145 = arith.constant 16 : i32
          %mul3A_146 = arith.muli %scan3A_113, %mul3A_145 : i32
          %swap3A_147 = arith.constant 3 : i32
          %swap3A_148 = arith.index_cast %swap3A_147 : i32 to index
          %swap3A_149 = arith.index_cast %mul3A_146 : i32 to index
          %swap3A_150 = tpu.vector_load %arg10[%swap3A_148, %swap3A_149] {strides = array<i32>} : memref<32x512xf32, #tpu.memory_space<vmem>>, vector<16xf32>,
          tpu.vector_store %arg10[%swap3A_148, %swap3A_149], %gather3A_144 {strides = array<i32>} : memref<32x512xf32, #tpu.memory_space<vmem>>, vector<16xf32>,
          %broadcast_in_dim3A_151 = arith.constant 4 : i32
          %broadcast_in_dim3A_152 = vector.broadcast %broadcast_in_dim3A_151 : i32 to vector<16xi32>
          %gather3A_153 = tpu.vector_load_idx %arg8[%add3A_117, %broadcast_in_dim3A_152] : memref<512x32xf32, #tpu.memory_space<vmem>>[vector<16xi32>, vector<16xi32>], vector<16xf32>,
          %mul3A_154 = arith.constant 16 : i32
          %mul3A_155 = arith.muli %scan3A_113, %mul3A_154 : i32
          %swap3A_156 = arith.constant 4 : i32
          %swap3A_157 = arith.index_cast %swap3A_156 : i32 to index
          %swap3A_158 = arith.index_cast %mul3A_155 : i32 to index
          %swap3A_159 = tpu.vector_load %arg10[%swap3A_157, %swap3A_158] {strides = array<i32>} : memref<32x512xf32, #tpu.memory_space<vmem>>, vector<16xf32>,
          tpu.vector_store %arg10[%swap3A_157, %swap3A_158], %gather3A_153 {strides = array<i32>} : memref<32x512xf32, #tpu.memory_space<vmem>>, vector<16xf32>,
          %broadcast_in_dim3A_160 = arith.constant 5 : i32
          %broadcast_in_dim3A_161 = vector.broadcast %broadcast_in_dim3A_160 : i32 to vector<16xi32>
          %gather3A_162 = tpu.vector_load_idx %arg8[%add3A_117, %broadcast_in_dim3A_161] : memref<512x32xf32, #tpu.memory_space<vmem>>[vector<16xi32>, vector<16xi32>], vector<16xf32>,
          %mul3A_163 = arith.constant 16 : i32
          %mul3A_164 = arith.muli %scan3A_113, %mul3A_163 : i32
          %swap3A_165 = arith.constant 5 : i32
          %swap3A_166 = arith.index_cast %swap3A_165 : i32 to index
          %swap3A_167 = arith.index_cast %mul3A_164 : i32 to index
          %swap3A_168 = tpu.vector_load %arg10[%swap3A_166, %swap3A_167] {strides = array<i32>} : memref<32x512xf32, #tpu.memory_space<vmem>>, vector<16xf32>,
          tpu.vector_store %arg10[%swap3A_166, %swap3A_167], %gather3A_162 {strides = array<i32>} : memref<32x512xf32, #tpu.memory_space<vmem>>, vector<16xf32>,
          %broadcast_in_dim3A_169 = arith.constant 6 : i32
          %broadcast_in_dim3A_170 = vector.broadcast %broadcast_in_dim3A_169 : i32 to vector<16xi32>
          %gather3A_171 = tpu.vector_load_idx %arg8[%add3A_117, %broadcast_in_dim3A_170] : memref<512x32xf32, #tpu.memory_space<vmem>>[vector<16xi32>, vector<16xi32>], vector<16xf32>,
          %mul3A_172 = arith.constant 16 : i32
          %mul3A_173 = arith.muli %scan3A_113, %mul3A_172 : i32
          %swap3A_174 = arith.constant 6 : i32
          %swap3A_175 = arith.index_cast %swap3A_174 : i32 to index
          %swap3A_176 = arith.index_cast %mul3A_173 : i32 to index
          %swap3A_177 = tpu.vector_load %arg10[%swap3A_175, %swap3A_176] {strides = array<i32>} : memref<32x512xf32, #tpu.memory_space<vmem>>, vector<16xf32>,
          tpu.vector_store %arg10[%swap3A_175, %swap3A_176], %gather3A_171 {strides = array<i32>} : memref<32x512xf32, #tpu.memory_space<vmem>>, vector<16xf32>,
          %broadcast_in_dim3A_178 = arith.constant 7 : i32
          %broadcast_in_dim3A_179 = vector.broadcast %broadcast_in_dim3A_178 : i32 to vector<16xi32>
          %gather3A_180 = tpu.vector_load_idx %arg8[%add3A_117, %broadcast_in_dim3A_179] : memref<512x32xf32, #tpu.memory_space<vmem>>[vector<16xi32>, vector<16xi32>], vector<16xf32>,
          %mul3A_181 = arith.constant 16 : i32
          %mul3A_182 = arith.muli %scan3A_113, %mul3A_181 : i32
          %swap3A_183 = arith.constant 7 : i32
          %swap3A_184 = arith.index_cast %swap3A_183 : i32 to index
          %swap3A_185 = arith.index_cast %mul3A_182 : i32 to index
          %swap3A_186 = tpu.vector_load %arg10[%swap3A_184, %swap3A_185] {strides = array<i32>} : memref<32x512xf32, #tpu.memory_space<vmem>>, vector<16xf32>,
          tpu.vector_store %arg10[%swap3A_184, %swap3A_185], %gather3A_180 {strides = array<i32>} : memref<32x512xf32, #tpu.memory_space<vmem>>, vector<16xf32>,
          %broadcast_in_dim3A_187 = arith.constant 8 : i32
          %broadcast_in_dim3A_188 = vector.broadcast %broadcast_in_dim3A_187 : i32 to vector<16xi32>
          %gather3A_189 = tpu.vector_load_idx %arg8[%add3A_117, %broadcast_in_dim3A_188] : memref<512x32xf32, #tpu.memory_space<vmem>>[vector<16xi32>, vector<16xi32>], vector<16xf32>,
          %mul3A_190 = arith.constant 16 : i32
          %mul3A_191 = arith.muli %scan3A_113, %mul3A_190 : i32
          %swap3A_192 = arith.constant 8 : i32
          %swap3A_193 = arith.index_cast %swap3A_192 : i32 to index
          %swap3A_194 = arith.index_cast %mul3A_191 : i32 to index
          %swap3A_195 = tpu.vector_load %arg10[%swap3A_193, %swap3A_194] {strides = array<i32>} : memref<32x512xf32, #tpu.memory_space<vmem>>, vector<16xf32>,
          tpu.vector_store %arg10[%swap3A_193, %swap3A_194], %gather3A_189 {strides = array<i32>} : memref<32x512xf32, #tpu.memory_space<vmem>>, vector<16xf32>,
          %broadcast_in_dim3A_196 = arith.constant 9 : i32
          %broadcast_in_dim3A_197 = vector.broadcast %broadcast_in_dim3A_196 : i32 to vector<16xi32>
          %gather3A_198 = tpu.vector_load_idx %arg8[%add3A_117, %broadcast_in_dim3A_197] : memref<512x32xf32, #tpu.memory_space<vmem>>[vector<16xi32>, vector<16xi32>], vector<16xf32>,
          %mul3A_199 = arith.constant 16 : i32
          %mul3A_200 = arith.muli %scan3A_113, %mul3A_199 : i32
          %swap3A_201 = arith.constant 9 : i32
          %swap3A_202 = arith.index_cast %swap3A_201 : i32 to index
          %swap3A_203 = arith.index_cast %mul3A_200 : i32 to index
          %swap3A_204 = tpu.vector_load %arg10[%swap3A_202, %swap3A_203] {strides = array<i32>} : memref<32x512xf32, #tpu.memory_space<vmem>>, vector<16xf32>,
          tpu.vector_store %arg10[%swap3A_202, %swap3A_203], %gather3A_198 {strides = array<i32>} : memref<32x512xf32, #tpu.memory_space<vmem>>, vector<16xf32>,
          %broadcast_in_dim3A_205 = arith.constant 10 : i32
          %broadcast_in_dim3A_206 = vector.broadcast %broadcast_in_dim3A_205 : i32 to vector<16xi32>
          %gather3A_207 = tpu.vector_load_idx %arg8[%add3A_117, %broadcast_in_dim3A_206] : memref<512x32xf32, #tpu.memory_space<vmem>>[vector<16xi32>, vector<16xi32>], vector<16xf32>,
          %mul3A_208 = arith.constant 16 : i32
          %mul3A_209 = arith.muli %scan3A_113, %mul3A_208 : i32
          %swap3A_210 = arith.constant 10 : i32
          %swap3A_211 = arith.index_cast %swap3A_210 : i32 to index
          %swap3A_212 = arith.index_cast %mul3A_209 : i32 to index
          %swap3A_213 = tpu.vector_load %arg10[%swap3A_211, %swap3A_212] {strides = array<i32>} : memref<32x512xf32, #tpu.memory_space<vmem>>, vector<16xf32>,
          tpu.vector_store %arg10[%swap3A_211, %swap3A_212], %gather3A_207 {strides = array<i32>} : memref<32x512xf32, #tpu.memory_space<vmem>>, vector<16xf32>,
          %broadcast_in_dim3A_214 = arith.constant 11 : i32
          %broadcast_in_dim3A_215 = vector.broadcast %broadcast_in_dim3A_214 : i32 to vector<16xi32>
          %gather3A_216 = tpu.vector_load_idx %arg8[%add3A_117, %broadcast_in_dim3A_215] : memref<512x32xf32, #tpu.memory_space<vmem>>[vector<16xi32>, vector<16xi32>], vector<16xf32>,
          %mul3A_217 = arith.constant 16 : i32
          %mul3A_218 = arith.muli %scan3A_113, %mul3A_217 : i32
          %swap3A_219 = arith.constant 11 : i32
          %swap3A_220 = arith.index_cast %swap3A_219 : i32 to index
          %swap3A_221 = arith.index_cast %mul3A_218 : i32 to index
          %swap3A_222 = tpu.vector_load %arg10[%swap3A_220, %swap3A_221] {strides = array<i32>} : memref<32x512xf32, #tpu.memory_space<vmem>>, vector<16xf32>,
          tpu.vector_store %arg10[%swap3A_220, %swap3A_221], %gather3A_216 {strides = array<i32>} : memref<32x512xf32, #tpu.memory_space<vmem>>, vector<16xf32>,
          %broadcast_in_dim3A_223 = arith.constant 12 : i32
          %broadcast_in_dim3A_224 = vector.broadcast %broadcast_in_dim3A_223 : i32 to vector<16xi32>
          %gather3A_225 = tpu.vector_load_idx %arg8[%add3A_117, %broadcast_in_dim3A_224] : memref<512x32xf32, #tpu.memory_space<vmem>>[vector<16xi32>, vector<16xi32>], vector<16xf32>,
          %mul3A_226 = arith.constant 16 : i32
          %mul3A_227 = arith.muli %scan3A_113, %mul3A_226 : i32
          %swap3A_228 = arith.constant 12 : i32
          %swap3A_229 = arith.index_cast %swap3A_228 : i32 to index
          %swap3A_230 = arith.index_cast %mul3A_227 : i32 to index
          %swap3A_231 = tpu.vector_load %arg10[%swap3A_229, %swap3A_230] {strides = array<i32>} : memref<32x512xf32, #tpu.memory_space<vmem>>, vector<16xf32>,
          tpu.vector_store %arg10[%swap3A_229, %swap3A_230], %gather3A_225 {strides = array<i32>} : memref<32x512xf32, #tpu.memory_space<vmem>>, vector<16xf32>,
          %broadcast_in_dim3A_232 = arith.constant 13 : i32
          %broadcast_in_dim3A_233 = vector.broadcast %broadcast_in_dim3A_232 : i32 to vector<16xi32>
          %gather3A_234 = tpu.vector_load_idx %arg8[%add3A_117, %broadcast_in_dim3A_233] : memref<512x32xf32, #tpu.memory_space<vmem>>[vector<16xi32>, vector<16xi32>], vector<16xf32>,
          %mul3A_235 = arith.constant 16 : i32
          %mul3A_236 = arith.muli %scan3A_113, %mul3A_235 : i32
          %swap3A_237 = arith.constant 13 : i32
          %swap3A_238 = arith.index_cast %swap3A_237 : i32 to index
          %swap3A_239 = arith.index_cast %mul3A_236 : i32 to index
          %swap3A_240 = tpu.vector_load %arg10[%swap3A_238, %swap3A_239] {strides = array<i32>} : memref<32x512xf32, #tpu.memory_space<vmem>>, vector<16xf32>,
          tpu.vector_store %arg10[%swap3A_238, %swap3A_239], %gather3A_234 {strides = array<i32>} : memref<32x512xf32, #tpu.memory_space<vmem>>, vector<16xf32>,
          %broadcast_in_dim3A_241 = arith.constant 14 : i32
          %broadcast_in_dim3A_242 = vector.broadcast %broadcast_in_dim3A_241 : i32 to vector<16xi32>
          %gather3A_243 = tpu.vector_load_idx %arg8[%add3A_117, %broadcast_in_dim3A_242] : memref<512x32xf32, #tpu.memory_space<vmem>>[vector<16xi32>, vector<16xi32>], vector<16xf32>,
          %mul3A_244 = arith.constant 16 : i32
          %mul3A_245 = arith.muli %scan3A_113, %mul3A_244 : i32
          %swap3A_246 = arith.constant 14 : i32
          %swap3A_247 = arith.index_cast %swap3A_246 : i32 to index
          %swap3A_248 = arith.index_cast %mul3A_245 : i32 to index
          %swap3A_249 = tpu.vector_load %arg10[%swap3A_247, %swap3A_248] {strides = array<i32>} : memref<32x512xf32, #tpu.memory_space<vmem>>, vector<16xf32>,
          tpu.vector_store %arg10[%swap3A_247, %swap3A_248], %gather3A_243 {strides = array<i32>} : memref<32x512xf32, #tpu.memory_space<vmem>>, vector<16xf32>,
          %broadcast_in_dim3A_250 = arith.constant 15 : i32
          %broadcast_in_dim3A_251 = vector.broadcast %broadcast_in_dim3A_250 : i32 to vector<16xi32>
          %gather3A_252 = tpu.vector_load_idx %arg8[%add3A_117, %broadcast_in_dim3A_251] : memref<512x32xf32, #tpu.memory_space<vmem>>[vector<16xi32>, vector<16xi32>], vector<16xf32>,
          %mul3A_253 = arith.constant 16 : i32
          %mul3A_254 = arith.muli %scan3A_113, %mul3A_253 : i32
          %swap3A_255 = arith.constant 15 : i32
          %swap3A_256 = arith.index_cast %swap3A_255 : i32 to index
          %swap3A_257 = arith.index_cast %mul3A_254 : i32 to index
          %swap3A_258 = tpu.vector_load %arg10[%swap3A_256, %swap3A_257] {strides = array<i32>} : memref<32x512xf32, #tpu.memory_space<vmem>>, vector<16xf32>,
          tpu.vector_store %arg10[%swap3A_256, %swap3A_257], %gather3A_252 {strides = array<i32>} : memref<32x512xf32, #tpu.memory_space<vmem>>, vector<16xf32>,
          %broadcast_in_dim3A_259 = arith.constant 16 : i32
          %broadcast_in_dim3A_260 = vector.broadcast %broadcast_in_dim3A_259 : i32 to vector<16xi32>
          %gather3A_261 = tpu.vector_load_idx %arg8[%add3A_117, %broadcast_in_dim3A_260] : memref<512x32xf32, #tpu.memory_space<vmem>>[vector<16xi32>, vector<16xi32>], vector<16xf32>,
          %mul3A_262 = arith.constant 16 : i32
          %mul3A_263 = arith.muli %scan3A_113, %mul3A_262 : i32
          %swap3A_264 = arith.constant 16 : i32
          %swap3A_265 = arith.index_cast %swap3A_264 : i32 to index
          %swap3A_266 = arith.index_cast %mul3A_263 : i32 to index
          %swap3A_267 = tpu.vector_load %arg10[%swap3A_265, %swap3A_266] {strides = array<i32>} : memref<32x512xf32, #tpu.memory_space<vmem>>, vector<16xf32>,
          tpu.vector_store %arg10[%swap3A_265, %swap3A_266], %gather3A_261 {strides = array<i32>} : memref<32x512xf32, #tpu.memory_space<vmem>>, vector<16xf32>,
          %broadcast_in_dim3A_268 = arith.constant 17 : i32
          %broadcast_in_dim3A_269 = vector.broadcast %broadcast_in_dim3A_268 : i32 to vector<16xi32>
          %gather3A_270 = tpu.vector_load_idx %arg8[%add3A_117, %broadcast_in_dim3A_269] : memref<512x32xf32, #tpu.memory_space<vmem>>[vector<16xi32>, vector<16xi32>], vector<16xf32>,
          %mul3A_271 = arith.constant 16 : i32
          %mul3A_272 = arith.muli %scan3A_113, %mul3A_271 : i32
          %swap3A_273 = arith.constant 17 : i32
          %swap3A_274 = arith.index_cast %swap3A_273 : i32 to index
          %swap3A_275 = arith.index_cast %mul3A_272 : i32 to index
          %swap3A_276 = tpu.vector_load %arg10[%swap3A_274, %swap3A_275] {strides = array<i32>} : memref<32x512xf32, #tpu.memory_space<vmem>>, vector<16xf32>,
          tpu.vector_store %arg10[%swap3A_274, %swap3A_275], %gather3A_270 {strides = array<i32>} : memref<32x512xf32, #tpu.memory_space<vmem>>, vector<16xf32>,
          %broadcast_in_dim3A_277 = arith.constant 18 : i32
          %broadcast_in_dim3A_278 = vector.broadcast %broadcast_in_dim3A_277 : i32 to vector<16xi32>
          %gather3A_279 = tpu.vector_load_idx %arg8[%add3A_117, %broadcast_in_dim3A_278] : memref<512x32xf32, #tpu.memory_space<vmem>>[vector<16xi32>, vector<16xi32>], vector<16xf32>,
          %mul3A_280 = arith.constant 16 : i32
          %mul3A_281 = arith.muli %scan3A_113, %mul3A_280 : i32
          %swap3A_282 = arith.constant 18 : i32
          %swap3A_283 = arith.index_cast %swap3A_282 : i32 to index
          %swap3A_284 = arith.index_cast %mul3A_281 : i32 to index
          %swap3A_285 = tpu.vector_load %arg10[%swap3A_283, %swap3A_284] {strides = array<i32>} : memref<32x512xf32, #tpu.memory_space<vmem>>, vector<16xf32>,
          tpu.vector_store %arg10[%swap3A_283, %swap3A_284], %gather3A_279 {strides = array<i32>} : memref<32x512xf32, #tpu.memory_space<vmem>>, vector<16xf32>,
          %broadcast_in_dim3A_286 = arith.constant 19 : i32
          %broadcast_in_dim3A_287 = vector.broadcast %broadcast_in_dim3A_286 : i32 to vector<16xi32>
          %gather3A_288 = tpu.vector_load_idx %arg8[%add3A_117, %broadcast_in_dim3A_287] : memref<512x32xf32, #tpu.memory_space<vmem>>[vector<16xi32>, vector<16xi32>], vector<16xf32>,
          %mul3A_289 = arith.constant 16 : i32
          %mul3A_290 = arith.muli %scan3A_113, %mul3A_289 : i32
          %swap3A_291 = arith.constant 19 : i32
          %swap3A_292 = arith.index_cast %swap3A_291 : i32 to index
          %swap3A_293 = arith.index_cast %mul3A_290 : i32 to index
          %swap3A_294 = tpu.vector_load %arg10[%swap3A_292, %swap3A_293] {strides = array<i32>} : memref<32x512xf32, #tpu.memory_space<vmem>>, vector<16xf32>,
          tpu.vector_store %arg10[%swap3A_292, %swap3A_293], %gather3A_288 {strides = array<i32>} : memref<32x512xf32, #tpu.memory_space<vmem>>, vector<16xf32>,
          %broadcast_in_dim3A_295 = arith.constant 20 : i32
          %broadcast_in_dim3A_296 = vector.broadcast %broadcast_in_dim3A_295 : i32 to vector<16xi32>
          %gather3A_297 = tpu.vector_load_idx %arg8[%add3A_117, %broadcast_in_dim3A_296] : memref<512x32xf32, #tpu.memory_space<vmem>>[vector<16xi32>, vector<16xi32>], vector<16xf32>,
          %mul3A_298 = arith.constant 16 : i32
          %mul3A_299 = arith.muli %scan3A_113, %mul3A_298 : i32
          %swap3A_300 = arith.constant 20 : i32
          %swap3A_301 = arith.index_cast %swap3A_300 : i32 to index
          %swap3A_302 = arith.index_cast %mul3A_299 : i32 to index
          %swap3A_303 = tpu.vector_load %arg10[%swap3A_301, %swap3A_302] {strides = array<i32>} : memref<32x512xf32, #tpu.memory_space<vmem>>, vector<16xf32>,
          tpu.vector_store %arg10[%swap3A_301, %swap3A_302], %gather3A_297 {strides = array<i32>} : memref<32x512xf32, #tpu.memory_space<vmem>>, vector<16xf32>,
          %broadcast_in_dim3A_304 = arith.constant 21 : i32
          %broadcast_in_dim3A_305 = vector.broadcast %broadcast_in_dim3A_304 : i32 to vector<16xi32>
          %gather3A_306 = tpu.vector_load_idx %arg8[%add3A_117, %broadcast_in_dim3A_305] : memref<512x32xf32, #tpu.memory_space<vmem>>[vector<16xi32>, vector<16xi32>], vector<16xf32>,
          %mul3A_307 = arith.constant 16 : i32
          %mul3A_308 = arith.muli %scan3A_113, %mul3A_307 : i32
          %swap3A_309 = arith.constant 21 : i32
          %swap3A_310 = arith.index_cast %swap3A_309 : i32 to index
          %swap3A_311 = arith.index_cast %mul3A_308 : i32 to index
          %swap3A_312 = tpu.vector_load %arg10[%swap3A_310, %swap3A_311] {strides = array<i32>} : memref<32x512xf32, #tpu.memory_space<vmem>>, vector<16xf32>,
          tpu.vector_store %arg10[%swap3A_310, %swap3A_311], %gather3A_306 {strides = array<i32>} : memref<32x512xf32, #tpu.memory_space<vmem>>, vector<16xf32>,
          %broadcast_in_dim3A_313 = arith.constant 22 : i32
          %broadcast_in_dim3A_314 = vector.broadcast %broadcast_in_dim3A_313 : i32 to vector<16xi32>
          %gather3A_315 = tpu.vector_load_idx %arg8[%add3A_117, %broadcast_in_dim3A_314] : memref<512x32xf32, #tpu.memory_space<vmem>>[vector<16xi32>, vector<16xi32>], vector<16xf32>,
          %mul3A_316 = arith.constant 16 : i32
          %mul3A_317 = arith.muli %scan3A_113, %mul3A_316 : i32
          %swap3A_318 = arith.constant 22 : i32
          %swap3A_319 = arith.index_cast %swap3A_318 : i32 to index
          %swap3A_320 = arith.index_cast %mul3A_317 : i32 to index
          %swap3A_321 = tpu.vector_load %arg10[%swap3A_319, %swap3A_320] {strides = array<i32>} : memref<32x512xf32, #tpu.memory_space<vmem>>, vector<16xf32>,
          tpu.vector_store %arg10[%swap3A_319, %swap3A_320], %gather3A_315 {strides = array<i32>} : memref<32x512xf32, #tpu.memory_space<vmem>>, vector<16xf32>,
          %broadcast_in_dim3A_322 = arith.constant 23 : i32
          %broadcast_in_dim3A_323 = vector.broadcast %broadcast_in_dim3A_322 : i32 to vector<16xi32>
          %gather3A_324 = tpu.vector_load_idx %arg8[%add3A_117, %broadcast_in_dim3A_323] : memref<512x32xf32, #tpu.memory_space<vmem>>[vector<16xi32>, vector<16xi32>], vector<16xf32>,
          %mul3A_325 = arith.constant 16 : i32
          %mul3A_326 = arith.muli %scan3A_113, %mul3A_325 : i32
          %swap3A_327 = arith.constant 23 : i32
          %swap3A_328 = arith.index_cast %swap3A_327 : i32 to index
          %swap3A_329 = arith.index_cast %mul3A_326 : i32 to index
          %swap3A_330 = tpu.vector_load %arg10[%swap3A_328, %swap3A_329] {strides = array<i32>} : memref<32x512xf32, #tpu.memory_space<vmem>>, vector<16xf32>,
          tpu.vector_store %arg10[%swap3A_328, %swap3A_329], %gather3A_324 {strides = array<i32>} : memref<32x512xf32, #tpu.memory_space<vmem>>, vector<16xf32>,
          %broadcast_in_dim3A_331 = arith.constant 24 : i32
          %broadcast_in_dim3A_332 = vector.broadcast %broadcast_in_dim3A_331 : i32 to vector<16xi32>
          %gather3A_333 = tpu.vector_load_idx %arg8[%add3A_117, %broadcast_in_dim3A_332] : memref<512x32xf32, #tpu.memory_space<vmem>>[vector<16xi32>, vector<16xi32>], vector<16xf32>,
          %mul3A_334 = arith.constant 16 : i32
          %mul3A_335 = arith.muli %scan3A_113, %mul3A_334 : i32
          %swap3A_336 = arith.constant 24 : i32
          %swap3A_337 = arith.index_cast %swap3A_336 : i32 to index
          %swap3A_338 = arith.index_cast %mul3A_335 : i32 to index
          %swap3A_339 = tpu.vector_load %arg10[%swap3A_337, %swap3A_338] {strides = array<i32>} : memref<32x512xf32, #tpu.memory_space<vmem>>, vector<16xf32>,
          tpu.vector_store %arg10[%swap3A_337, %swap3A_338], %gather3A_333 {strides = array<i32>} : memref<32x512xf32, #tpu.memory_space<vmem>>, vector<16xf32>,
          %broadcast_in_dim3A_340 = arith.constant 25 : i32
          %broadcast_in_dim3A_341 = vector.broadcast %broadcast_in_dim3A_340 : i32 to vector<16xi32>
          %gather3A_342 = tpu.vector_load_idx %arg8[%add3A_117, %broadcast_in_dim3A_341] : memref<512x32xf32, #tpu.memory_space<vmem>>[vector<16xi32>, vector<16xi32>], vector<16xf32>,
          %mul3A_343 = arith.constant 16 : i32
          %mul3A_344 = arith.muli %scan3A_113, %mul3A_343 : i32
          %swap3A_345 = arith.constant 25 : i32
          %swap3A_346 = arith.index_cast %swap3A_345 : i32 to index
          %swap3A_347 = arith.index_cast %mul3A_344 : i32 to index
          %swap3A_348 = tpu.vector_load %arg10[%swap3A_346, %swap3A_347] {strides = array<i32>} : memref<32x512xf32, #tpu.memory_space<vmem>>, vector<16xf32>,
          tpu.vector_store %arg10[%swap3A_346, %swap3A_347], %gather3A_342 {strides = array<i32>} : memref<32x512xf32, #tpu.memory_space<vmem>>, vector<16xf32>,
          %broadcast_in_dim3A_349 = arith.constant 26 : i32
          %broadcast_in_dim3A_350 = vector.broadcast %broadcast_in_dim3A_349 : i32 to vector<16xi32>
          %gather3A_351 = tpu.vector_load_idx %arg8[%add3A_117, %broadcast_in_dim3A_350] : memref<512x32xf32, #tpu.memory_space<vmem>>[vector<16xi32>, vector<16xi32>], vector<16xf32>,
          %mul3A_352 = arith.constant 16 : i32
          %mul3A_353 = arith.muli %scan3A_113, %mul3A_352 : i32
          %swap3A_354 = arith.constant 26 : i32
          %swap3A_355 = arith.index_cast %swap3A_354 : i32 to index
          %swap3A_356 = arith.index_cast %mul3A_353 : i32 to index
          %swap3A_357 = tpu.vector_load %arg10[%swap3A_355, %swap3A_356] {strides = array<i32>} : memref<32x512xf32, #tpu.memory_space<vmem>>, vector<16xf32>,
          tpu.vector_store %arg10[%swap3A_355, %swap3A_356], %gather3A_351 {strides = array<i32>} : memref<32x512xf32, #tpu.memory_space<vmem>>, vector<16xf32>,
          %broadcast_in_dim3A_358 = arith.constant 27 : i32
          %broadcast_in_dim3A_359 = vector.broadcast %broadcast_in_dim3A_358 : i32 to vector<16xi32>
          %gather3A_360 = tpu.vector_load_idx %arg8[%add3A_117, %broadcast_in_dim3A_359] : memref<512x32xf32, #tpu.memory_space<vmem>>[vector<16xi32>, vector<16xi32>], vector<16xf32>,
          %mul3A_361 = arith.constant 16 : i32
          %mul3A_362 = arith.muli %scan3A_113, %mul3A_361 : i32
          %swap3A_363 = arith.constant 27 : i32
          %swap3A_364 = arith.index_cast %swap3A_363 : i32 to index
          %swap3A_365 = arith.index_cast %mul3A_362 : i32 to index
          %swap3A_366 = tpu.vector_load %arg10[%swap3A_364, %swap3A_365] {strides = array<i32>} : memref<32x512xf32, #tpu.memory_space<vmem>>, vector<16xf32>,
          tpu.vector_store %arg10[%swap3A_364, %swap3A_365], %gather3A_360 {strides = array<i32>} : memref<32x512xf32, #tpu.memory_space<vmem>>, vector<16xf32>,
          %broadcast_in_dim3A_367 = arith.constant 28 : i32
          %broadcast_in_dim3A_368 = vector.broadcast %broadcast_in_dim3A_367 : i32 to vector<16xi32>
          %gather3A_369 = tpu.vector_load_idx %arg8[%add3A_117, %broadcast_in_dim3A_368] : memref<512x32xf32, #tpu.memory_space<vmem>>[vector<16xi32>, vector<16xi32>], vector<16xf32>,
          %mul3A_370 = arith.constant 16 : i32
          %mul3A_371 = arith.muli %scan3A_113, %mul3A_370 : i32
          %swap3A_372 = arith.constant 28 : i32
          %swap3A_373 = arith.index_cast %swap3A_372 : i32 to index
          %swap3A_374 = arith.index_cast %mul3A_371 : i32 to index
          %swap3A_375 = tpu.vector_load %arg10[%swap3A_373, %swap3A_374] {strides = array<i32>} : memref<32x512xf32, #tpu.memory_space<vmem>>, vector<16xf32>,
          tpu.vector_store %arg10[%swap3A_373, %swap3A_374], %gather3A_369 {strides = array<i32>} : memref<32x512xf32, #tpu.memory_space<vmem>>, vector<16xf32>,
          %broadcast_in_dim3A_376 = arith.constant 29 : i32
          %broadcast_in_dim3A_377 = vector.broadcast %broadcast_in_dim3A_376 : i32 to vector<16xi32>
          %gather3A_378 = tpu.vector_load_idx %arg8[%add3A_117, %broadcast_in_dim3A_377] : memref<512x32xf32, #tpu.memory_space<vmem>>[vector<16xi32>, vector<16xi32>], vector<16xf32>,
          %mul3A_379 = arith.constant 16 : i32
          %mul3A_380 = arith.muli %scan3A_113, %mul3A_379 : i32
          %swap3A_381 = arith.constant 29 : i32
          %swap3A_382 = arith.index_cast %swap3A_381 : i32 to index
          %swap3A_383 = arith.index_cast %mul3A_380 : i32 to index
          %swap3A_384 = tpu.vector_load %arg10[%swap3A_382, %swap3A_383] {strides = array<i32>} : memref<32x512xf32, #tpu.memory_space<vmem>>, vector<16xf32>,
          tpu.vector_store %arg10[%swap3A_382, %swap3A_383], %gather3A_378 {strides = array<i32>} : memref<32x512xf32, #tpu.memory_space<vmem>>, vector<16xf32>,
          %broadcast_in_dim3A_385 = arith.constant 30 : i32
          %broadcast_in_dim3A_386 = vector.broadcast %broadcast_in_dim3A_385 : i32 to vector<16xi32>
          %gather3A_387 = tpu.vector_load_idx %arg8[%add3A_117, %broadcast_in_dim3A_386] : memref<512x32xf32, #tpu.memory_space<vmem>>[vector<16xi32>, vector<16xi32>], vector<16xf32>,
          %mul3A_388 = arith.constant 16 : i32
          %mul3A_389 = arith.muli %scan3A_113, %mul3A_388 : i32
          %swap3A_390 = arith.constant 30 : i32
          %swap3A_391 = arith.index_cast %swap3A_390 : i32 to index
          %swap3A_392 = arith.index_cast %mul3A_389 : i32 to index
          %swap3A_393 = tpu.vector_load %arg10[%swap3A_391, %swap3A_392] {strides = array<i32>} : memref<32x512xf32, #tpu.memory_space<vmem>>, vector<16xf32>,
          tpu.vector_store %arg10[%swap3A_391, %swap3A_392], %gather3A_387 {strides = array<i32>} : memref<32x512xf32, #tpu.memory_space<vmem>>, vector<16xf32>,
          %broadcast_in_dim3A_394 = arith.constant 31 : i32
          %broadcast_in_dim3A_395 = vector.broadcast %broadcast_in_dim3A_394 : i32 to vector<16xi32>
          %gather3A_396 = tpu.vector_load_idx %arg8[%add3A_117, %broadcast_in_dim3A_395] : memref<512x32xf32, #tpu.memory_space<vmem>>[vector<16xi32>, vector<16xi32>], vector<16xf32>,
          %mul3A_397 = arith.constant 16 : i32
          %mul3A_398 = arith.muli %scan3A_113, %mul3A_397 : i32
          %swap3A_399 = arith.constant 31 : i32
          %swap3A_400 = arith.index_cast %swap3A_399 : i32 to index
          %swap3A_401 = arith.index_cast %mul3A_398 : i32 to index
          %swap3A_402 = tpu.vector_load %arg10[%swap3A_400, %swap3A_401] {strides = array<i32>} : memref<32x512xf32, #tpu.memory_space<vmem>>, vector<16xf32>,
          tpu.vector_store %arg10[%swap3A_400, %swap3A_401], %gather3A_396 {strides = array<i32>} : memref<32x512xf32, #tpu.memory_space<vmem>>, vector<16xf32>,
        }
        %scan3A_99 = arith.constant 32 : i32
        %dma_start3A_100 = arith.constant 0 : i32
        %dma_start3A_101 = tpu.memref_slice %arg4[%add3A_71, %dma_start3A_100, %mul3A_2] : memref<50x32x16384xf32, #tpu.memory_space<hbm>> -> memref<1x32x512xf32, #tpu.memory_space<hbm>>
        %dma_start3A_102 = tpu.memref_squeeze %dma_start3A_101 : memref<1x32x512xf32, #tpu.memory_space<hbm>> -> memref<32x512xf32, #tpu.memory_space<hbm>>
        %dma_start3A_103 = arith.constant 0 : i32
        %dma_start3A_104 = tpu.memref_slice %arg4[%add3A_71, %dma_start3A_103, %mul3A_2] : memref<50x32x16384xf32, #tpu.memory_space<hbm>> -> memref<1x32x512xf32, #tpu.memory_space<hbm>>
        %dma_start3A_105 = tpu.memref_squeeze %dma_start3A_104 : memref<1x32x512xf32, #tpu.memory_space<hbm>> -> memref<32x512xf32, #tpu.memory_space<hbm>>
        tpu.enqueue_dma source(%arg10 : memref<32x512xf32, #tpu.memory_space<vmem>>) target(%dma_start3A_105 : memref<32x512xf32, #tpu.memory_space<hbm>>) target_semaphore(%arg17 : memref<!tpu.dma_semaphore, #tpu.memory_space<semaphore_mem>>)
        %add3A_106 = arith.constant 4 : i32
        %add3A_107 = arith.addi %add3A_71, %add3A_106 : i32
        %lt3A_108 = arith.constant 50 : i32
        %lt3A_109 = arith.cmpi slt, %add3A_107, %lt3A_108 : i32
        %convert_element_type3A_110 = arith.extui %lt3A_109 : i1 to i32
        %cond3A_111 = arith.constant 0 : i32
        %cond3A_112 = arith.cmpi ne, %convert_element_type3A_110, %cond3A_111 : i32
        scf.if %cond3A_112 {
          %add3A_113 = arith.constant 4 : i32
          %add3A_114 = arith.addi %add3A_71, %add3A_113 : i32
          %dma_start3A_115 = arith.constant 0 : i32
          %dma_start3A_116 = tpu.memref_slice %arg5[%add3A_114, %dma_start3A_115] : memref<50x512xi32, #tpu.memory_space<vmem>> -> memref<1x512xi32, #tpu.memory_space<vmem>>
          %dma_start3A_117 = tpu.memref_squeeze %dma_start3A_116 : memref<1x512xi32, #tpu.memory_space<vmem>> -> memref<512xi32, #tpu.memory_space<vmem>>
          %dma_start3A_118 = arith.constant 0 : i32
          %dma_start3A_119 = arith.constant 0 : i32
          %dma_start3A_120 = tpu.memref_slice %arg2[%dma_start3A_118, %dma_start3A_119] : memref<1000000x32xf32, #tpu.memory_space<hbm>> -> memref<1000000x32xf32, #tpu.memory_space<hbm>>
          tpu.enqueue_indirect_dma source(%dma_start3A_120 : memref<1000000x32xf32, #tpu.memory_space<hbm>>) target(%arg8 : memref<512x32xf32, #tpu.memory_space<vmem>>) offsets(%dma_start3A_117 : memref<512xi32, #tpu.memory_space<vmem>>) semaphore(%arg15 : memref<!tpu.dma_semaphore, #tpu.memory_space<semaphore_mem>>)
        } else {
        }
      } else {
      }
      %add3A_77 = arith.constant 3 : i32
      %add3A_78 = arith.addi %mul3A_58, %add3A_77 : i32
      %lt3A_79 = arith.constant 50 : i32
      %lt3A_80 = arith.cmpi slt, %add3A_78, %lt3A_79 : i32
      %convert_element_type3A_81 = arith.extui %lt3A_80 : i1 to i32
      %cond3A_82 = arith.constant 0 : i32
      %cond3A_83 = arith.cmpi ne, %convert_element_type3A_81, %cond3A_82 : i32
      scf.if %cond3A_83 {
        %dma_wait3A_84 = arith.constant 0 : i32
        %dma_wait3A_85 = tpu.memref_slice %arg5[%add3A_78, %dma_wait3A_84] : memref<50x512xi32, #tpu.memory_space<vmem>> -> memref<1x512xi32, #tpu.memory_space<vmem>>
        %dma_wait3A_86 = tpu.memref_squeeze %dma_wait3A_85 : memref<1x512xi32, #tpu.memory_space<vmem>> -> memref<512xi32, #tpu.memory_space<vmem>>
        %dma_wait3A_87 = arith.constant 0 : i32
        %dma_wait3A_88 = arith.constant 0 : i32
        %dma_wait3A_89 = tpu.memref_slice %arg2[%dma_wait3A_87, %dma_wait3A_88] : memref<1000000x32xf32, #tpu.memory_space<hbm>> -> memref<1000000x32xf32, #tpu.memory_space<hbm>>
        tpu.wait_indirect_dma semaphore(%arg16 : memref<!tpu.dma_semaphore, #tpu.memory_space<semaphore_mem>>) src(%dma_wait3A_89 : memref<1000000x32xf32, #tpu.memory_space<hbm>>) dst(%arg9 : memref<512x32xf32, #tpu.memory_space<vmem>>)
        %ge3A = arith.constant 2 : i32
        %ge3A_90 = arith.cmpi sge, %add3A_78, %ge3A : i32
        %convert_element_type3A_91 = arith.extui %ge3A_90 : i1 to i32
        %cond3A_92 = arith.constant 0 : i32
        %cond3A_93 = arith.cmpi ne, %convert_element_type3A_91, %cond3A_92 : i32
        scf.if %cond3A_93 {
          %sub3A = arith.constant 2 : i32
          %sub3A_113 = arith.subi %add3A_78, %sub3A : i32
          %dma_wait3A_114 = arith.constant 0 : i32
          %dma_wait3A_115 = tpu.memref_slice %arg4[%sub3A_113, %dma_wait3A_114, %mul3A_2] : memref<50x32x16384xf32, #tpu.memory_space<hbm>> -> memref<1x32x512xf32, #tpu.memory_space<hbm>>
          %dma_wait3A_116 = tpu.memref_squeeze %dma_wait3A_115 : memref<1x32x512xf32, #tpu.memory_space<hbm>> -> memref<32x512xf32, #tpu.memory_space<hbm>>
          %dma_wait3A_117 = arith.constant 0 : i32
          %dma_wait3A_118 = tpu.memref_slice %arg4[%sub3A_113, %dma_wait3A_117, %mul3A_2] : memref<50x32x16384xf32, #tpu.memory_space<hbm>> -> memref<1x32x512xf32, #tpu.memory_space<hbm>>
          %dma_wait3A_119 = tpu.memref_squeeze %dma_wait3A_118 : memref<1x32x512xf32, #tpu.memory_space<hbm>> -> memref<32x512xf32, #tpu.memory_space<hbm>>
          tpu.wait_dma2 semaphore(%arg18 : memref<!tpu.dma_semaphore, #tpu.memory_space<semaphore_mem>>) src(%arg11 : memref<32x512xf32, #tpu.memory_space<vmem>>) dst(%dma_wait3A_119 : memref<32x512xf32, #tpu.memory_space<hbm>>)
        } else {
        }
        %scan3A_94 = arith.constant 0 : i32
        %scan3A_95 = arith.constant 0 : i32
        %scan3A_96 = arith.constant 32 : i32
        %scan3A_97 = arith.addi %scan3A_95, %scan3A_96 : i32
        %scan3A_98 = arith.constant 1 : i32
        scf.for %scan3A_113 = %scan3A_95 to %scan3A_97 step %scan3A_98  : i32 {
          %mul3A_114 = arith.constant 16 : i32
          %mul3A_115 = arith.muli %scan3A_113, %mul3A_114 : i32
          %iota3A = tpu.iota {dimensions = array<i32: 0>} : vector<16xi32>
          %add3A_116 = vector.broadcast %mul3A_115 : i32 to vector<16xi32>
          %add3A_117 = arith.addi %add3A_116, %iota3A : vector<16xi32>
          %broadcast_in_dim3A = arith.constant 0 : i32
          %broadcast_in_dim3A_118 = vector.broadcast %broadcast_in_dim3A : i32 to vector<16xi32>
          %gather3A = tpu.vector_load_idx %arg9[%add3A_117, %broadcast_in_dim3A_118] : memref<512x32xf32, #tpu.memory_space<vmem>>[vector<16xi32>, vector<16xi32>], vector<16xf32>,
          %mul3A_119 = arith.constant 16 : i32
          %mul3A_120 = arith.muli %scan3A_113, %mul3A_119 : i32
          %swap3A = arith.constant 0 : i32
          %swap3A_121 = arith.index_cast %swap3A : i32 to index
          %swap3A_122 = arith.index_cast %mul3A_120 : i32 to index
          %swap3A_123 = tpu.vector_load %arg11[%swap3A_121, %swap3A_122] {strides = array<i32>} : memref<32x512xf32, #tpu.memory_space<vmem>>, vector<16xf32>,
          tpu.vector_store %arg11[%swap3A_121, %swap3A_122], %gather3A {strides = array<i32>} : memref<32x512xf32, #tpu.memory_space<vmem>>, vector<16xf32>,
          %broadcast_in_dim3A_124 = arith.constant 1 : i32
          %broadcast_in_dim3A_125 = vector.broadcast %broadcast_in_dim3A_124 : i32 to vector<16xi32>
          %gather3A_126 = tpu.vector_load_idx %arg9[%add3A_117, %broadcast_in_dim3A_125] : memref<512x32xf32, #tpu.memory_space<vmem>>[vector<16xi32>, vector<16xi32>], vector<16xf32>,
          %mul3A_127 = arith.constant 16 : i32
          %mul3A_128 = arith.muli %scan3A_113, %mul3A_127 : i32
          %swap3A_129 = arith.constant 1 : i32
          %swap3A_130 = arith.index_cast %swap3A_129 : i32 to index
          %swap3A_131 = arith.index_cast %mul3A_128 : i32 to index
          %swap3A_132 = tpu.vector_load %arg11[%swap3A_130, %swap3A_131] {strides = array<i32>} : memref<32x512xf32, #tpu.memory_space<vmem>>, vector<16xf32>,
          tpu.vector_store %arg11[%swap3A_130, %swap3A_131], %gather3A_126 {strides = array<i32>} : memref<32x512xf32, #tpu.memory_space<vmem>>, vector<16xf32>,
          %broadcast_in_dim3A_133 = arith.constant 2 : i32
          %broadcast_in_dim3A_134 = vector.broadcast %broadcast_in_dim3A_133 : i32 to vector<16xi32>
          %gather3A_135 = tpu.vector_load_idx %arg9[%add3A_117, %broadcast_in_dim3A_134] : memref<512x32xf32, #tpu.memory_space<vmem>>[vector<16xi32>, vector<16xi32>], vector<16xf32>,
          %mul3A_136 = arith.constant 16 : i32
          %mul3A_137 = arith.muli %scan3A_113, %mul3A_136 : i32
          %swap3A_138 = arith.constant 2 : i32
          %swap3A_139 = arith.index_cast %swap3A_138 : i32 to index
          %swap3A_140 = arith.index_cast %mul3A_137 : i32 to index
          %swap3A_141 = tpu.vector_load %arg11[%swap3A_139, %swap3A_140] {strides = array<i32>} : memref<32x512xf32, #tpu.memory_space<vmem>>, vector<16xf32>,
          tpu.vector_store %arg11[%swap3A_139, %swap3A_140], %gather3A_135 {strides = array<i32>} : memref<32x512xf32, #tpu.memory_space<vmem>>, vector<16xf32>,
          %broadcast_in_dim3A_142 = arith.constant 3 : i32
          %broadcast_in_dim3A_143 = vector.broadcast %broadcast_in_dim3A_142 : i32 to vector<16xi32>
          %gather3A_144 = tpu.vector_load_idx %arg9[%add3A_117, %broadcast_in_dim3A_143] : memref<512x32xf32, #tpu.memory_space<vmem>>[vector<16xi32>, vector<16xi32>], vector<16xf32>,
          %mul3A_145 = arith.constant 16 : i32
          %mul3A_146 = arith.muli %scan3A_113, %mul3A_145 : i32
          %swap3A_147 = arith.constant 3 : i32
          %swap3A_148 = arith.index_cast %swap3A_147 : i32 to index
          %swap3A_149 = arith.index_cast %mul3A_146 : i32 to index
          %swap3A_150 = tpu.vector_load %arg11[%swap3A_148, %swap3A_149] {strides = array<i32>} : memref<32x512xf32, #tpu.memory_space<vmem>>, vector<16xf32>,
          tpu.vector_store %arg11[%swap3A_148, %swap3A_149], %gather3A_144 {strides = array<i32>} : memref<32x512xf32, #tpu.memory_space<vmem>>, vector<16xf32>,
          %broadcast_in_dim3A_151 = arith.constant 4 : i32
          %broadcast_in_dim3A_152 = vector.broadcast %broadcast_in_dim3A_151 : i32 to vector<16xi32>
          %gather3A_153 = tpu.vector_load_idx %arg9[%add3A_117, %broadcast_in_dim3A_152] : memref<512x32xf32, #tpu.memory_space<vmem>>[vector<16xi32>, vector<16xi32>], vector<16xf32>,
          %mul3A_154 = arith.constant 16 : i32
          %mul3A_155 = arith.muli %scan3A_113, %mul3A_154 : i32
          %swap3A_156 = arith.constant 4 : i32
          %swap3A_157 = arith.index_cast %swap3A_156 : i32 to index
          %swap3A_158 = arith.index_cast %mul3A_155 : i32 to index
          %swap3A_159 = tpu.vector_load %arg11[%swap3A_157, %swap3A_158] {strides = array<i32>} : memref<32x512xf32, #tpu.memory_space<vmem>>, vector<16xf32>,
          tpu.vector_store %arg11[%swap3A_157, %swap3A_158], %gather3A_153 {strides = array<i32>} : memref<32x512xf32, #tpu.memory_space<vmem>>, vector<16xf32>,
          %broadcast_in_dim3A_160 = arith.constant 5 : i32
          %broadcast_in_dim3A_161 = vector.broadcast %broadcast_in_dim3A_160 : i32 to vector<16xi32>
          %gather3A_162 = tpu.vector_load_idx %arg9[%add3A_117, %broadcast_in_dim3A_161] : memref<512x32xf32, #tpu.memory_space<vmem>>[vector<16xi32>, vector<16xi32>], vector<16xf32>,
          %mul3A_163 = arith.constant 16 : i32
          %mul3A_164 = arith.muli %scan3A_113, %mul3A_163 : i32
          %swap3A_165 = arith.constant 5 : i32
          %swap3A_166 = arith.index_cast %swap3A_165 : i32 to index
          %swap3A_167 = arith.index_cast %mul3A_164 : i32 to index
          %swap3A_168 = tpu.vector_load %arg11[%swap3A_166, %swap3A_167] {strides = array<i32>} : memref<32x512xf32, #tpu.memory_space<vmem>>, vector<16xf32>,
          tpu.vector_store %arg11[%swap3A_166, %swap3A_167], %gather3A_162 {strides = array<i32>} : memref<32x512xf32, #tpu.memory_space<vmem>>, vector<16xf32>,
          %broadcast_in_dim3A_169 = arith.constant 6 : i32
          %broadcast_in_dim3A_170 = vector.broadcast %broadcast_in_dim3A_169 : i32 to vector<16xi32>
          %gather3A_171 = tpu.vector_load_idx %arg9[%add3A_117, %broadcast_in_dim3A_170] : memref<512x32xf32, #tpu.memory_space<vmem>>[vector<16xi32>, vector<16xi32>], vector<16xf32>,
          %mul3A_172 = arith.constant 16 : i32
          %mul3A_173 = arith.muli %scan3A_113, %mul3A_172 : i32
          %swap3A_174 = arith.constant 6 : i32
          %swap3A_175 = arith.index_cast %swap3A_174 : i32 to index
          %swap3A_176 = arith.index_cast %mul3A_173 : i32 to index
          %swap3A_177 = tpu.vector_load %arg11[%swap3A_175, %swap3A_176] {strides = array<i32>} : memref<32x512xf32, #tpu.memory_space<vmem>>, vector<16xf32>,
          tpu.vector_store %arg11[%swap3A_175, %swap3A_176], %gather3A_171 {strides = array<i32>} : memref<32x512xf32, #tpu.memory_space<vmem>>, vector<16xf32>,
          %broadcast_in_dim3A_178 = arith.constant 7 : i32
          %broadcast_in_dim3A_179 = vector.broadcast %broadcast_in_dim3A_178 : i32 to vector<16xi32>
          %gather3A_180 = tpu.vector_load_idx %arg9[%add3A_117, %broadcast_in_dim3A_179] : memref<512x32xf32, #tpu.memory_space<vmem>>[vector<16xi32>, vector<16xi32>], vector<16xf32>,
          %mul3A_181 = arith.constant 16 : i32
          %mul3A_182 = arith.muli %scan3A_113, %mul3A_181 : i32
          %swap3A_183 = arith.constant 7 : i32
          %swap3A_184 = arith.index_cast %swap3A_183 : i32 to index
          %swap3A_185 = arith.index_cast %mul3A_182 : i32 to index
          %swap3A_186 = tpu.vector_load %arg11[%swap3A_184, %swap3A_185] {strides = array<i32>} : memref<32x512xf32, #tpu.memory_space<vmem>>, vector<16xf32>,
          tpu.vector_store %arg11[%swap3A_184, %swap3A_185], %gather3A_180 {strides = array<i32>} : memref<32x512xf32, #tpu.memory_space<vmem>>, vector<16xf32>,
          %broadcast_in_dim3A_187 = arith.constant 8 : i32
          %broadcast_in_dim3A_188 = vector.broadcast %broadcast_in_dim3A_187 : i32 to vector<16xi32>
          %gather3A_189 = tpu.vector_load_idx %arg9[%add3A_117, %broadcast_in_dim3A_188] : memref<512x32xf32, #tpu.memory_space<vmem>>[vector<16xi32>, vector<16xi32>], vector<16xf32>,
          %mul3A_190 = arith.constant 16 : i32
          %mul3A_191 = arith.muli %scan3A_113, %mul3A_190 : i32
          %swap3A_192 = arith.constant 8 : i32
          %swap3A_193 = arith.index_cast %swap3A_192 : i32 to index
          %swap3A_194 = arith.index_cast %mul3A_191 : i32 to index
          %swap3A_195 = tpu.vector_load %arg11[%swap3A_193, %swap3A_194] {strides = array<i32>} : memref<32x512xf32, #tpu.memory_space<vmem>>, vector<16xf32>,
          tpu.vector_store %arg11[%swap3A_193, %swap3A_194], %gather3A_189 {strides = array<i32>} : memref<32x512xf32, #tpu.memory_space<vmem>>, vector<16xf32>,
          %broadcast_in_dim3A_196 = arith.constant 9 : i32
          %broadcast_in_dim3A_197 = vector.broadcast %broadcast_in_dim3A_196 : i32 to vector<16xi32>
          %gather3A_198 = tpu.vector_load_idx %arg9[%add3A_117, %broadcast_in_dim3A_197] : memref<512x32xf32, #tpu.memory_space<vmem>>[vector<16xi32>, vector<16xi32>], vector<16xf32>,
          %mul3A_199 = arith.constant 16 : i32
          %mul3A_200 = arith.muli %scan3A_113, %mul3A_199 : i32
          %swap3A_201 = arith.constant 9 : i32
          %swap3A_202 = arith.index_cast %swap3A_201 : i32 to index
          %swap3A_203 = arith.index_cast %mul3A_200 : i32 to index
          %swap3A_204 = tpu.vector_load %arg11[%swap3A_202, %swap3A_203] {strides = array<i32>} : memref<32x512xf32, #tpu.memory_space<vmem>>, vector<16xf32>,
          tpu.vector_store %arg11[%swap3A_202, %swap3A_203], %gather3A_198 {strides = array<i32>} : memref<32x512xf32, #tpu.memory_space<vmem>>, vector<16xf32>,
          %broadcast_in_dim3A_205 = arith.constant 10 : i32
          %broadcast_in_dim3A_206 = vector.broadcast %broadcast_in_dim3A_205 : i32 to vector<16xi32>
          %gather3A_207 = tpu.vector_load_idx %arg9[%add3A_117, %broadcast_in_dim3A_206] : memref<512x32xf32, #tpu.memory_space<vmem>>[vector<16xi32>, vector<16xi32>], vector<16xf32>,
          %mul3A_208 = arith.constant 16 : i32
          %mul3A_209 = arith.muli %scan3A_113, %mul3A_208 : i32
          %swap3A_210 = arith.constant 10 : i32
          %swap3A_211 = arith.index_cast %swap3A_210 : i32 to index
          %swap3A_212 = arith.index_cast %mul3A_209 : i32 to index
          %swap3A_213 = tpu.vector_load %arg11[%swap3A_211, %swap3A_212] {strides = array<i32>} : memref<32x512xf32, #tpu.memory_space<vmem>>, vector<16xf32>,
          tpu.vector_store %arg11[%swap3A_211, %swap3A_212], %gather3A_207 {strides = array<i32>} : memref<32x512xf32, #tpu.memory_space<vmem>>, vector<16xf32>,
          %broadcast_in_dim3A_214 = arith.constant 11 : i32
          %broadcast_in_dim3A_215 = vector.broadcast %broadcast_in_dim3A_214 : i32 to vector<16xi32>
          %gather3A_216 = tpu.vector_load_idx %arg9[%add3A_117, %broadcast_in_dim3A_215] : memref<512x32xf32, #tpu.memory_space<vmem>>[vector<16xi32>, vector<16xi32>], vector<16xf32>,
          %mul3A_217 = arith.constant 16 : i32
          %mul3A_218 = arith.muli %scan3A_113, %mul3A_217 : i32
          %swap3A_219 = arith.constant 11 : i32
          %swap3A_220 = arith.index_cast %swap3A_219 : i32 to index
          %swap3A_221 = arith.index_cast %mul3A_218 : i32 to index
          %swap3A_222 = tpu.vector_load %arg11[%swap3A_220, %swap3A_221] {strides = array<i32>} : memref<32x512xf32, #tpu.memory_space<vmem>>, vector<16xf32>,
          tpu.vector_store %arg11[%swap3A_220, %swap3A_221], %gather3A_216 {strides = array<i32>} : memref<32x512xf32, #tpu.memory_space<vmem>>, vector<16xf32>,
          %broadcast_in_dim3A_223 = arith.constant 12 : i32
          %broadcast_in_dim3A_224 = vector.broadcast %broadcast_in_dim3A_223 : i32 to vector<16xi32>
          %gather3A_225 = tpu.vector_load_idx %arg9[%add3A_117, %broadcast_in_dim3A_224] : memref<512x32xf32, #tpu.memory_space<vmem>>[vector<16xi32>, vector<16xi32>], vector<16xf32>,
          %mul3A_226 = arith.constant 16 : i32
          %mul3A_227 = arith.muli %scan3A_113, %mul3A_226 : i32
          %swap3A_228 = arith.constant 12 : i32
          %swap3A_229 = arith.index_cast %swap3A_228 : i32 to index
          %swap3A_230 = arith.index_cast %mul3A_227 : i32 to index
          %swap3A_231 = tpu.vector_load %arg11[%swap3A_229, %swap3A_230] {strides = array<i32>} : memref<32x512xf32, #tpu.memory_space<vmem>>, vector<16xf32>,
          tpu.vector_store %arg11[%swap3A_229, %swap3A_230], %gather3A_225 {strides = array<i32>} : memref<32x512xf32, #tpu.memory_space<vmem>>, vector<16xf32>,
          %broadcast_in_dim3A_232 = arith.constant 13 : i32
          %broadcast_in_dim3A_233 = vector.broadcast %broadcast_in_dim3A_232 : i32 to vector<16xi32>
          %gather3A_234 = tpu.vector_load_idx %arg9[%add3A_117, %broadcast_in_dim3A_233] : memref<512x32xf32, #tpu.memory_space<vmem>>[vector<16xi32>, vector<16xi32>], vector<16xf32>,
          %mul3A_235 = arith.constant 16 : i32
          %mul3A_236 = arith.muli %scan3A_113, %mul3A_235 : i32
          %swap3A_237 = arith.constant 13 : i32
          %swap3A_238 = arith.index_cast %swap3A_237 : i32 to index
          %swap3A_239 = arith.index_cast %mul3A_236 : i32 to index
          %swap3A_240 = tpu.vector_load %arg11[%swap3A_238, %swap3A_239] {strides = array<i32>} : memref<32x512xf32, #tpu.memory_space<vmem>>, vector<16xf32>,
          tpu.vector_store %arg11[%swap3A_238, %swap3A_239], %gather3A_234 {strides = array<i32>} : memref<32x512xf32, #tpu.memory_space<vmem>>, vector<16xf32>,
          %broadcast_in_dim3A_241 = arith.constant 14 : i32
          %broadcast_in_dim3A_242 = vector.broadcast %broadcast_in_dim3A_241 : i32 to vector<16xi32>
          %gather3A_243 = tpu.vector_load_idx %arg9[%add3A_117, %broadcast_in_dim3A_242] : memref<512x32xf32, #tpu.memory_space<vmem>>[vector<16xi32>, vector<16xi32>], vector<16xf32>,
          %mul3A_244 = arith.constant 16 : i32
          %mul3A_245 = arith.muli %scan3A_113, %mul3A_244 : i32
          %swap3A_246 = arith.constant 14 : i32
          %swap3A_247 = arith.index_cast %swap3A_246 : i32 to index
          %swap3A_248 = arith.index_cast %mul3A_245 : i32 to index
          %swap3A_249 = tpu.vector_load %arg11[%swap3A_247, %swap3A_248] {strides = array<i32>} : memref<32x512xf32, #tpu.memory_space<vmem>>, vector<16xf32>,
          tpu.vector_store %arg11[%swap3A_247, %swap3A_248], %gather3A_243 {strides = array<i32>} : memref<32x512xf32, #tpu.memory_space<vmem>>, vector<16xf32>,
          %broadcast_in_dim3A_250 = arith.constant 15 : i32
          %broadcast_in_dim3A_251 = vector.broadcast %broadcast_in_dim3A_250 : i32 to vector<16xi32>
          %gather3A_252 = tpu.vector_load_idx %arg9[%add3A_117, %broadcast_in_dim3A_251] : memref<512x32xf32, #tpu.memory_space<vmem>>[vector<16xi32>, vector<16xi32>], vector<16xf32>,
          %mul3A_253 = arith.constant 16 : i32
          %mul3A_254 = arith.muli %scan3A_113, %mul3A_253 : i32
          %swap3A_255 = arith.constant 15 : i32
          %swap3A_256 = arith.index_cast %swap3A_255 : i32 to index
          %swap3A_257 = arith.index_cast %mul3A_254 : i32 to index
          %swap3A_258 = tpu.vector_load %arg11[%swap3A_256, %swap3A_257] {strides = array<i32>} : memref<32x512xf32, #tpu.memory_space<vmem>>, vector<16xf32>,
          tpu.vector_store %arg11[%swap3A_256, %swap3A_257], %gather3A_252 {strides = array<i32>} : memref<32x512xf32, #tpu.memory_space<vmem>>, vector<16xf32>,
          %broadcast_in_dim3A_259 = arith.constant 16 : i32
          %broadcast_in_dim3A_260 = vector.broadcast %broadcast_in_dim3A_259 : i32 to vector<16xi32>
          %gather3A_261 = tpu.vector_load_idx %arg9[%add3A_117, %broadcast_in_dim3A_260] : memref<512x32xf32, #tpu.memory_space<vmem>>[vector<16xi32>, vector<16xi32>], vector<16xf32>,
          %mul3A_262 = arith.constant 16 : i32
          %mul3A_263 = arith.muli %scan3A_113, %mul3A_262 : i32
          %swap3A_264 = arith.constant 16 : i32
          %swap3A_265 = arith.index_cast %swap3A_264 : i32 to index
          %swap3A_266 = arith.index_cast %mul3A_263 : i32 to index
          %swap3A_267 = tpu.vector_load %arg11[%swap3A_265, %swap3A_266] {strides = array<i32>} : memref<32x512xf32, #tpu.memory_space<vmem>>, vector<16xf32>,
          tpu.vector_store %arg11[%swap3A_265, %swap3A_266], %gather3A_261 {strides = array<i32>} : memref<32x512xf32, #tpu.memory_space<vmem>>, vector<16xf32>,
          %broadcast_in_dim3A_268 = arith.constant 17 : i32
          %broadcast_in_dim3A_269 = vector.broadcast %broadcast_in_dim3A_268 : i32 to vector<16xi32>
          %gather3A_270 = tpu.vector_load_idx %arg9[%add3A_117, %broadcast_in_dim3A_269] : memref<512x32xf32, #tpu.memory_space<vmem>>[vector<16xi32>, vector<16xi32>], vector<16xf32>,
          %mul3A_271 = arith.constant 16 : i32
          %mul3A_272 = arith.muli %scan3A_113, %mul3A_271 : i32
          %swap3A_273 = arith.constant 17 : i32
          %swap3A_274 = arith.index_cast %swap3A_273 : i32 to index
          %swap3A_275 = arith.index_cast %mul3A_272 : i32 to index
          %swap3A_276 = tpu.vector_load %arg11[%swap3A_274, %swap3A_275] {strides = array<i32>} : memref<32x512xf32, #tpu.memory_space<vmem>>, vector<16xf32>,
          tpu.vector_store %arg11[%swap3A_274, %swap3A_275], %gather3A_270 {strides = array<i32>} : memref<32x512xf32, #tpu.memory_space<vmem>>, vector<16xf32>,
          %broadcast_in_dim3A_277 = arith.constant 18 : i32
          %broadcast_in_dim3A_278 = vector.broadcast %broadcast_in_dim3A_277 : i32 to vector<16xi32>
          %gather3A_279 = tpu.vector_load_idx %arg9[%add3A_117, %broadcast_in_dim3A_278] : memref<512x32xf32, #tpu.memory_space<vmem>>[vector<16xi32>, vector<16xi32>], vector<16xf32>,
          %mul3A_280 = arith.constant 16 : i32
          %mul3A_281 = arith.muli %scan3A_113, %mul3A_280 : i32
          %swap3A_282 = arith.constant 18 : i32
          %swap3A_283 = arith.index_cast %swap3A_282 : i32 to index
          %swap3A_284 = arith.index_cast %mul3A_281 : i32 to index
          %swap3A_285 = tpu.vector_load %arg11[%swap3A_283, %swap3A_284] {strides = array<i32>} : memref<32x512xf32, #tpu.memory_space<vmem>>, vector<16xf32>,
          tpu.vector_store %arg11[%swap3A_283, %swap3A_284], %gather3A_279 {strides = array<i32>} : memref<32x512xf32, #tpu.memory_space<vmem>>, vector<16xf32>,
          %broadcast_in_dim3A_286 = arith.constant 19 : i32
          %broadcast_in_dim3A_287 = vector.broadcast %broadcast_in_dim3A_286 : i32 to vector<16xi32>
          %gather3A_288 = tpu.vector_load_idx %arg9[%add3A_117, %broadcast_in_dim3A_287] : memref<512x32xf32, #tpu.memory_space<vmem>>[vector<16xi32>, vector<16xi32>], vector<16xf32>,
          %mul3A_289 = arith.constant 16 : i32
          %mul3A_290 = arith.muli %scan3A_113, %mul3A_289 : i32
          %swap3A_291 = arith.constant 19 : i32
          %swap3A_292 = arith.index_cast %swap3A_291 : i32 to index
          %swap3A_293 = arith.index_cast %mul3A_290 : i32 to index
          %swap3A_294 = tpu.vector_load %arg11[%swap3A_292, %swap3A_293] {strides = array<i32>} : memref<32x512xf32, #tpu.memory_space<vmem>>, vector<16xf32>,
          tpu.vector_store %arg11[%swap3A_292, %swap3A_293], %gather3A_288 {strides = array<i32>} : memref<32x512xf32, #tpu.memory_space<vmem>>, vector<16xf32>,
          %broadcast_in_dim3A_295 = arith.constant 20 : i32
          %broadcast_in_dim3A_296 = vector.broadcast %broadcast_in_dim3A_295 : i32 to vector<16xi32>
          %gather3A_297 = tpu.vector_load_idx %arg9[%add3A_117, %broadcast_in_dim3A_296] : memref<512x32xf32, #tpu.memory_space<vmem>>[vector<16xi32>, vector<16xi32>], vector<16xf32>,
          %mul3A_298 = arith.constant 16 : i32
          %mul3A_299 = arith.muli %scan3A_113, %mul3A_298 : i32
          %swap3A_300 = arith.constant 20 : i32
          %swap3A_301 = arith.index_cast %swap3A_300 : i32 to index
          %swap3A_302 = arith.index_cast %mul3A_299 : i32 to index
          %swap3A_303 = tpu.vector_load %arg11[%swap3A_301, %swap3A_302] {strides = array<i32>} : memref<32x512xf32, #tpu.memory_space<vmem>>, vector<16xf32>,
          tpu.vector_store %arg11[%swap3A_301, %swap3A_302], %gather3A_297 {strides = array<i32>} : memref<32x512xf32, #tpu.memory_space<vmem>>, vector<16xf32>,
          %broadcast_in_dim3A_304 = arith.constant 21 : i32
          %broadcast_in_dim3A_305 = vector.broadcast %broadcast_in_dim3A_304 : i32 to vector<16xi32>
          %gather3A_306 = tpu.vector_load_idx %arg9[%add3A_117, %broadcast_in_dim3A_305] : memref<512x32xf32, #tpu.memory_space<vmem>>[vector<16xi32>, vector<16xi32>], vector<16xf32>,
          %mul3A_307 = arith.constant 16 : i32
          %mul3A_308 = arith.muli %scan3A_113, %mul3A_307 : i32
          %swap3A_309 = arith.constant 21 : i32
          %swap3A_310 = arith.index_cast %swap3A_309 : i32 to index
          %swap3A_311 = arith.index_cast %mul3A_308 : i32 to index
          %swap3A_312 = tpu.vector_load %arg11[%swap3A_310, %swap3A_311] {strides = array<i32>} : memref<32x512xf32, #tpu.memory_space<vmem>>, vector<16xf32>,
          tpu.vector_store %arg11[%swap3A_310, %swap3A_311], %gather3A_306 {strides = array<i32>} : memref<32x512xf32, #tpu.memory_space<vmem>>, vector<16xf32>,
          %broadcast_in_dim3A_313 = arith.constant 22 : i32
          %broadcast_in_dim3A_314 = vector.broadcast %broadcast_in_dim3A_313 : i32 to vector<16xi32>
          %gather3A_315 = tpu.vector_load_idx %arg9[%add3A_117, %broadcast_in_dim3A_314] : memref<512x32xf32, #tpu.memory_space<vmem>>[vector<16xi32>, vector<16xi32>], vector<16xf32>,
          %mul3A_316 = arith.constant 16 : i32
          %mul3A_317 = arith.muli %scan3A_113, %mul3A_316 : i32
          %swap3A_318 = arith.constant 22 : i32
          %swap3A_319 = arith.index_cast %swap3A_318 : i32 to index
          %swap3A_320 = arith.index_cast %mul3A_317 : i32 to index
          %swap3A_321 = tpu.vector_load %arg11[%swap3A_319, %swap3A_320] {strides = array<i32>} : memref<32x512xf32, #tpu.memory_space<vmem>>, vector<16xf32>,
          tpu.vector_store %arg11[%swap3A_319, %swap3A_320], %gather3A_315 {strides = array<i32>} : memref<32x512xf32, #tpu.memory_space<vmem>>, vector<16xf32>,
          %broadcast_in_dim3A_322 = arith.constant 23 : i32
          %broadcast_in_dim3A_323 = vector.broadcast %broadcast_in_dim3A_322 : i32 to vector<16xi32>
          %gather3A_324 = tpu.vector_load_idx %arg9[%add3A_117, %broadcast_in_dim3A_323] : memref<512x32xf32, #tpu.memory_space<vmem>>[vector<16xi32>, vector<16xi32>], vector<16xf32>,
          %mul3A_325 = arith.constant 16 : i32
          %mul3A_326 = arith.muli %scan3A_113, %mul3A_325 : i32
          %swap3A_327 = arith.constant 23 : i32
          %swap3A_328 = arith.index_cast %swap3A_327 : i32 to index
          %swap3A_329 = arith.index_cast %mul3A_326 : i32 to index
          %swap3A_330 = tpu.vector_load %arg11[%swap3A_328, %swap3A_329] {strides = array<i32>} : memref<32x512xf32, #tpu.memory_space<vmem>>, vector<16xf32>,
          tpu.vector_store %arg11[%swap3A_328, %swap3A_329], %gather3A_324 {strides = array<i32>} : memref<32x512xf32, #tpu.memory_space<vmem>>, vector<16xf32>,
          %broadcast_in_dim3A_331 = arith.constant 24 : i32
          %broadcast_in_dim3A_332 = vector.broadcast %broadcast_in_dim3A_331 : i32 to vector<16xi32>
          %gather3A_333 = tpu.vector_load_idx %arg9[%add3A_117, %broadcast_in_dim3A_332] : memref<512x32xf32, #tpu.memory_space<vmem>>[vector<16xi32>, vector<16xi32>], vector<16xf32>,
          %mul3A_334 = arith.constant 16 : i32
          %mul3A_335 = arith.muli %scan3A_113, %mul3A_334 : i32
          %swap3A_336 = arith.constant 24 : i32
          %swap3A_337 = arith.index_cast %swap3A_336 : i32 to index
          %swap3A_338 = arith.index_cast %mul3A_335 : i32 to index
          %swap3A_339 = tpu.vector_load %arg11[%swap3A_337, %swap3A_338] {strides = array<i32>} : memref<32x512xf32, #tpu.memory_space<vmem>>, vector<16xf32>,
          tpu.vector_store %arg11[%swap3A_337, %swap3A_338], %gather3A_333 {strides = array<i32>} : memref<32x512xf32, #tpu.memory_space<vmem>>, vector<16xf32>,
          %broadcast_in_dim3A_340 = arith.constant 25 : i32
          %broadcast_in_dim3A_341 = vector.broadcast %broadcast_in_dim3A_340 : i32 to vector<16xi32>
          %gather3A_342 = tpu.vector_load_idx %arg9[%add3A_117, %broadcast_in_dim3A_341] : memref<512x32xf32, #tpu.memory_space<vmem>>[vector<16xi32>, vector<16xi32>], vector<16xf32>,
          %mul3A_343 = arith.constant 16 : i32
          %mul3A_344 = arith.muli %scan3A_113, %mul3A_343 : i32
          %swap3A_345 = arith.constant 25 : i32
          %swap3A_346 = arith.index_cast %swap3A_345 : i32 to index
          %swap3A_347 = arith.index_cast %mul3A_344 : i32 to index
          %swap3A_348 = tpu.vector_load %arg11[%swap3A_346, %swap3A_347] {strides = array<i32>} : memref<32x512xf32, #tpu.memory_space<vmem>>, vector<16xf32>,
          tpu.vector_store %arg11[%swap3A_346, %swap3A_347], %gather3A_342 {strides = array<i32>} : memref<32x512xf32, #tpu.memory_space<vmem>>, vector<16xf32>,
          %broadcast_in_dim3A_349 = arith.constant 26 : i32
          %broadcast_in_dim3A_350 = vector.broadcast %broadcast_in_dim3A_349 : i32 to vector<16xi32>
          %gather3A_351 = tpu.vector_load_idx %arg9[%add3A_117, %broadcast_in_dim3A_350] : memref<512x32xf32, #tpu.memory_space<vmem>>[vector<16xi32>, vector<16xi32>], vector<16xf32>,
          %mul3A_352 = arith.constant 16 : i32
          %mul3A_353 = arith.muli %scan3A_113, %mul3A_352 : i32
          %swap3A_354 = arith.constant 26 : i32
          %swap3A_355 = arith.index_cast %swap3A_354 : i32 to index
          %swap3A_356 = arith.index_cast %mul3A_353 : i32 to index
          %swap3A_357 = tpu.vector_load %arg11[%swap3A_355, %swap3A_356] {strides = array<i32>} : memref<32x512xf32, #tpu.memory_space<vmem>>, vector<16xf32>,
          tpu.vector_store %arg11[%swap3A_355, %swap3A_356], %gather3A_351 {strides = array<i32>} : memref<32x512xf32, #tpu.memory_space<vmem>>, vector<16xf32>,
          %broadcast_in_dim3A_358 = arith.constant 27 : i32
          %broadcast_in_dim3A_359 = vector.broadcast %broadcast_in_dim3A_358 : i32 to vector<16xi32>
          %gather3A_360 = tpu.vector_load_idx %arg9[%add3A_117, %broadcast_in_dim3A_359] : memref<512x32xf32, #tpu.memory_space<vmem>>[vector<16xi32>, vector<16xi32>], vector<16xf32>,
          %mul3A_361 = arith.constant 16 : i32
          %mul3A_362 = arith.muli %scan3A_113, %mul3A_361 : i32
          %swap3A_363 = arith.constant 27 : i32
          %swap3A_364 = arith.index_cast %swap3A_363 : i32 to index
          %swap3A_365 = arith.index_cast %mul3A_362 : i32 to index
          %swap3A_366 = tpu.vector_load %arg11[%swap3A_364, %swap3A_365] {strides = array<i32>} : memref<32x512xf32, #tpu.memory_space<vmem>>, vector<16xf32>,
          tpu.vector_store %arg11[%swap3A_364, %swap3A_365], %gather3A_360 {strides = array<i32>} : memref<32x512xf32, #tpu.memory_space<vmem>>, vector<16xf32>,
          %broadcast_in_dim3A_367 = arith.constant 28 : i32
          %broadcast_in_dim3A_368 = vector.broadcast %broadcast_in_dim3A_367 : i32 to vector<16xi32>
          %gather3A_369 = tpu.vector_load_idx %arg9[%add3A_117, %broadcast_in_dim3A_368] : memref<512x32xf32, #tpu.memory_space<vmem>>[vector<16xi32>, vector<16xi32>], vector<16xf32>,
          %mul3A_370 = arith.constant 16 : i32
          %mul3A_371 = arith.muli %scan3A_113, %mul3A_370 : i32
          %swap3A_372 = arith.constant 28 : i32
          %swap3A_373 = arith.index_cast %swap3A_372 : i32 to index
          %swap3A_374 = arith.index_cast %mul3A_371 : i32 to index
          %swap3A_375 = tpu.vector_load %arg11[%swap3A_373, %swap3A_374] {strides = array<i32>} : memref<32x512xf32, #tpu.memory_space<vmem>>, vector<16xf32>,
          tpu.vector_store %arg11[%swap3A_373, %swap3A_374], %gather3A_369 {strides = array<i32>} : memref<32x512xf32, #tpu.memory_space<vmem>>, vector<16xf32>,
          %broadcast_in_dim3A_376 = arith.constant 29 : i32
          %broadcast_in_dim3A_377 = vector.broadcast %broadcast_in_dim3A_376 : i32 to vector<16xi32>
          %gather3A_378 = tpu.vector_load_idx %arg9[%add3A_117, %broadcast_in_dim3A_377] : memref<512x32xf32, #tpu.memory_space<vmem>>[vector<16xi32>, vector<16xi32>], vector<16xf32>,
          %mul3A_379 = arith.constant 16 : i32
          %mul3A_380 = arith.muli %scan3A_113, %mul3A_379 : i32
          %swap3A_381 = arith.constant 29 : i32
          %swap3A_382 = arith.index_cast %swap3A_381 : i32 to index
          %swap3A_383 = arith.index_cast %mul3A_380 : i32 to index
          %swap3A_384 = tpu.vector_load %arg11[%swap3A_382, %swap3A_383] {strides = array<i32>} : memref<32x512xf32, #tpu.memory_space<vmem>>, vector<16xf32>,
          tpu.vector_store %arg11[%swap3A_382, %swap3A_383], %gather3A_378 {strides = array<i32>} : memref<32x512xf32, #tpu.memory_space<vmem>>, vector<16xf32>,
          %broadcast_in_dim3A_385 = arith.constant 30 : i32
          %broadcast_in_dim3A_386 = vector.broadcast %broadcast_in_dim3A_385 : i32 to vector<16xi32>
          %gather3A_387 = tpu.vector_load_idx %arg9[%add3A_117, %broadcast_in_dim3A_386] : memref<512x32xf32, #tpu.memory_space<vmem>>[vector<16xi32>, vector<16xi32>], vector<16xf32>,
          %mul3A_388 = arith.constant 16 : i32
          %mul3A_389 = arith.muli %scan3A_113, %mul3A_388 : i32
          %swap3A_390 = arith.constant 30 : i32
          %swap3A_391 = arith.index_cast %swap3A_390 : i32 to index
          %swap3A_392 = arith.index_cast %mul3A_389 : i32 to index
          %swap3A_393 = tpu.vector_load %arg11[%swap3A_391, %swap3A_392] {strides = array<i32>} : memref<32x512xf32, #tpu.memory_space<vmem>>, vector<16xf32>,
          tpu.vector_store %arg11[%swap3A_391, %swap3A_392], %gather3A_387 {strides = array<i32>} : memref<32x512xf32, #tpu.memory_space<vmem>>, vector<16xf32>,
          %broadcast_in_dim3A_394 = arith.constant 31 : i32
          %broadcast_in_dim3A_395 = vector.broadcast %broadcast_in_dim3A_394 : i32 to vector<16xi32>
          %gather3A_396 = tpu.vector_load_idx %arg9[%add3A_117, %broadcast_in_dim3A_395] : memref<512x32xf32, #tpu.memory_space<vmem>>[vector<16xi32>, vector<16xi32>], vector<16xf32>,
          %mul3A_397 = arith.constant 16 : i32
          %mul3A_398 = arith.muli %scan3A_113, %mul3A_397 : i32
          %swap3A_399 = arith.constant 31 : i32
          %swap3A_400 = arith.index_cast %swap3A_399 : i32 to index
          %swap3A_401 = arith.index_cast %mul3A_398 : i32 to index
          %swap3A_402 = tpu.vector_load %arg11[%swap3A_400, %swap3A_401] {strides = array<i32>} : memref<32x512xf32, #tpu.memory_space<vmem>>, vector<16xf32>,
          tpu.vector_store %arg11[%swap3A_400, %swap3A_401], %gather3A_396 {strides = array<i32>} : memref<32x512xf32, #tpu.memory_space<vmem>>, vector<16xf32>,
        }
        %scan3A_99 = arith.constant 32 : i32
        %dma_start3A_100 = arith.constant 0 : i32
        %dma_start3A_101 = tpu.memref_slice %arg4[%add3A_78, %dma_start3A_100, %mul3A_2] : memref<50x32x16384xf32, #tpu.memory_space<hbm>> -> memref<1x32x512xf32, #tpu.memory_space<hbm>>
        %dma_start3A_102 = tpu.memref_squeeze %dma_start3A_101 : memref<1x32x512xf32, #tpu.memory_space<hbm>> -> memref<32x512xf32, #tpu.memory_space<hbm>>
        %dma_start3A_103 = arith.constant 0 : i32
        %dma_start3A_104 = tpu.memref_slice %arg4[%add3A_78, %dma_start3A_103, %mul3A_2] : memref<50x32x16384xf32, #tpu.memory_space<hbm>> -> memref<1x32x512xf32, #tpu.memory_space<hbm>>
        %dma_start3A_105 = tpu.memref_squeeze %dma_start3A_104 : memref<1x32x512xf32, #tpu.memory_space<hbm>> -> memref<32x512xf32, #tpu.memory_space<hbm>>
        tpu.enqueue_dma source(%arg11 : memref<32x512xf32, #tpu.memory_space<vmem>>) target(%dma_start3A_105 : memref<32x512xf32, #tpu.memory_space<hbm>>) target_semaphore(%arg18 : memref<!tpu.dma_semaphore, #tpu.memory_space<semaphore_mem>>)
        %add3A_106 = arith.constant 4 : i32
        %add3A_107 = arith.addi %add3A_78, %add3A_106 : i32
        %lt3A_108 = arith.constant 50 : i32
        %lt3A_109 = arith.cmpi slt, %add3A_107, %lt3A_108 : i32
        %convert_element_type3A_110 = arith.extui %lt3A_109 : i1 to i32
        %cond3A_111 = arith.constant 0 : i32
        %cond3A_112 = arith.cmpi ne, %convert_element_type3A_110, %cond3A_111 : i32
        scf.if %cond3A_112 {
          %add3A_113 = arith.constant 4 : i32
          %add3A_114 = arith.addi %add3A_78, %add3A_113 : i32
          %dma_start3A_115 = arith.constant 0 : i32
          %dma_start3A_116 = tpu.memref_slice %arg5[%add3A_114, %dma_start3A_115] : memref<50x512xi32, #tpu.memory_space<vmem>> -> memref<1x512xi32, #tpu.memory_space<vmem>>
          %dma_start3A_117 = tpu.memref_squeeze %dma_start3A_116 : memref<1x512xi32, #tpu.memory_space<vmem>> -> memref<512xi32, #tpu.memory_space<vmem>>
          %dma_start3A_118 = arith.constant 0 : i32
          %dma_start3A_119 = arith.constant 0 : i32
          %dma_start3A_120 = tpu.memref_slice %arg2[%dma_start3A_118, %dma_start3A_119] : memref<1000000x32xf32, #tpu.memory_space<hbm>> -> memref<1000000x32xf32, #tpu.memory_space<hbm>>
          tpu.enqueue_indirect_dma source(%dma_start3A_120 : memref<1000000x32xf32, #tpu.memory_space<hbm>>) target(%arg9 : memref<512x32xf32, #tpu.memory_space<vmem>>) offsets(%dma_start3A_117 : memref<512xi32, #tpu.memory_space<vmem>>) semaphore(%arg16 : memref<!tpu.dma_semaphore, #tpu.memory_space<semaphore_mem>>)
        } else {
        }
      } else {
      }
    }
    %scan3A_41 = arith.constant 13 : i32
    %dma_wait3A_42 = arith.constant 48 : i32
    %dma_wait3A_43 = arith.constant 0 : i32
    %dma_wait3A_44 = tpu.memref_slice %arg4[%dma_wait3A_42, %dma_wait3A_43, %mul3A_2] : memref<50x32x16384xf32, #tpu.memory_space<hbm>> -> memref<1x32x512xf32, #tpu.memory_space<hbm>>
    %dma_wait3A_45 = tpu.memref_squeeze %dma_wait3A_44 : memref<1x32x512xf32, #tpu.memory_space<hbm>> -> memref<32x512xf32, #tpu.memory_space<hbm>>
    %dma_wait3A_46 = arith.constant 0 : i32
    %dma_wait3A_47 = tpu.memref_slice %arg4[%dma_wait3A_42, %dma_wait3A_46, %mul3A_2] : memref<50x32x16384xf32, #tpu.memory_space<hbm>> -> memref<1x32x512xf32, #tpu.memory_space<hbm>>
    %dma_wait3A_48 = tpu.memref_squeeze %dma_wait3A_47 : memref<1x32x512xf32, #tpu.memory_space<hbm>> -> memref<32x512xf32, #tpu.memory_space<hbm>>
    tpu.wait_dma2 semaphore(%arg17 : memref<!tpu.dma_semaphore, #tpu.memory_space<semaphore_mem>>) src(%arg10 : memref<32x512xf32, #tpu.memory_space<vmem>>) dst(%dma_wait3A_48 : memref<32x512xf32, #tpu.memory_space<hbm>>)
    %dma_wait3A_49 = arith.constant 49 : i32
    %dma_wait3A_50 = arith.constant 0 : i32
    %dma_wait3A_51 = tpu.memref_slice %arg4[%dma_wait3A_49, %dma_wait3A_50, %mul3A_2] : memref<50x32x16384xf32, #tpu.memory_space<hbm>> -> memref<1x32x512xf32, #tpu.memory_space<hbm>>
    %dma_wait3A_52 = tpu.memref_squeeze %dma_wait3A_51 : memref<1x32x512xf32, #tpu.memory_space<hbm>> -> memref<32x512xf32, #tpu.memory_space<hbm>>
    %dma_wait3A_53 = arith.constant 0 : i32
    %dma_wait3A_54 = tpu.memref_slice %arg4[%dma_wait3A_49, %dma_wait3A_53, %mul3A_2] : memref<50x32x16384xf32, #tpu.memory_space<hbm>> -> memref<1x32x512xf32, #tpu.memory_space<hbm>>
    %dma_wait3A_55 = tpu.memref_squeeze %dma_wait3A_54 : memref<1x32x512xf32, #tpu.memory_space<hbm>> -> memref<32x512xf32, #tpu.memory_space<hbm>>
    tpu.wait_dma2 semaphore(%arg18 : memref<!tpu.dma_semaphore, #tpu.memory_space<semaphore_mem>>) src(%arg11 : memref<32x512xf32, #tpu.memory_space<vmem>>) dst(%dma_wait3A_55 : memref<32x512xf32, #tpu.memory_space<hbm>>)
    return
  }
}

</mosaic_0001>

<sc_bundles>
// kernel: kernel.3.cloned.1.call-start
scs
__scs_entry_jumppad:
0x0: {  	(pc) =	sbr.rel $0x88, $3  }
0x1: {  	(tag) =	ssettag $0x0;
	lr =	simm.s32 $0x1  }
0x2: {  	[smem:$0x3F9F] =	sst lr;
	_ =	strace $0xD0000000  }
0x3: {  	_ = 	snop  }
0x4: {  	_ = 	snop  }
0x5: {  	_ = 	snop  }
0x6: {  	_ = 	snop  }
0x7: {  	_ = 	snop  }
__scs_overlays_trampoline_lowered:
0x8: {  	[smem:$0x3FAE] =	sst s0  }
0x9: {  	[smem:$0x3FAF] =	sst s1  }
0xa: {  	[smem:$0x3FB0] =	sst s2  }
0xb: {  	[smem:$0x3FB1] =	sst s3  }
0xc: {  	[smem:$0x3FB2] =	sst s4  }
0xd: {  	[smem:$0x3FB3] =	sst s5  }
0xe: {  	[smem:$0x3FB4] =	sst s6  }
0xf: {  	[smem:$0x3FB5] =	sst s7  }
0x10: {  	[smem:$0x3FB6] =	sst s8  }
0x11: {  	[smem:$0x3FB7] =	sst s9;
	s0 =	simm.s32 @!p0 $0x0  }
0x12: {  	s1 =	sld [smem:$0x3F9D];
	s0 =	simm.s32 @p0 $0x1  }
0x13: {  	[smem:$0x3FB8] =	sst s0;
	s0 =	simm.s32 @!p1 $0x0  }
0x14: {  	s2 =	sld [smem:$0x3F9C];
	s0 =	simm.s32 @p1 $0x1  }
0x15: {  	[smem:$0x3FB9] =	sst s0;
	s0 =	simm.s32 @!p2 $0x0  }
0x16: {  	s3 =	sld [smem:$0x3FDB];
	s0 =	simm.s32 @p2 $0x1  }
0x17: {  	s4 =	simm.s32 $0x1BF5;
	[smem:$0x3FBB] =	sst s0  }
0x18: {  	s0 =	sld [smem:$0x3F9E];
	_ =	swait.ge [sflag:s4], $0x0  }
0x19: {  	s7 =	sld [smem:$0x3F9F]  }
0x1a: {  	s8 =	sadd.s32 $0xFFFFE003, lr  }
0x1b: {  	s9 =	sadd.s32 $0xFFFFFEF7, lr;
	s5 =	simm.s32 $0xFFFFFFFF;
	p2 =	slt.u32 s8, $0xFFFFF086  }
0x1c: {  	p1 =	slt.u32 s9, $0xF7A;
	s5 =	simm.s32 @!p2 $0x0  }
0x1d: {  	s5 =	simm.s32 @p1 $0x1;
	p0 =	seq.s32 s7, s2  }
0x1e: {  	s7 =	smul.u32 @!p0 $0xF7A, s2;
	p2 =	seq.s32 @!p0 s5, $0x0  }
0x1f: {  	s9 =	smul.u32 $0xF7A, s1;
	s8 =	simm.s32 @!p0 $0x1BF5;
	p2 =	por !p2, p0  }
0x20: {  	[sflag:s8] =	ssyncset.s32 @!p0 $0xFFFFF086;
	s6 =	sadd.s32 @!p0 s3, s7;
	s7 =	simm.s32 @!p0 $0x108  }
0x21: {  	s3 =	sadd.s32 s3, s9;
	s6 =	sadd.s32 @!p0 $0x88, s6;
	s7 =	simm.s32 @p2 $0x1082  }
0x22: {  	[simem:s7], [sflag:s8] =	dma.local @!p0 [hbm:s6], $0xF7A  }
0x23: {  	s9 =	sor.u32 $0xD0000000, s2;
	s6 =	simm.s32 $0x108;
	_ =	swait.ge @!p0 [sflag:s8], $0x0  }
0x24: {  	s3 =	sadd.s32 $0x88, s3;
	s6 =	simm.s32 @!p1 $0x1082;
	[sflag:s4] =	ssyncset.s32 $0xFFFFF086  }
0x25: {  	[simem:s6], [sflag:s4] =	dma.local [hbm:s3], $0xF7A  }
0x26: {  	[smem:$0x3F9F] =	sst s1;
	(tag) =	ssettag s2;
	_ =	strace s9  }
0x27: {  	s1 =	sld [smem:$0x3FAF]  }
0x28: {  	s2 =	sld [smem:$0x3FB0]  }
0x29: {  	s4 =	sld [smem:$0x3FB2]  }
0x2a: {  	p0 =	seq.s32 s5, $0x0;
	s5 =	sld [smem:$0x3FB3]  }
0x2b: {  	s6 =	sld [smem:$0x3FB4]  }
0x2c: {  	s7 =	sld [smem:$0x3FB5]  }
0x2d: {  	s3 =	simm.s32 $0x108;
	s8 =	sld [smem:$0x3FB6]  }
0x2e: {  	s3 =	simm.s32 @!p0 $0x1082;
	s9 =	sld [smem:$0x3FB7]  }
0x2f: {  	lr =	sadd.s32 s0, s3;
	s0 =	sld [smem:$0x3FAE]  }
0x30: {  	s3 =	sld [smem:$0x3FB1]  }
0x31: {  	[smem:$0x3FBA] =	sst s10  }
0x32: {  	s10 =	sld [smem:$0x3FB8];
	_ =	sdelay $0x3  }
0x33: {  	p0 =	seq.s32 s10, $0x1;
	s10 =	sld [smem:$0x3FBA];
	_ =	sdelay $0x3  }
0x34: {  	[smem:$0x3FBA] =	sst s10  }
0x35: {  	s10 =	sld [smem:$0x3FB9];
	_ =	sdelay $0x3  }
0x36: {  	p1 =	seq.s32 s10, $0x1;
	s10 =	sld [smem:$0x3FBA];
	_ =	sdelay $0x3  }
0x37: {  	[smem:$0x3FBA] =	sst s10  }
0x38: {  	s10 =	sld [smem:$0x3FBB]  }
0x39: {  	_ = 	snop;
	(pc) =	sbr.ind lr, $3  }
0x3a: {  	_ = 	snop  }
0x3b: {  	_ = 	snop  }
0x3c: {  	p2 =	seq.s32 s10, $0x1;
	s10 =	sld [smem:$0x3FBA]  }
0x3d: {  	_ =	shalt  }
0x3e: {  	_ =	shalt  }
0x3f: {  	_ =	shalt  }
0x40: {  	_ =	shalt  }
0x41: {  	_ =	shalt  }
0x42: {  	_ =	shalt  }
0x43: {  	_ =	shalt  }
0x44: {  	_ =	shalt  }
0x45: {  	_ =	shalt  }
0x46: {  	_ =	shalt  }
0x47: {  	_ =	shalt  }
0x48: {  	_ =	shalt  }
0x49: {  	_ =	shalt  }
0x4a: {  	_ =	shalt  }
0x4b: {  	_ =	shalt  }
0x4c: {  	_ =	shalt  }
0x4d: {  	_ =	shalt  }
0x4e: {  	_ =	shalt  }
0x4f: {  	_ =	shalt  }
0x50: {  	_ =	shalt  }
0x51: {  	_ =	shalt  }
0x52: {  	_ =	shalt  }
0x53: {  	_ =	shalt  }
0x54: {  	_ =	shalt  }
0x55: {  	_ =	shalt  }
0x56: {  	_ =	shalt  }
0x57: {  	_ =	shalt  }
0x58: {  	_ =	shalt  }
0x59: {  	_ =	shalt  }
0x5a: {  	_ =	shalt  }
0x5b: {  	_ =	shalt  }
0x5c: {  	_ =	shalt  }
0x5d: {  	_ =	shalt  }
0x5e: {  	_ =	shalt  }
0x5f: {  	_ =	shalt  }
0x60: {  	_ =	shalt  }
0x61: {  	_ =	shalt  }
0x62: {  	_ =	shalt  }
0x63: {  	_ =	shalt  }
0x64: {  	_ =	shalt  }
0x65: {  	_ =	shalt  }
0x66: {  	_ =	shalt  }
0x67: {  	_ =	shalt  }
0x68: {  	_ =	shalt  }
0x69: {  	_ =	shalt  }
0x6a: {  	_ =	shalt  }
0x6b: {  	_ =	shalt  }
0x6c: {  	_ =	shalt  }
0x6d: {  	_ =	shalt  }
0x6e: {  	_ =	shalt  }
0x6f: {  	_ =	shalt  }
0x70: {  	_ =	shalt  }
0x71: {  	_ =	shalt  }
0x72: {  	_ =	shalt  }
0x73: {  	_ =	shalt  }
0x74: {  	_ =	shalt  }
0x75: {  	_ =	shalt  }
0x76: {  	_ =	shalt  }
0x77: {  	_ =	shalt  }
0x78: {  	_ =	shalt  }
0x79: {  	_ =	shalt  }
0x7a: {  	_ =	shalt  }
0x7b: {  	_ =	shalt  }
0x7c: {  	_ =	shalt  }
0x7d: {  	_ =	shalt  }
0x7e: {  	_ =	shalt  }
0x7f: {  	_ =	shalt  }
0x80: {  	_ =	shalt  }
0x81: {  	_ =	shalt  }
0x82: {  	_ =	shalt  }
0x83: {  	_ =	shalt  }
0x84: {  	_ =	shalt  }
0x85: {  	_ =	shalt  }
0x86: {  	_ =	shalt  }
0x87: {  	_ =	shalt  }
.Lfunc_end0:
.L_simem_size_0:
called_computation_lowered:
.L_overlay_start_0:
0x88: {  	s2 =	sld [smem:$0x3FD9]  }
0x89: {  	s3 =	sld [smem:$0x3FFE];
	_ =	sdelay $0x1  }
0x8a: {  	s1 =	srdreg.scid  }
0x8b: {  	s0 =	sand.u32 $0x1, s1  }
0x8c: {  	s17 =	sshll.u32 s0, $0xA;
	s2 =	sadd.s32 s3, s2  }
0x8d: {  	s2 =	sadd.s32 s2, s17  }
0x8e: {  	[smem:$0x3FC6] =	sst s2  }
0x8f: {  	_ = 	snop  }
0x90: {  	s2 =	sld [smem:$0x3FD0];
	(tm) =	ssettm $0x1  }
0x91: {  	s18 =	sld [smem:$0x3FFB];
	_ =	sdelay $0x3  }
0x92: {  	_ =	strace s18  }
0x93: {  	s3 =	sld [smem:$0x3FFC];
	_ =	sdelay $0x3  }
0x94: {  	_ =	strace s3  }
0x95: {  	s3 =	sld [smem:$0x3FFD];
	_ =	sdelay $0x3  }
0x96: {  	_ =	strace s3  }
0x97: {  	_ =	strace $0x8FFFFFFF  }
0x98: {  	s19 =	sld [smem:$0x3FDB];
	_ =	sdelay $0x1  }
0x99: {  	s4 =	simm.s32 $_scs_section_size  }
0x9a: {  	s5 =	simm.s32 $_size__tile_overlayer_lowered;
	s6 =	simm.s32 $_tile_overlayer_lowered  }
0x9b: {  	s22 =	simm.s32 $0x1BFF;
	s21 =	sshll.u32 s6, $0x1;
	s3 =	sadd.s32 s4, s19  }
0x9c: {  	s7 =	simm.s32 $0x0;
	s20 =	sshll.u32 s5, $0x1;
	s5 =	sadd.s32 s21, s3  }
0x9d: {  	[timem:s7], [sflag:s22] =	dma.local [hbm:s5], s20  }
0x9e: {  	_ =	swait.ge [sflag:s22], s20  }
0x9f: {  	s4 =	ssub.s32 $0x0, s20;
	[sflag:s22] =	ssyncset.done $0x0  }
0xa0: {  	[sflag:s22] =	ssyncadd.s32 s4;
	_ =	sdelay $0x1  }
0xa1: {  	s23 =	simm.s32 $0x1B8B  }
0xa2: {  	_ =	swait.ge [sflag:s23], $0x1  }
0xa3: {  	[sflag:s23] =	ssyncset.done $0x0  }
0xa4: {  	s25 =	simm.s32 $0x1B8E;
	s24 =	sld [smem:$0x3FFE];
	[sflag:s23] =	ssyncadd.s32 $0xFFFFFFFF  }
0xa5: {  	s26 =	simm.s32 $execute0_lowered;
	[smem:$0x3FD2] =	sst s25  }
0xa6: {  	s5 =	sshll.u32 s26, $0x1;
	_ =	strace $0x80000046;
	[dreg:$0x1] =	wrdreg $0xFFFFFFFF  }
0xa7: {  	s28 =	simm.s32 $_size_execute0_lowered;
	s3 =	sadd.s32 s3, s5;
	[dreg:$0x0] =	wrdreg $0x0  }
0xa8: {  	s5 =	sshll.u32 s28, $0x1;
	[dreg:$0x2] =	wrdreg s3  }
0xa9: {  	[dreg:$0x3] =	wrdreg s5  }
0xaa: {  	[dreg:$0x4] =	wrdreg $0xC0  }
0xab: {  	_ =	task [dreg:s7], $0x5FFFF  }
0xac: {  	[dreg:$0x1] =	wrdreg $0xFFFFFFFF  }
0xad: {  	[dreg:$0x0] =	wrdreg $0x60  }
0xae: {  	[dreg:$0x2] =	wrdreg s24  }
0xaf: {  	[dreg:$0x3] =	wrdreg s2  }
0xb0: {  	[dreg:$0x4] =	wrdreg $0x9  }
0xb1: {  	_ =	task.clear_ibuf [dreg:s7], $0x5FFFF;
	_ =	strace $0x90000046  }
0xb2: {  	s29 =	simm.s32 $0x9;
	_ =	strace $0x80000048  }
0xb3: {  	_ =	swait.ge [sflag:s29], $0x1  }
0xb4: {  	[sflag:s29] =	ssyncadd.s32 $0xFFFFFFFF  }
0xb5: {  	_ =	strace $0x90000048  }
0xb6: {  	_ =	sfence  }
0xb7: {  	s30 =	sld [smem:$0x0];
	_ =	sdelay $0x2  }
0xb8: {  	s31 =	sshll.u32 s1, $0xD;
	s1 =	sshrl.u32 s1, $0x2  }
0xb9: {  	s3 =	sand.u32 $0x4000, s31;
	s1 =	sadd.s32 s1, s30  }
0xba: {  	s0 =	sor.u32 s3, s0;
	s1 =	sshll.u32 s1, $0x11  }
0xbb: {  	s0 =	sor.u32 s1, s0  }
0xbc: {  	s0 =	sadd.s32 $0x8F2B, s0  }
0xbd: {  	[sflag:s0] =	ssyncadd.remote.s32 $0x1  }
0xbe: {  	_ =	sfence.sel $0xFFFF  }
0xbf: {  	[dreg:$0x0] =	wrdreg $0xFFFFFFFF;
	(pc) =	sbr.abs _section_cstart, $3  }
0xc0: {  	[dreg:$0x1] =	wrdreg $0xFFFFFFFF  }
0xc1: {  	_ =	task.clear_ibuf [dreg:s7], $0x2FFFF;
	_ =	strace $0x9FFFFFFF  }
0xc2: {  	(tm) =	ssettm $0x7FFFFFFF  }
0xc3: {  	_ =	shalt  }
tec
execute0_lowered:
.L_overlay_start_1:
0x0: {  	(tag) =	ssettag $0x1  }
0x1: {  	s0 =	rddreg [dreg:$0x0]  }
0x2: {  	s1 =	rddreg [dreg:$0x1];
	s2 =	simm.s32 $0x0  }
0x3: {  	s3 =	srdreg.scid;
	s4 =	stileid.u32;
	s9 =	simm.s32 $0x200  }
0x4: {  	s10 =	simm.s32 $0x4000;
	s11 =	simm.s32 $0x1;
	s12 =	simm.s32 $0x6400  }
0x5: {  	s13 =	simm.s32 $0xA400;
	s14 =	simm.s32 $0x400;
	s15 =	simm.s32 $0xE400  }
0x6: {  	s16 =	simm.s32 $0x600;
	s17 =	simm.s32 $0x12400;
	s18 =	simm.s32 $0x2  }
0x7: {  	s19 =	simm.s32 $0x16400;
	s20 =	simm.s32 $0x3;
	s21 =	simm.s32 $0x7  }
0x8: {  	s22 =	simm.s32 $0x1A400;
	s23 =	simm.s32 $0x6;
	s24 =	simm.s32 $0x4  }
0x9: {  	s25 =	simm.s32 $0x5;
	s26 =	simm.s32 $0x0;
	[smem:$0x7FF] =	sst s2  }
.Ltmp0:
0xa: {  	s3 =	sand.u32 $0x1, s3;
	s4 =	sshll.u32 s4, $0xA;
	(pc) =	sbr.rel .LBB2_1-.Ltmp0, $4  }
0xb: {  	_ =	strace $0x80000047;
	s6 =	ssub.s32 $0x2, s3;
	s5 =	sshll.u32 s3, $0x9  }
0xc: {  	s3 =	sadd.s32 $0xF42A00, s0;
	s7 =	sshrl.u32 s6, $0x1;
	s4 =	sor.u32 s5, s4  }
0xd: {  	v0 =	vlaneseq.u32;
	s5 =	sadd.s32 $0x600, s0;
	s8 =	ssub.s32 s6, s7;
	s31 =	sshrl.u32 s4, $0x3  }
0xe: {  	v0 =	vmul.u32 $0x20, v0;
	s7 =	sadd.s32 $0x10600, s0;
	s6 =	sadd.s32 s1, s31;
	s8 =	smax.u32 s8, $0x1  }
.LBB2_20:
0xf: {  	s26 =	sadd.s32 $0x1, s26  }
0x10: {  	_ =	swait.ge [sflag:s23], $0x4000;
	p0 =	sne.s32 s26, s8  }
.Ltmp1:
0x11: {  	[sflag:s23] =	ssyncset.done $0x0;
	(pc) =	sbr.rel @!p0 .LBB2_21-.Ltmp1, $4  }
0x12: {  	[sflag:s23] =	ssyncadd.s32 $0xFFFFC000  }
0x13: {  	_ =	swait.ge [sflag:s21], $0x4000  }
0x14: {  	[sflag:s21] =	ssyncset.done $0x0  }
0x15: {  	[sflag:s21] =	ssyncadd.s32 $0xFFFFC000  }
.LBB2_1:
0x16: {  	[tilespmem:s2], [sflag:$0x1] =	stream.strided.gather [hbm4b:s6+s9], $0x6400, s10, s9, $0x38;
	[tilespmem:$0x1E400] =	vst v63  }
0x17: {  	_ =	swait.ge [sflag:s11], $0x6400  }
0x18: {  	[sflag:s11] =	ssyncset.done $0x0  }
0x19: {  	[sflag:s11] =	ssyncadd.s32 $0xFFFF9C00  }
0x1a: {  	[tilespmem:s12], [sflag:$0x2] =	stream.indirect.gather [hbm4b:s3+s9], $0x20, s2, s9, $0xb8;
	[tilespmem:$0x1E400] =	vst v63  }
0x1b: {  	_ = 	snop  }
0x1c: {  	[tilespmem:s13], [sflag:$0x3] =	stream.indirect.gather [hbm4b:s3+s9], $0x20, s9, s9, $0xb8;
	[tilespmem:$0x1E400] =	vst v63  }
.Ltmp2:
0x1d: {  	_ = 	snop;
	(pc) =	sbr.rel .LBB2_2-.Ltmp2, $4  }
0x1e: {  	_ = 	snop  }
0x1f: {  	[tilespmem:s15], [sflag:$0x4] =	stream.indirect.gather [hbm4b:s3+s9], $0x20, s14, s9, $0xb8;
	[tilespmem:$0x1E400] =	vst v63  }
0x20: {  	s28 =	simm.s32 $0x0  }
0x21: {  	[tilespmem:s17], [sflag:$0x5] =	stream.indirect.gather [hbm4b:s3+s9], $0x20, s16, s9, $0xb8;
	[tilespmem:$0x1E400] =	vst v63  }
.LBB2_19:
0x22: {  	s28 =	sadd.s32 $0x1, s28  }
0x23: {  	p0 =	sne.s32 s28, $0xD  }
.Ltmp3:
0x24: {  	_ = 	snop;
	(pc) =	sbr.rel @!p0 .LBB2_20-.Ltmp3, $1  }
0x25: {  	_ =	sdelay $0x3  }
.LBB2_2:
0x26: {  	s0 =	simm.s32 $0x0  }
0x27: {  	v1 =	vmov s0  }
0x28: {  	_ =	swait.ge [sflag:s18], $0x4000;
	v1 =	vshll.u32 v1, $0x5  }
0x29: {  	p0 =	seq.s32 s28, $0x0;
	[sflag:s18] =	ssyncset.done $0x0;
	v1 =	vor.u32 v0, v1  }
0x2a: {  	s0 =	simm.s32 @!p0 $0x6;
	[sflag:s18] =	ssyncadd.s32 $0xFFFFC000  }
0x2b: {  	_ =	swait.ge @!p0 [sflag:s0], $0x4000  }
0x2c: {  	[sflag:s0] =	ssyncset.done @!p0 $0x0  }
0x2d: {  	[sflag:s0] =	ssyncadd.s32 @!p0 $0xFFFFC000  }
0x2e: {  	v2 =	vld.idx.msk [tilespmem:v1+s12+$0x0], $0xffff  }
0x2f: {  	v3 =	vor.u32 $0x1, v1;
	_ =	sdelay $0x2  }
0x30: {  	s30 =	simm.s32 $0x18400  }
0x31: {  	[tilespmem:s30+$0xFFFFE000] =	vst v2  }
0x32: {  	v2 =	vld.idx.msk [tilespmem:v3+s12+$0x0], $0xffff  }
0x33: {  	v3 =	vor.u32 $0x2, v1;
	_ =	sdelay $0x3  }
0x34: {  	[tilespmem:s30+$0xFFFFE200] =	vst v2  }
0x35: {  	v2 =	vld.idx.msk [tilespmem:v3+s12+$0x0], $0xffff  }
0x36: {  	v3 =	vor.u32 $0x3, v1;
	_ =	sdelay $0x3  }
0x37: {  	[tilespmem:s30+$0xFFFFE400] =	vst v2  }
0x38: {  	v2 =	vld.idx.msk [tilespmem:v3+s12+$0x0], $0xffff  }
0x39: {  	v3 =	vor.u32 $0x4, v1;
	_ =	sdelay $0x3  }
0x3a: {  	[tilespmem:s30+$0xFFFFE600] =	vst v2  }
0x3b: {  	v2 =	vld.idx.msk [tilespmem:v3+s12+$0x0], $0xffff  }
0x3c: {  	v3 =	vor.u32 $0x5, v1;
	_ =	sdelay $0x3  }
0x3d: {  	[tilespmem:s30+$0xFFFFE800] =	vst v2  }
0x3e: {  	v2 =	vld.idx.msk [tilespmem:v3+s12+$0x0], $0xffff  }
0x3f: {  	v3 =	vor.u32 $0x6, v1;
	_ =	sdelay $0x3  }
0x40: {  	[tilespmem:s30+$0xFFFFEA00] =	vst v2  }
0x41: {  	v2 =	vld.idx.msk [tilespmem:v3+s12+$0x0], $0xffff  }
0x42: {  	v3 =	vor.u32 $0x7, v1;
	_ =	sdelay $0x3  }
0x43: {  	[tilespmem:s30+$0xFFFFEC00] =	vst v2  }
0x44: {  	v2 =	vld.idx.msk [tilespmem:v3+s12+$0x0], $0xffff  }
0x45: {  	v3 =	vor.u32 $0x8, v1;
	_ =	sdelay $0x3  }
0x46: {  	[tilespmem:s30+$0xFFFFEE00] =	vst v2  }
0x47: {  	v2 =	vld.idx.msk [tilespmem:v3+s12+$0x0], $0xffff  }
0x48: {  	v3 =	vor.u32 $0x9, v1;
	_ =	sdelay $0x3  }
0x49: {  	[tilespmem:s30+$0xFFFFF000] =	vst v2  }
0x4a: {  	v2 =	vld.idx.msk [tilespmem:v3+s12+$0x0], $0xffff  }
0x4b: {  	v3 =	vor.u32 $0xA, v1;
	_ =	sdelay $0x3  }
0x4c: {  	[tilespmem:s30+$0xFFFFF200] =	vst v2  }
0x4d: {  	v2 =	vld.idx.msk [tilespmem:v3+s12+$0x0], $0xffff  }
0x4e: {  	v3 =	vor.u32 $0xB, v1;
	_ =	sdelay $0x3  }
0x4f: {  	[tilespmem:s30+$0xFFFFF400] =	vst v2  }
0x50: {  	v2 =	vld.idx.msk [tilespmem:v3+s12+$0x0], $0xffff  }
0x51: {  	v3 =	vor.u32 $0xC, v1;
	_ =	sdelay $0x3  }
0x52: {  	[tilespmem:s30+$0xFFFFF600] =	vst v2  }
0x53: {  	v2 =	vld.idx.msk [tilespmem:v3+s12+$0x0], $0xffff  }
0x54: {  	v3 =	vor.u32 $0xD, v1;
	_ =	sdelay $0x3  }
0x55: {  	[tilespmem:s30+$0xFFFFF800] =	vst v2  }
0x56: {  	v2 =	vld.idx.msk [tilespmem:v3+s12+$0x0], $0xffff  }
0x57: {  	v3 =	vor.u32 $0xE, v1;
	_ =	sdelay $0x3  }
0x58: {  	[tilespmem:s30+$0xFFFFFA00] =	vst v2  }
0x59: {  	v2 =	vld.idx.msk [tilespmem:v3+s12+$0x0], $0xffff  }
0x5a: {  	v3 =	vor.u32 $0xF, v1;
	_ =	sdelay $0x3  }
0x5b: {  	[tilespmem:s30+$0xFFFFFC00] =	vst v2  }
0x5c: {  	v2 =	vld.idx.msk [tilespmem:v3+s12+$0x0], $0xffff  }
0x5d: {  	v3 =	vor.u32 $0x10, v1;
	_ =	sdelay $0x3  }
0x5e: {  	[tilespmem:s30+$0xFFFFFE00] =	vst v2  }
0x5f: {  	v2 =	vld.idx.msk [tilespmem:v3+s12+$0x0], $0xffff  }
0x60: {  	v3 =	vor.u32 $0x11, v1;
	_ =	sdelay $0x3  }
0x61: {  	[tilespmem:s30+$0x0] =	vst v2  }
0x62: {  	v2 =	vld.idx.msk [tilespmem:v3+s12+$0x0], $0xffff  }
0x63: {  	v3 =	vor.u32 $0x12, v1;
	_ =	sdelay $0x3  }
0x64: {  	[tilespmem:s30+$0x200] =	vst v2  }
0x65: {  	v2 =	vld.idx.msk [tilespmem:v3+s12+$0x0], $0xffff  }
0x66: {  	v3 =	vor.u32 $0x13, v1;
	_ =	sdelay $0x3  }
0x67: {  	[tilespmem:s30+$0x400] =	vst v2  }
0x68: {  	v2 =	vld.idx.msk [tilespmem:v3+s12+$0x0], $0xffff  }
0x69: {  	v3 =	vor.u32 $0x14, v1;
	_ =	sdelay $0x3  }
0x6a: {  	[tilespmem:s30+$0x600] =	vst v2  }
0x6b: {  	v2 =	vld.idx.msk [tilespmem:v3+s12+$0x0], $0xffff  }
0x6c: {  	v3 =	vor.u32 $0x15, v1;
	_ =	sdelay $0x3  }
0x6d: {  	[tilespmem:s30+$0x800] =	vst v2  }
0x6e: {  	v2 =	vld.idx.msk [tilespmem:v3+s12+$0x0], $0xffff  }
0x6f: {  	v3 =	vor.u32 $0x16, v1;
	_ =	sdelay $0x3  }
0x70: {  	[tilespmem:s30+$0xA00] =	vst v2  }
0x71: {  	v2 =	vld.idx.msk [tilespmem:v3+s12+$0x0], $0xffff  }
0x72: {  	v3 =	vor.u32 $0x17, v1;
	_ =	sdelay $0x3  }
0x73: {  	[tilespmem:s30+$0xC00] =	vst v2  }
0x74: {  	v2 =	vld.idx.msk [tilespmem:v3+s12+$0x0], $0xffff  }
0x75: {  	v3 =	vor.u32 $0x18, v1;
	_ =	sdelay $0x3  }
0x76: {  	[tilespmem:s30+$0xE00] =	vst v2  }
0x77: {  	v2 =	vld.idx.msk [tilespmem:v3+s12+$0x0], $0xffff  }
0x78: {  	v3 =	vor.u32 $0x19, v1;
	_ =	sdelay $0x3  }
0x79: {  	[tilespmem:s30+$0x1000] =	vst v2  }
0x7a: {  	v2 =	vld.idx.msk [tilespmem:v3+s12+$0x0], $0xffff  }
0x7b: {  	v3 =	vor.u32 $0x1A, v1;
	_ =	sdelay $0x3  }
0x7c: {  	[tilespmem:s30+$0x1200] =	vst v2  }
0x7d: {  	v2 =	vld.idx.msk [tilespmem:v3+s12+$0x0], $0xffff  }
0x7e: {  	v3 =	vor.u32 $0x1B, v1;
	_ =	sdelay $0x3  }
0x7f: {  	[tilespmem:s30+$0x1400] =	vst v2  }
0x80: {  	v2 =	vld.idx.msk [tilespmem:v3+s12+$0x0], $0xffff  }
0x81: {  	v3 =	vor.u32 $0x1C, v1;
	_ =	sdelay $0x3  }
0x82: {  	[tilespmem:s30+$0x1600] =	vst v2  }
0x83: {  	v2 =	vld.idx.msk [tilespmem:v3+s12+$0x0], $0xffff  }
0x84: {  	v3 =	vor.u32 $0x1D, v1;
	_ =	sdelay $0x3  }
0x85: {  	[tilespmem:s30+$0x1800] =	vst v2  }
0x86: {  	v2 =	vld.idx.msk [tilespmem:v3+s12+$0x0], $0xffff  }
0x87: {  	v3 =	vor.u32 $0x1E, v1;
	_ =	sdelay $0x3  }
0x88: {  	[tilespmem:s30+$0x1A00] =	vst v2  }
0x89: {  	v2 =	vld.idx.msk [tilespmem:v3+s12+$0x0], $0xffff  }
0x8a: {  	v3 =	vor.u32 $0x1F, v1;
	_ =	sdelay $0x3  }
0x8b: {  	s31 =	simm.s32 $0x10;
	[tilespmem:s30+$0x1C00] =	vst v2  }
0x8c: {  	s29 =	sshll.u32 s28, $0x2;
	s0 =	simm.s32 $0x20;
	v1 =	vmov s31;
	v2 =	vld.idx.msk [tilespmem:v3+s12+$0x0], $0xffff  }
.LBB2_3:
0x8d: {  	p1 =	sne.s32 s0, $0x1F0;
	v1 =	vshll.u32 v1, $0x5  }
0x8e: {  	v1 =	vor.u32 v0, v1;
	_ =	sdelay $0x3  }
0x8f: {  	[tilespmem:s30+$0x1E00] =	vst v2  }
0x90: {  	v2 =	vld.idx.msk [tilespmem:v1+s12+$0x0], $0xffff;
	_ =	sdelay $0x1  }
0x91: {  	v3 =	vor.u32 $0x1, v1;
	_ =	sdelay $0x2  }
0x92: {  	s30 =	sadd.s32 $0x10, s30  }
0x93: {  	[tilespmem:s30+$0xFFFFE000] =	vst v2  }
0x94: {  	v2 =	vld.idx.msk [tilespmem:v3+s12+$0x0], $0xffff;
	_ =	sdelay $0x1  }
0x95: {  	v3 =	vor.u32 $0x2, v1;
	_ =	sdelay $0x3  }
0x96: {  	[tilespmem:s30+$0xFFFFE200] =	vst v2  }
0x97: {  	v2 =	vld.idx.msk [tilespmem:v3+s12+$0x0], $0xffff;
	_ =	sdelay $0x1  }
0x98: {  	v3 =	vor.u32 $0x3, v1;
	_ =	sdelay $0x3  }
0x99: {  	[tilespmem:s30+$0xFFFFE400] =	vst v2  }
0x9a: {  	v2 =	vld.idx.msk [tilespmem:v3+s12+$0x0], $0xffff;
	_ =	sdelay $0x1  }
0x9b: {  	v3 =	vor.u32 $0x4, v1;
	_ =	sdelay $0x3  }
0x9c: {  	[tilespmem:s30+$0xFFFFE600] =	vst v2  }
0x9d: {  	v2 =	vld.idx.msk [tilespmem:v3+s12+$0x0], $0xffff;
	_ =	sdelay $0x1  }
0x9e: {  	v3 =	vor.u32 $0x5, v1;
	_ =	sdelay $0x3  }
0x9f: {  	[tilespmem:s30+$0xFFFFE800] =	vst v2  }
0xa0: {  	v2 =	vld.idx.msk [tilespmem:v3+s12+$0x0], $0xffff;
	_ =	sdelay $0x1  }
0xa1: {  	v3 =	vor.u32 $0x6, v1;
	_ =	sdelay $0x3  }
0xa2: {  	[tilespmem:s30+$0xFFFFEA00] =	vst v2  }
0xa3: {  	v2 =	vld.idx.msk [tilespmem:v3+s12+$0x0], $0xffff;
	_ =	sdelay $0x1  }
0xa4: {  	v3 =	vor.u32 $0x7, v1;
	_ =	sdelay $0x3  }
0xa5: {  	[tilespmem:s30+$0xFFFFEC00] =	vst v2  }
0xa6: {  	v2 =	vld.idx.msk [tilespmem:v3+s12+$0x0], $0xffff;
	_ =	sdelay $0x1  }
0xa7: {  	v3 =	vor.u32 $0x8, v1;
	_ =	sdelay $0x3  }
0xa8: {  	[tilespmem:s30+$0xFFFFEE00] =	vst v2  }
0xa9: {  	v2 =	vld.idx.msk [tilespmem:v3+s12+$0x0], $0xffff;
	_ =	sdelay $0x1  }
0xaa: {  	v3 =	vor.u32 $0x9, v1;
	_ =	sdelay $0x3  }
0xab: {  	[tilespmem:s30+$0xFFFFF000] =	vst v2  }
0xac: {  	v2 =	vld.idx.msk [tilespmem:v3+s12+$0x0], $0xffff;
	_ =	sdelay $0x1  }
0xad: {  	v3 =	vor.u32 $0xA, v1;
	_ =	sdelay $0x3  }
0xae: {  	[tilespmem:s30+$0xFFFFF200] =	vst v2  }
0xaf: {  	v2 =	vld.idx.msk [tilespmem:v3+s12+$0x0], $0xffff;
	_ =	sdelay $0x1  }
0xb0: {  	v3 =	vor.u32 $0xB, v1;
	_ =	sdelay $0x3  }
0xb1: {  	[tilespmem:s30+$0xFFFFF400] =	vst v2  }
0xb2: {  	v2 =	vld.idx.msk [tilespmem:v3+s12+$0x0], $0xffff;
	_ =	sdelay $0x1  }
0xb3: {  	v3 =	vor.u32 $0xC, v1;
	_ =	sdelay $0x3  }
0xb4: {  	[tilespmem:s30+$0xFFFFF600] =	vst v2  }
0xb5: {  	v2 =	vld.idx.msk [tilespmem:v3+s12+$0x0], $0xffff;
	_ =	sdelay $0x1  }
0xb6: {  	v3 =	vor.u32 $0xD, v1;
	_ =	sdelay $0x3  }
0xb7: {  	[tilespmem:s30+$0xFFFFF800] =	vst v2  }
0xb8: {  	v2 =	vld.idx.msk [tilespmem:v3+s12+$0x0], $0xffff;
	_ =	sdelay $0x1  }
0xb9: {  	v3 =	vor.u32 $0xE, v1;
	_ =	sdelay $0x3  }
0xba: {  	[tilespmem:s30+$0xFFFFFA00] =	vst v2  }
0xbb: {  	v2 =	vld.idx.msk [tilespmem:v3+s12+$0x0], $0xffff;
	_ =	sdelay $0x1  }
0xbc: {  	v3 =	vor.u32 $0xF, v1;
	_ =	sdelay $0x3  }
0xbd: {  	[tilespmem:s30+$0xFFFFFC00] =	vst v2  }
0xbe: {  	v2 =	vld.idx.msk [tilespmem:v3+s12+$0x0], $0xffff;
	_ =	sdelay $0x1  }
0xbf: {  	v3 =	vor.u32 $0x10, v1;
	_ =	sdelay $0x3  }
0xc0: {  	[tilespmem:s30+$0xFFFFFE00] =	vst v2  }
0xc1: {  	v2 =	vld.idx.msk [tilespmem:v3+s12+$0x0], $0xffff;
	_ =	sdelay $0x1  }
0xc2: {  	v3 =	vor.u32 $0x11, v1;
	_ =	sdelay $0x3  }
0xc3: {  	[tilespmem:s30+$0x0] =	vst v2  }
0xc4: {  	v2 =	vld.idx.msk [tilespmem:v3+s12+$0x0], $0xffff;
	_ =	sdelay $0x1  }
0xc5: {  	v3 =	vor.u32 $0x12, v1;
	_ =	sdelay $0x3  }
0xc6: {  	[tilespmem:s30+$0x200] =	vst v2  }
0xc7: {  	v2 =	vld.idx.msk [tilespmem:v3+s12+$0x0], $0xffff;
	_ =	sdelay $0x1  }
0xc8: {  	v3 =	vor.u32 $0x13, v1;
	_ =	sdelay $0x3  }
0xc9: {  	[tilespmem:s30+$0x400] =	vst v2  }
0xca: {  	v2 =	vld.idx.msk [tilespmem:v3+s12+$0x0], $0xffff;
	_ =	sdelay $0x1  }
0xcb: {  	v3 =	vor.u32 $0x14, v1;
	_ =	sdelay $0x3  }
0xcc: {  	[tilespmem:s30+$0x600] =	vst v2  }
0xcd: {  	v2 =	vld.idx.msk [tilespmem:v3+s12+$0x0], $0xffff;
	_ =	sdelay $0x1  }
0xce: {  	v3 =	vor.u32 $0x15, v1;
	_ =	sdelay $0x3  }
0xcf: {  	[tilespmem:s30+$0x800] =	vst v2  }
0xd0: {  	v2 =	vld.idx.msk [tilespmem:v3+s12+$0x0], $0xffff;
	_ =	sdelay $0x1  }
0xd1: {  	v3 =	vor.u32 $0x16, v1;
	_ =	sdelay $0x3  }
0xd2: {  	[tilespmem:s30+$0xA00] =	vst v2  }
0xd3: {  	v2 =	vld.idx.msk [tilespmem:v3+s12+$0x0], $0xffff;
	_ =	sdelay $0x1  }
0xd4: {  	v3 =	vor.u32 $0x17, v1;
	_ =	sdelay $0x3  }
0xd5: {  	[tilespmem:s30+$0xC00] =	vst v2  }
0xd6: {  	v2 =	vld.idx.msk [tilespmem:v3+s12+$0x0], $0xffff;
	_ =	sdelay $0x1  }
0xd7: {  	v3 =	vor.u32 $0x18, v1;
	_ =	sdelay $0x3  }
0xd8: {  	[tilespmem:s30+$0xE00] =	vst v2  }
0xd9: {  	v2 =	vld.idx.msk [tilespmem:v3+s12+$0x0], $0xffff;
	_ =	sdelay $0x1  }
0xda: {  	v3 =	vor.u32 $0x19, v1;
	_ =	sdelay $0x3  }
0xdb: {  	[tilespmem:s30+$0x1000] =	vst v2  }
0xdc: {  	v2 =	vld.idx.msk [tilespmem:v3+s12+$0x0], $0xffff;
	_ =	sdelay $0x1  }
0xdd: {  	v3 =	vor.u32 $0x1A, v1;
	_ =	sdelay $0x3  }
0xde: {  	[tilespmem:s30+$0x1200] =	vst v2  }
0xdf: {  	v2 =	vld.idx.msk [tilespmem:v3+s12+$0x0], $0xffff;
	_ =	sdelay $0x1  }
0xe0: {  	v3 =	vor.u32 $0x1B, v1;
	_ =	sdelay $0x3  }
0xe1: {  	[tilespmem:s30+$0x1400] =	vst v2  }
0xe2: {  	v2 =	vld.idx.msk [tilespmem:v3+s12+$0x0], $0xffff;
	_ =	sdelay $0x1  }
0xe3: {  	v3 =	vor.u32 $0x1C, v1;
	_ =	sdelay $0x3  }
0xe4: {  	[tilespmem:s30+$0x1600] =	vst v2  }
0xe5: {  	v2 =	vld.idx.msk [tilespmem:v3+s12+$0x0], $0xffff;
	_ =	sdelay $0x1  }
0xe6: {  	v3 =	vor.u32 $0x1D, v1;
	_ =	sdelay $0x3  }
0xe7: {  	[tilespmem:s30+$0x1800] =	vst v2  }
0xe8: {  	v2 =	vld.idx.msk [tilespmem:v3+s12+$0x0], $0xffff;
	_ =	sdelay $0x1  }
0xe9: {  	v3 =	vor.u32 $0x1E, v1;
	_ =	sdelay $0x3  }
0xea: {  	[tilespmem:s30+$0x1A00] =	vst v2  }
0xeb: {  	v2 =	vld.idx.msk [tilespmem:v3+s12+$0x0], $0xffff;
	_ =	sdelay $0x1  }
0xec: {  	v3 =	vor.u32 $0x1F, v1  }
.Ltmp4:
0xed: {  	(pc) =	sbr.rel @p1 .LBB2_3-.Ltmp4, $3  }
0xee: {  	_ =	sdelay $0x1  }
0xef: {  	[tilespmem:s30+$0x1C00] =	vst v2  }
0xf0: {  	v1 =	vmov s0;
	s0 =	sadd.s32 $0x10, s0;
	v2 =	vld.idx.msk [tilespmem:v3+s12+$0x0], $0xffff  }
0xf1: {  	v1 =	vshll.u32 v1, $0x5  }
0xf2: {  	v1 =	vor.u32 v0, v1;
	_ =	sdelay $0x3  }
0xf3: {  	[tilespmem:s30+$0x1E00] =	vst v2  }
0xf4: {  	v2 =	vld.idx.msk [tilespmem:v1+s12+$0x0], $0xffff  }
0xf5: {  	v3 =	vor.u32 $0x1, v1;
	_ =	sdelay $0x2  }
0xf6: {  	s0 =	sadd.s32 $0x10, s30  }
0xf7: {  	[tilespmem:s0+$0xFFFFE000] =	vst v2  }
0xf8: {  	v2 =	vld.idx.msk [tilespmem:v3+s12+$0x0], $0xffff  }
0xf9: {  	v3 =	vor.u32 $0x2, v1;
	_ =	sdelay $0x3  }
0xfa: {  	[tilespmem:s0+$0xFFFFE200] =	vst v2  }
0xfb: {  	v2 =	vld.idx.msk [tilespmem:v3+s12+$0x0], $0xffff  }
0xfc: {  	v3 =	vor.u32 $0x3, v1;
	_ =	sdelay $0x3  }
0xfd: {  	[tilespmem:s0+$0xFFFFE400] =	vst v2  }
0xfe: {  	v2 =	vld.idx.msk [tilespmem:v3+s12+$0x0], $0xffff  }
0xff: {  	v3 =	vor.u32 $0x4, v1;
	_ =	sdelay $0x3  }
0x100: {  	[tilespmem:s0+$0xFFFFE600] =	vst v2  }
0x101: {  	v2 =	vld.idx.msk [tilespmem:v3+s12+$0x0], $0xffff  }
0x102: {  	v3 =	vor.u32 $0x5, v1;
	_ =	sdelay $0x3  }
0x103: {  	[tilespmem:s0+$0xFFFFE800] =	vst v2  }
0x104: {  	v2 =	vld.idx.msk [tilespmem:v3+s12+$0x0], $0xffff  }
0x105: {  	v3 =	vor.u32 $0x6, v1;
	_ =	sdelay $0x3  }
0x106: {  	[tilespmem:s0+$0xFFFFEA00] =	vst v2  }
0x107: {  	v2 =	vld.idx.msk [tilespmem:v3+s12+$0x0], $0xffff  }
0x108: {  	v3 =	vor.u32 $0x7, v1;
	_ =	sdelay $0x3  }
0x109: {  	[tilespmem:s0+$0xFFFFEC00] =	vst v2  }
0x10a: {  	v2 =	vld.idx.msk [tilespmem:v3+s12+$0x0], $0xffff  }
0x10b: {  	v3 =	vor.u32 $0x8, v1;
	_ =	sdelay $0x3  }
0x10c: {  	[tilespmem:s0+$0xFFFFEE00] =	vst v2  }
0x10d: {  	v2 =	vld.idx.msk [tilespmem:v3+s12+$0x0], $0xffff  }
0x10e: {  	v3 =	vor.u32 $0x9, v1;
	_ =	sdelay $0x3  }
0x10f: {  	[tilespmem:s0+$0xFFFFF000] =	vst v2  }
0x110: {  	v2 =	vld.idx.msk [tilespmem:v3+s12+$0x0], $0xffff  }
0x111: {  	v3 =	vor.u32 $0xA, v1;
	_ =	sdelay $0x3  }
0x112: {  	[tilespmem:s0+$0xFFFFF200] =	vst v2  }
0x113: {  	v2 =	vld.idx.msk [tilespmem:v3+s12+$0x0], $0xffff  }
0x114: {  	v3 =	vor.u32 $0xB, v1;
	_ =	sdelay $0x3  }
0x115: {  	[tilespmem:s0+$0xFFFFF400] =	vst v2  }
0x116: {  	v2 =	vld.idx.msk [tilespmem:v3+s12+$0x0], $0xffff  }
0x117: {  	v3 =	vor.u32 $0xC, v1;
	_ =	sdelay $0x3  }
0x118: {  	[tilespmem:s0+$0xFFFFF600] =	vst v2  }
0x119: {  	v2 =	vld.idx.msk [tilespmem:v3+s12+$0x0], $0xffff  }
0x11a: {  	v3 =	vor.u32 $0xD, v1;
	_ =	sdelay $0x3  }
0x11b: {  	[tilespmem:s0+$0xFFFFF800] =	vst v2  }
0x11c: {  	v2 =	vld.idx.msk [tilespmem:v3+s12+$0x0], $0xffff  }
0x11d: {  	v3 =	vor.u32 $0xE, v1;
	_ =	sdelay $0x3  }
0x11e: {  	[tilespmem:s0+$0xFFFFFA00] =	vst v2  }
0x11f: {  	v2 =	vld.idx.msk [tilespmem:v3+s12+$0x0], $0xffff  }
0x120: {  	v3 =	vor.u32 $0xF, v1;
	_ =	sdelay $0x3  }
0x121: {  	[tilespmem:s0+$0xFFFFFC00] =	vst v2  }
0x122: {  	v2 =	vld.idx.msk [tilespmem:v3+s12+$0x0], $0xffff  }
0x123: {  	v3 =	vor.u32 $0x10, v1;
	_ =	sdelay $0x3  }
0x124: {  	[tilespmem:s0+$0xFFFFFE00] =	vst v2  }
0x125: {  	v2 =	vld.idx.msk [tilespmem:v3+s12+$0x0], $0xffff  }
0x126: {  	v3 =	vor.u32 $0x11, v1;
	_ =	sdelay $0x3  }
0x127: {  	[tilespmem:s0+$0x0] =	vst v2  }
0x128: {  	v2 =	vld.idx.msk [tilespmem:v3+s12+$0x0], $0xffff  }
0x129: {  	v3 =	vor.u32 $0x12, v1;
	_ =	sdelay $0x3  }
0x12a: {  	[tilespmem:s0+$0x200] =	vst v2  }
0x12b: {  	v2 =	vld.idx.msk [tilespmem:v3+s12+$0x0], $0xffff  }
0x12c: {  	v3 =	vor.u32 $0x13, v1;
	_ =	sdelay $0x3  }
0x12d: {  	[tilespmem:s0+$0x400] =	vst v2  }
0x12e: {  	v2 =	vld.idx.msk [tilespmem:v3+s12+$0x0], $0xffff  }
0x12f: {  	v3 =	vor.u32 $0x14, v1;
	_ =	sdelay $0x3  }
0x130: {  	[tilespmem:s0+$0x600] =	vst v2  }
0x131: {  	v2 =	vld.idx.msk [tilespmem:v3+s12+$0x0], $0xffff  }
0x132: {  	v3 =	vor.u32 $0x15, v1;
	_ =	sdelay $0x3  }
0x133: {  	[tilespmem:s0+$0x800] =	vst v2  }
0x134: {  	v2 =	vld.idx.msk [tilespmem:v3+s12+$0x0], $0xffff  }
0x135: {  	v3 =	vor.u32 $0x16, v1;
	_ =	sdelay $0x3  }
0x136: {  	[tilespmem:s0+$0xA00] =	vst v2  }
0x137: {  	v2 =	vld.idx.msk [tilespmem:v3+s12+$0x0], $0xffff  }
0x138: {  	v3 =	vor.u32 $0x17, v1;
	_ =	sdelay $0x3  }
0x139: {  	[tilespmem:s0+$0xC00] =	vst v2  }
0x13a: {  	v2 =	vld.idx.msk [tilespmem:v3+s12+$0x0], $0xffff  }
0x13b: {  	v3 =	vor.u32 $0x18, v1;
	_ =	sdelay $0x3  }
0x13c: {  	[tilespmem:s0+$0xE00] =	vst v2  }
0x13d: {  	v2 =	vld.idx.msk [tilespmem:v3+s12+$0x0], $0xffff  }
0x13e: {  	v3 =	vor.u32 $0x19, v1;
	_ =	sdelay $0x3  }
0x13f: {  	[tilespmem:s0+$0x1000] =	vst v2  }
0x140: {  	v2 =	vld.idx.msk [tilespmem:v3+s12+$0x0], $0xffff  }
0x141: {  	v3 =	vor.u32 $0x1A, v1;
	_ =	sdelay $0x3  }
0x142: {  	[tilespmem:s0+$0x1200] =	vst v2  }
0x143: {  	v2 =	vld.idx.msk [tilespmem:v3+s12+$0x0], $0xffff  }
0x144: {  	v3 =	vor.u32 $0x1B, v1;
	_ =	sdelay $0x3  }
0x145: {  	[tilespmem:s0+$0x1400] =	vst v2  }
0x146: {  	v2 =	vld.idx.msk [tilespmem:v3+s12+$0x0], $0xffff  }
0x147: {  	v3 =	vor.u32 $0x1C, v1;
	_ =	sdelay $0x3  }
0x148: {  	[tilespmem:s0+$0x1600] =	vst v2  }
0x149: {  	v2 =	vld.idx.msk [tilespmem:v3+s12+$0x0], $0xffff  }
0x14a: {  	v3 =	vor.u32 $0x1D, v1;
	_ =	sdelay $0x3  }
0x14b: {  	[tilespmem:s0+$0x1800] =	vst v2  }
0x14c: {  	v2 =	vld.idx.msk [tilespmem:v3+s12+$0x0], $0xffff  }
0x14d: {  	v3 =	vor.u32 $0x1E, v1;
	_ =	sdelay $0x3  }
0x14e: {  	[tilespmem:s0+$0x1A00] =	vst v2  }
0x14f: {  	v2 =	vld.idx.msk [tilespmem:v3+s12+$0x0], $0xffff  }
0x150: {  	v1 =	vor.u32 $0x1F, v1;
	_ =	sdelay $0x3  }
0x151: {  	[tilespmem:s0+$0x1C00] =	vst v2  }
0x152: {  	v1 =	vld.idx.msk [tilespmem:v1+s12+$0x0], $0xffff  }
0x153: {  	p1 =	sne.s32 s28, $0xC  }
.Ltmp5:
0x154: {  	s1 =	sshll.u32 s28, $0x15;
	(pc) =	sbr.rel @p1 .LBB2_6-.Ltmp5, $4  }
0x155: {  	s1 =	sor.u32 s4, s1  }
0x156: {  	s30 =	sshrl.u32 s1, $0x3  }
0x157: {  	s31 =	sadd.s32 s5, s30;
	[tilespmem:s0+$0x1E00] =	vst v1  }
0x158: {  	[hbm4b:s31+s9] =	stream.strided.scatter [tilespmem:s19], [sflag:$0x6], $0x4000, s10, s9, $0x38;
	[tilespmem:$0x1E400] =	vst v63  }
.Ltmp6:
0x159: {  	(pc) =	sbr.rel .LBB2_7-.Ltmp6, $4  }
0x15a: {  	_ = 	snop  }
0x15b: {  	_ =	swait.ge [sflag:s20], $0x4000  }
0x15c: {  	[sflag:s20] =	ssyncset.done $0x0  }
0x15d: {  	[sflag:s20] =	ssyncadd.s32 $0xFFFFC000  }
.LBB2_6:
0x15e: {  	s0 =	sshll.u32 s28, $0xB  }
0x15f: {  	s0 =	sand.u32 $0x3FFFF800, s0  }
.Ltmp7:
0x160: {  	s0 =	sadd.s32 $0x800, s0;
	(pc) =	sbr.rel @p0 .LBB2_8-.Ltmp7, $4  }
0x161: {  	[tilespmem:s12], [sflag:$0x2] =	stream.indirect.gather [hbm4b:s3+s9], $0x20, s0, s9, $0xb8;
	[tilespmem:$0x1E400] =	vst v63  }
0x162: {  	_ =	swait.ge [sflag:s20], $0x4000  }
0x163: {  	[sflag:s20] =	ssyncset.done $0x0  }
0x164: {  	[sflag:s20] =	ssyncadd.s32 $0xFFFFC000  }
.LBB2_7:
0x165: {  	_ =	swait.ge [sflag:s21], $0x4000  }
0x166: {  	[sflag:s21] =	ssyncset.done $0x0  }
0x167: {  	[sflag:s21] =	ssyncadd.s32 $0xFFFFC000  }
.LBB2_8:
0x168: {  	s0 =	simm.s32 $0x0  }
0x169: {  	v1 =	vmov s0  }
0x16a: {  	v1 =	vshll.u32 v1, $0x5  }
0x16b: {  	v1 =	vor.u32 v0, v1;
	_ =	sdelay $0x4  }
0x16c: {  	v2 =	vld.idx.msk [tilespmem:v1+s13+$0x0], $0xffff  }
0x16d: {  	v3 =	vor.u32 $0x1, v1;
	_ =	sdelay $0x2  }
0x16e: {  	s31 =	simm.s32 $0x1C400  }
0x16f: {  	[tilespmem:s31+$0xFFFFE000] =	vst v2  }
0x170: {  	v2 =	vld.idx.msk [tilespmem:v3+s13+$0x0], $0xffff  }
0x171: {  	v3 =	vor.u32 $0x2, v1;
	_ =	sdelay $0x3  }
0x172: {  	[tilespmem:s31+$0xFFFFE200] =	vst v2  }
0x173: {  	v2 =	vld.idx.msk [tilespmem:v3+s13+$0x0], $0xffff  }
0x174: {  	v3 =	vor.u32 $0x3, v1;
	_ =	sdelay $0x3  }
0x175: {  	[tilespmem:s31+$0xFFFFE400] =	vst v2  }
0x176: {  	v2 =	vld.idx.msk [tilespmem:v3+s13+$0x0], $0xffff  }
0x177: {  	v3 =	vor.u32 $0x4, v1;
	_ =	sdelay $0x3  }
0x178: {  	[tilespmem:s31+$0xFFFFE600] =	vst v2  }
0x179: {  	v2 =	vld.idx.msk [tilespmem:v3+s13+$0x0], $0xffff  }
0x17a: {  	v3 =	vor.u32 $0x5, v1;
	_ =	sdelay $0x3  }
0x17b: {  	[tilespmem:s31+$0xFFFFE800] =	vst v2  }
0x17c: {  	v2 =	vld.idx.msk [tilespmem:v3+s13+$0x0], $0xffff  }
0x17d: {  	v3 =	vor.u32 $0x6, v1;
	_ =	sdelay $0x3  }
0x17e: {  	[tilespmem:s31+$0xFFFFEA00] =	vst v2  }
0x17f: {  	v2 =	vld.idx.msk [tilespmem:v3+s13+$0x0], $0xffff  }
0x180: {  	v3 =	vor.u32 $0x7, v1;
	_ =	sdelay $0x3  }
0x181: {  	[tilespmem:s31+$0xFFFFEC00] =	vst v2  }
0x182: {  	v2 =	vld.idx.msk [tilespmem:v3+s13+$0x0], $0xffff  }
0x183: {  	v3 =	vor.u32 $0x8, v1;
	_ =	sdelay $0x3  }
0x184: {  	[tilespmem:s31+$0xFFFFEE00] =	vst v2  }
0x185: {  	v2 =	vld.idx.msk [tilespmem:v3+s13+$0x0], $0xffff  }
0x186: {  	v3 =	vor.u32 $0x9, v1;
	_ =	sdelay $0x3  }
0x187: {  	[tilespmem:s31+$0xFFFFF000] =	vst v2  }
0x188: {  	v2 =	vld.idx.msk [tilespmem:v3+s13+$0x0], $0xffff  }
0x189: {  	v3 =	vor.u32 $0xA, v1;
	_ =	sdelay $0x3  }
0x18a: {  	[tilespmem:s31+$0xFFFFF200] =	vst v2  }
0x18b: {  	v2 =	vld.idx.msk [tilespmem:v3+s13+$0x0], $0xffff  }
0x18c: {  	v3 =	vor.u32 $0xB, v1;
	_ =	sdelay $0x3  }
0x18d: {  	[tilespmem:s31+$0xFFFFF400] =	vst v2  }
0x18e: {  	v2 =	vld.idx.msk [tilespmem:v3+s13+$0x0], $0xffff  }
0x18f: {  	v3 =	vor.u32 $0xC, v1;
	_ =	sdelay $0x3  }
0x190: {  	[tilespmem:s31+$0xFFFFF600] =	vst v2  }
0x191: {  	v2 =	vld.idx.msk [tilespmem:v3+s13+$0x0], $0xffff  }
0x192: {  	v3 =	vor.u32 $0xD, v1;
	_ =	sdelay $0x3  }
0x193: {  	[tilespmem:s31+$0xFFFFF800] =	vst v2  }
0x194: {  	v2 =	vld.idx.msk [tilespmem:v3+s13+$0x0], $0xffff  }
0x195: {  	v3 =	vor.u32 $0xE, v1;
	_ =	sdelay $0x3  }
0x196: {  	[tilespmem:s31+$0xFFFFFA00] =	vst v2  }
0x197: {  	v2 =	vld.idx.msk [tilespmem:v3+s13+$0x0], $0xffff  }
0x198: {  	v3 =	vor.u32 $0xF, v1;
	_ =	sdelay $0x3  }
0x199: {  	[tilespmem:s31+$0xFFFFFC00] =	vst v2  }
0x19a: {  	v2 =	vld.idx.msk [tilespmem:v3+s13+$0x0], $0xffff  }
0x19b: {  	v3 =	vor.u32 $0x10, v1;
	_ =	sdelay $0x3  }
0x19c: {  	[tilespmem:s31+$0xFFFFFE00] =	vst v2  }
0x19d: {  	v2 =	vld.idx.msk [tilespmem:v3+s13+$0x0], $0xffff  }
0x19e: {  	v3 =	vor.u32 $0x11, v1;
	_ =	sdelay $0x3  }
0x19f: {  	[tilespmem:s31+$0x0] =	vst v2  }
0x1a0: {  	v2 =	vld.idx.msk [tilespmem:v3+s13+$0x0], $0xffff  }
0x1a1: {  	v3 =	vor.u32 $0x12, v1;
	_ =	sdelay $0x3  }
0x1a2: {  	[tilespmem:s31+$0x200] =	vst v2  }
0x1a3: {  	v2 =	vld.idx.msk [tilespmem:v3+s13+$0x0], $0xffff  }
0x1a4: {  	v3 =	vor.u32 $0x13, v1;
	_ =	sdelay $0x3  }
0x1a5: {  	[tilespmem:s31+$0x400] =	vst v2  }
0x1a6: {  	v2 =	vld.idx.msk [tilespmem:v3+s13+$0x0], $0xffff  }
0x1a7: {  	v3 =	vor.u32 $0x14, v1;
	_ =	sdelay $0x3  }
0x1a8: {  	[tilespmem:s31+$0x600] =	vst v2  }
0x1a9: {  	v2 =	vld.idx.msk [tilespmem:v3+s13+$0x0], $0xffff  }
0x1aa: {  	v3 =	vor.u32 $0x15, v1;
	_ =	sdelay $0x3  }
0x1ab: {  	[tilespmem:s31+$0x800] =	vst v2  }
0x1ac: {  	v2 =	vld.idx.msk [tilespmem:v3+s13+$0x0], $0xffff  }
0x1ad: {  	v3 =	vor.u32 $0x16, v1;
	_ =	sdelay $0x3  }
0x1ae: {  	[tilespmem:s31+$0xA00] =	vst v2  }
0x1af: {  	v2 =	vld.idx.msk [tilespmem:v3+s13+$0x0], $0xffff  }
0x1b0: {  	v3 =	vor.u32 $0x17, v1;
	_ =	sdelay $0x3  }
0x1b1: {  	[tilespmem:s31+$0xC00] =	vst v2  }
0x1b2: {  	v2 =	vld.idx.msk [tilespmem:v3+s13+$0x0], $0xffff  }
0x1b3: {  	v3 =	vor.u32 $0x18, v1;
	_ =	sdelay $0x3  }
0x1b4: {  	[tilespmem:s31+$0xE00] =	vst v2  }
0x1b5: {  	v2 =	vld.idx.msk [tilespmem:v3+s13+$0x0], $0xffff  }
0x1b6: {  	v3 =	vor.u32 $0x19, v1;
	_ =	sdelay $0x3  }
0x1b7: {  	[tilespmem:s31+$0x1000] =	vst v2  }
0x1b8: {  	v2 =	vld.idx.msk [tilespmem:v3+s13+$0x0], $0xffff  }
0x1b9: {  	v3 =	vor.u32 $0x1A, v1;
	_ =	sdelay $0x3  }
0x1ba: {  	[tilespmem:s31+$0x1200] =	vst v2  }
0x1bb: {  	v2 =	vld.idx.msk [tilespmem:v3+s13+$0x0], $0xffff  }
0x1bc: {  	v3 =	vor.u32 $0x1B, v1;
	_ =	sdelay $0x3  }
0x1bd: {  	[tilespmem:s31+$0x1400] =	vst v2  }
0x1be: {  	v2 =	vld.idx.msk [tilespmem:v3+s13+$0x0], $0xffff  }
0x1bf: {  	v3 =	vor.u32 $0x1C, v1;
	_ =	sdelay $0x3  }
0x1c0: {  	[tilespmem:s31+$0x1600] =	vst v2  }
0x1c1: {  	v2 =	vld.idx.msk [tilespmem:v3+s13+$0x0], $0xffff  }
0x1c2: {  	v3 =	vor.u32 $0x1D, v1;
	_ =	sdelay $0x3  }
0x1c3: {  	[tilespmem:s31+$0x1800] =	vst v2  }
0x1c4: {  	v2 =	vld.idx.msk [tilespmem:v3+s13+$0x0], $0xffff  }
0x1c5: {  	v3 =	vor.u32 $0x1E, v1;
	_ =	sdelay $0x3  }
0x1c6: {  	[tilespmem:s31+$0x1A00] =	vst v2  }
0x1c7: {  	v2 =	vld.idx.msk [tilespmem:v3+s13+$0x0], $0xffff  }
0x1c8: {  	v3 =	vor.u32 $0x1F, v1;
	_ =	sdelay $0x3  }
0x1c9: {  	s1 =	simm.s32 $0x10;
	[tilespmem:s31+$0x1C00] =	vst v2  }
0x1ca: {  	s0 =	simm.s32 $0x20;
	v1 =	vmov s1;
	v2 =	vld.idx.msk [tilespmem:v3+s13+$0x0], $0xffff  }
.LBB2_9:
0x1cb: {  	p0 =	sne.s32 s0, $0x1F0;
	v1 =	vshll.u32 v1, $0x5  }
0x1cc: {  	v1 =	vor.u32 v0, v1;
	_ =	sdelay $0x3  }
0x1cd: {  	[tilespmem:s31+$0x1E00] =	vst v2  }
0x1ce: {  	v2 =	vld.idx.msk [tilespmem:v1+s13+$0x0], $0xffff;
	_ =	sdelay $0x1  }
0x1cf: {  	v3 =	vor.u32 $0x1, v1;
	_ =	sdelay $0x2  }
0x1d0: {  	s31 =	sadd.s32 $0x10, s31  }
0x1d1: {  	[tilespmem:s31+$0xFFFFE000] =	vst v2  }
0x1d2: {  	v2 =	vld.idx.msk [tilespmem:v3+s13+$0x0], $0xffff;
	_ =	sdelay $0x1  }
0x1d3: {  	v3 =	vor.u32 $0x2, v1;
	_ =	sdelay $0x3  }
0x1d4: {  	[tilespmem:s31+$0xFFFFE200] =	vst v2  }
0x1d5: {  	v2 =	vld.idx.msk [tilespmem:v3+s13+$0x0], $0xffff;
	_ =	sdelay $0x1  }
0x1d6: {  	v3 =	vor.u32 $0x3, v1;
	_ =	sdelay $0x3  }
0x1d7: {  	[tilespmem:s31+$0xFFFFE400] =	vst v2  }
0x1d8: {  	v2 =	vld.idx.msk [tilespmem:v3+s13+$0x0], $0xffff;
	_ =	sdelay $0x1  }
0x1d9: {  	v3 =	vor.u32 $0x4, v1;
	_ =	sdelay $0x3  }
0x1da: {  	[tilespmem:s31+$0xFFFFE600] =	vst v2  }
0x1db: {  	v2 =	vld.idx.msk [tilespmem:v3+s13+$0x0], $0xffff;
	_ =	sdelay $0x1  }
0x1dc: {  	v3 =	vor.u32 $0x5, v1;
	_ =	sdelay $0x3  }
0x1dd: {  	[tilespmem:s31+$0xFFFFE800] =	vst v2  }
0x1de: {  	v2 =	vld.idx.msk [tilespmem:v3+s13+$0x0], $0xffff;
	_ =	sdelay $0x1  }
0x1df: {  	v3 =	vor.u32 $0x6, v1;
	_ =	sdelay $0x3  }
0x1e0: {  	[tilespmem:s31+$0xFFFFEA00] =	vst v2  }
0x1e1: {  	v2 =	vld.idx.msk [tilespmem:v3+s13+$0x0], $0xffff;
	_ =	sdelay $0x1  }
0x1e2: {  	v3 =	vor.u32 $0x7, v1;
	_ =	sdelay $0x3  }
0x1e3: {  	[tilespmem:s31+$0xFFFFEC00] =	vst v2  }
0x1e4: {  	v2 =	vld.idx.msk [tilespmem:v3+s13+$0x0], $0xffff;
	_ =	sdelay $0x1  }
0x1e5: {  	v3 =	vor.u32 $0x8, v1;
	_ =	sdelay $0x3  }
0x1e6: {  	[tilespmem:s31+$0xFFFFEE00] =	vst v2  }
0x1e7: {  	v2 =	vld.idx.msk [tilespmem:v3+s13+$0x0], $0xffff;
	_ =	sdelay $0x1  }
0x1e8: {  	v3 =	vor.u32 $0x9, v1;
	_ =	sdelay $0x3  }
0x1e9: {  	[tilespmem:s31+$0xFFFFF000] =	vst v2  }
0x1ea: {  	v2 =	vld.idx.msk [tilespmem:v3+s13+$0x0], $0xffff;
	_ =	sdelay $0x1  }
0x1eb: {  	v3 =	vor.u32 $0xA, v1;
	_ =	sdelay $0x3  }
0x1ec: {  	[tilespmem:s31+$0xFFFFF200] =	vst v2  }
0x1ed: {  	v2 =	vld.idx.msk [tilespmem:v3+s13+$0x0], $0xffff;
	_ =	sdelay $0x1  }
0x1ee: {  	v3 =	vor.u32 $0xB, v1;
	_ =	sdelay $0x3  }
0x1ef: {  	[tilespmem:s31+$0xFFFFF400] =	vst v2  }
0x1f0: {  	v2 =	vld.idx.msk [tilespmem:v3+s13+$0x0], $0xffff;
	_ =	sdelay $0x1  }
0x1f1: {  	v3 =	vor.u32 $0xC, v1;
	_ =	sdelay $0x3  }
0x1f2: {  	[tilespmem:s31+$0xFFFFF600] =	vst v2  }
0x1f3: {  	v2 =	vld.idx.msk [tilespmem:v3+s13+$0x0], $0xffff;
	_ =	sdelay $0x1  }
0x1f4: {  	v3 =	vor.u32 $0xD, v1;
	_ =	sdelay $0x3  }
0x1f5: {  	[tilespmem:s31+$0xFFFFF800] =	vst v2  }
0x1f6: {  	v2 =	vld.idx.msk [tilespmem:v3+s13+$0x0], $0xffff;
	_ =	sdelay $0x1  }
0x1f7: {  	v3 =	vor.u32 $0xE, v1;
	_ =	sdelay $0x3  }
0x1f8: {  	[tilespmem:s31+$0xFFFFFA00] =	vst v2  }
0x1f9: {  	v2 =	vld.idx.msk [tilespmem:v3+s13+$0x0], $0xffff;
	_ =	sdelay $0x1  }
0x1fa: {  	v3 =	vor.u32 $0xF, v1;
	_ =	sdelay $0x3  }
0x1fb: {  	[tilespmem:s31+$0xFFFFFC00] =	vst v2  }
0x1fc: {  	v2 =	vld.idx.msk [tilespmem:v3+s13+$0x0], $0xffff;
	_ =	sdelay $0x1  }
0x1fd: {  	v3 =	vor.u32 $0x10, v1;
	_ =	sdelay $0x3  }
0x1fe: {  	[tilespmem:s31+$0xFFFFFE00] =	vst v2  }
0x1ff: {  	v2 =	vld.idx.msk [tilespmem:v3+s13+$0x0], $0xffff;
	_ =	sdelay $0x1  }
0x200: {  	v3 =	vor.u32 $0x11, v1;
	_ =	sdelay $0x3  }
0x201: {  	[tilespmem:s31+$0x0] =	vst v2  }
0x202: {  	v2 =	vld.idx.msk [tilespmem:v3+s13+$0x0], $0xffff;
	_ =	sdelay $0x1  }
0x203: {  	v3 =	vor.u32 $0x12, v1;
	_ =	sdelay $0x3  }
0x204: {  	[tilespmem:s31+$0x200] =	vst v2  }
0x205: {  	v2 =	vld.idx.msk [tilespmem:v3+s13+$0x0], $0xffff;
	_ =	sdelay $0x1  }
0x206: {  	v3 =	vor.u32 $0x13, v1;
	_ =	sdelay $0x3  }
0x207: {  	[tilespmem:s31+$0x400] =	vst v2  }
0x208: {  	v2 =	vld.idx.msk [tilespmem:v3+s13+$0x0], $0xffff;
	_ =	sdelay $0x1  }
0x209: {  	v3 =	vor.u32 $0x14, v1;
	_ =	sdelay $0x3  }
0x20a: {  	[tilespmem:s31+$0x600] =	vst v2  }
0x20b: {  	v2 =	vld.idx.msk [tilespmem:v3+s13+$0x0], $0xffff;
	_ =	sdelay $0x1  }
0x20c: {  	v3 =	vor.u32 $0x15, v1;
	_ =	sdelay $0x3  }
0x20d: {  	[tilespmem:s31+$0x800] =	vst v2  }
0x20e: {  	v2 =	vld.idx.msk [tilespmem:v3+s13+$0x0], $0xffff;
	_ =	sdelay $0x1  }
0x20f: {  	v3 =	vor.u32 $0x16, v1;
	_ =	sdelay $0x3  }
0x210: {  	[tilespmem:s31+$0xA00] =	vst v2  }
0x211: {  	v2 =	vld.idx.msk [tilespmem:v3+s13+$0x0], $0xffff;
	_ =	sdelay $0x1  }
0x212: {  	v3 =	vor.u32 $0x17, v1;
	_ =	sdelay $0x3  }
0x213: {  	[tilespmem:s31+$0xC00] =	vst v2  }
0x214: {  	v2 =	vld.idx.msk [tilespmem:v3+s13+$0x0], $0xffff;
	_ =	sdelay $0x1  }
0x215: {  	v3 =	vor.u32 $0x18, v1;
	_ =	sdelay $0x3  }
0x216: {  	[tilespmem:s31+$0xE00] =	vst v2  }
0x217: {  	v2 =	vld.idx.msk [tilespmem:v3+s13+$0x0], $0xffff;
	_ =	sdelay $0x1  }
0x218: {  	v3 =	vor.u32 $0x19, v1;
	_ =	sdelay $0x3  }
0x219: {  	[tilespmem:s31+$0x1000] =	vst v2  }
0x21a: {  	v2 =	vld.idx.msk [tilespmem:v3+s13+$0x0], $0xffff;
	_ =	sdelay $0x1  }
0x21b: {  	v3 =	vor.u32 $0x1A, v1;
	_ =	sdelay $0x3  }
0x21c: {  	[tilespmem:s31+$0x1200] =	vst v2  }
0x21d: {  	v2 =	vld.idx.msk [tilespmem:v3+s13+$0x0], $0xffff;
	_ =	sdelay $0x1  }
0x21e: {  	v3 =	vor.u32 $0x1B, v1;
	_ =	sdelay $0x3  }
0x21f: {  	[tilespmem:s31+$0x1400] =	vst v2  }
0x220: {  	v2 =	vld.idx.msk [tilespmem:v3+s13+$0x0], $0xffff;
	_ =	sdelay $0x1  }
0x221: {  	v3 =	vor.u32 $0x1C, v1;
	_ =	sdelay $0x3  }
0x222: {  	[tilespmem:s31+$0x1600] =	vst v2  }
0x223: {  	v2 =	vld.idx.msk [tilespmem:v3+s13+$0x0], $0xffff;
	_ =	sdelay $0x1  }
0x224: {  	v3 =	vor.u32 $0x1D, v1;
	_ =	sdelay $0x3  }
0x225: {  	[tilespmem:s31+$0x1800] =	vst v2  }
0x226: {  	v2 =	vld.idx.msk [tilespmem:v3+s13+$0x0], $0xffff;
	_ =	sdelay $0x1  }
0x227: {  	v3 =	vor.u32 $0x1E, v1;
	_ =	sdelay $0x3  }
0x228: {  	[tilespmem:s31+$0x1A00] =	vst v2  }
0x229: {  	v2 =	vld.idx.msk [tilespmem:v3+s13+$0x0], $0xffff;
	_ =	sdelay $0x1  }
0x22a: {  	v3 =	vor.u32 $0x1F, v1  }
.Ltmp8:
0x22b: {  	(pc) =	sbr.rel @p0 .LBB2_9-.Ltmp8, $3  }
0x22c: {  	_ =	sdelay $0x1  }
0x22d: {  	[tilespmem:s31+$0x1C00] =	vst v2  }
0x22e: {  	v1 =	vmov s0;
	s0 =	sadd.s32 $0x10, s0;
	v2 =	vld.idx.msk [tilespmem:v3+s13+$0x0], $0xffff  }
0x22f: {  	v1 =	vshll.u32 v1, $0x5  }
0x230: {  	v1 =	vor.u32 v0, v1;
	_ =	sdelay $0x3  }
0x231: {  	[tilespmem:s31+$0x1E00] =	vst v2  }
0x232: {  	v2 =	vld.idx.msk [tilespmem:v1+s13+$0x0], $0xffff  }
0x233: {  	v3 =	vor.u32 $0x1, v1;
	_ =	sdelay $0x2  }
0x234: {  	s0 =	sadd.s32 $0x10, s31  }
0x235: {  	[tilespmem:s0+$0xFFFFE000] =	vst v2  }
0x236: {  	v2 =	vld.idx.msk [tilespmem:v3+s13+$0x0], $0xffff  }
0x237: {  	v3 =	vor.u32 $0x2, v1;
	_ =	sdelay $0x3  }
0x238: {  	[tilespmem:s0+$0xFFFFE200] =	vst v2  }
0x239: {  	v2 =	vld.idx.msk [tilespmem:v3+s13+$0x0], $0xffff  }
0x23a: {  	v3 =	vor.u32 $0x3, v1;
	_ =	sdelay $0x3  }
0x23b: {  	[tilespmem:s0+$0xFFFFE400] =	vst v2  }
0x23c: {  	v2 =	vld.idx.msk [tilespmem:v3+s13+$0x0], $0xffff  }
0x23d: {  	v3 =	vor.u32 $0x4, v1;
	_ =	sdelay $0x3  }
0x23e: {  	[tilespmem:s0+$0xFFFFE600] =	vst v2  }
0x23f: {  	v2 =	vld.idx.msk [tilespmem:v3+s13+$0x0], $0xffff  }
0x240: {  	v3 =	vor.u32 $0x5, v1;
	_ =	sdelay $0x3  }
0x241: {  	[tilespmem:s0+$0xFFFFE800] =	vst v2  }
0x242: {  	v2 =	vld.idx.msk [tilespmem:v3+s13+$0x0], $0xffff  }
0x243: {  	v3 =	vor.u32 $0x6, v1;
	_ =	sdelay $0x3  }
0x244: {  	[tilespmem:s0+$0xFFFFEA00] =	vst v2  }
0x245: {  	v2 =	vld.idx.msk [tilespmem:v3+s13+$0x0], $0xffff  }
0x246: {  	v3 =	vor.u32 $0x7, v1;
	_ =	sdelay $0x3  }
0x247: {  	[tilespmem:s0+$0xFFFFEC00] =	vst v2  }
0x248: {  	v2 =	vld.idx.msk [tilespmem:v3+s13+$0x0], $0xffff  }
0x249: {  	v3 =	vor.u32 $0x8, v1;
	_ =	sdelay $0x3  }
0x24a: {  	[tilespmem:s0+$0xFFFFEE00] =	vst v2  }
0x24b: {  	v2 =	vld.idx.msk [tilespmem:v3+s13+$0x0], $0xffff  }
0x24c: {  	v3 =	vor.u32 $0x9, v1;
	_ =	sdelay $0x3  }
0x24d: {  	[tilespmem:s0+$0xFFFFF000] =	vst v2  }
0x24e: {  	v2 =	vld.idx.msk [tilespmem:v3+s13+$0x0], $0xffff  }
0x24f: {  	v3 =	vor.u32 $0xA, v1;
	_ =	sdelay $0x3  }
0x250: {  	[tilespmem:s0+$0xFFFFF200] =	vst v2  }
0x251: {  	v2 =	vld.idx.msk [tilespmem:v3+s13+$0x0], $0xffff  }
0x252: {  	v3 =	vor.u32 $0xB, v1;
	_ =	sdelay $0x3  }
0x253: {  	[tilespmem:s0+$0xFFFFF400] =	vst v2  }
0x254: {  	v2 =	vld.idx.msk [tilespmem:v3+s13+$0x0], $0xffff  }
0x255: {  	v3 =	vor.u32 $0xC, v1;
	_ =	sdelay $0x3  }
0x256: {  	[tilespmem:s0+$0xFFFFF600] =	vst v2  }
0x257: {  	v2 =	vld.idx.msk [tilespmem:v3+s13+$0x0], $0xffff  }
0x258: {  	v3 =	vor.u32 $0xD, v1;
	_ =	sdelay $0x3  }
0x259: {  	[tilespmem:s0+$0xFFFFF800] =	vst v2  }
0x25a: {  	v2 =	vld.idx.msk [tilespmem:v3+s13+$0x0], $0xffff  }
0x25b: {  	v3 =	vor.u32 $0xE, v1;
	_ =	sdelay $0x3  }
0x25c: {  	[tilespmem:s0+$0xFFFFFA00] =	vst v2  }
0x25d: {  	v2 =	vld.idx.msk [tilespmem:v3+s13+$0x0], $0xffff  }
0x25e: {  	v3 =	vor.u32 $0xF, v1;
	_ =	sdelay $0x3  }
0x25f: {  	[tilespmem:s0+$0xFFFFFC00] =	vst v2  }
0x260: {  	v2 =	vld.idx.msk [tilespmem:v3+s13+$0x0], $0xffff  }
0x261: {  	v3 =	vor.u32 $0x10, v1;
	_ =	sdelay $0x3  }
0x262: {  	[tilespmem:s0+$0xFFFFFE00] =	vst v2  }
0x263: {  	v2 =	vld.idx.msk [tilespmem:v3+s13+$0x0], $0xffff  }
0x264: {  	v3 =	vor.u32 $0x11, v1;
	_ =	sdelay $0x3  }
0x265: {  	[tilespmem:s0+$0x0] =	vst v2  }
0x266: {  	v2 =	vld.idx.msk [tilespmem:v3+s13+$0x0], $0xffff  }
0x267: {  	v3 =	vor.u32 $0x12, v1;
	_ =	sdelay $0x3  }
0x268: {  	[tilespmem:s0+$0x200] =	vst v2  }
0x269: {  	v2 =	vld.idx.msk [tilespmem:v3+s13+$0x0], $0xffff  }
0x26a: {  	v3 =	vor.u32 $0x13, v1;
	_ =	sdelay $0x3  }
0x26b: {  	[tilespmem:s0+$0x400] =	vst v2  }
0x26c: {  	v2 =	vld.idx.msk [tilespmem:v3+s13+$0x0], $0xffff  }
0x26d: {  	v3 =	vor.u32 $0x14, v1;
	_ =	sdelay $0x3  }
0x26e: {  	[tilespmem:s0+$0x600] =	vst v2  }
0x26f: {  	v2 =	vld.idx.msk [tilespmem:v3+s13+$0x0], $0xffff  }
0x270: {  	v3 =	vor.u32 $0x15, v1;
	_ =	sdelay $0x3  }
0x271: {  	[tilespmem:s0+$0x800] =	vst v2  }
0x272: {  	v2 =	vld.idx.msk [tilespmem:v3+s13+$0x0], $0xffff  }
0x273: {  	v3 =	vor.u32 $0x16, v1;
	_ =	sdelay $0x3  }
0x274: {  	[tilespmem:s0+$0xA00] =	vst v2  }
0x275: {  	v2 =	vld.idx.msk [tilespmem:v3+s13+$0x0], $0xffff  }
0x276: {  	v3 =	vor.u32 $0x17, v1;
	_ =	sdelay $0x3  }
0x277: {  	[tilespmem:s0+$0xC00] =	vst v2  }
0x278: {  	v2 =	vld.idx.msk [tilespmem:v3+s13+$0x0], $0xffff  }
0x279: {  	v3 =	vor.u32 $0x18, v1;
	_ =	sdelay $0x3  }
0x27a: {  	[tilespmem:s0+$0xE00] =	vst v2  }
0x27b: {  	v2 =	vld.idx.msk [tilespmem:v3+s13+$0x0], $0xffff  }
0x27c: {  	v3 =	vor.u32 $0x19, v1;
	_ =	sdelay $0x3  }
0x27d: {  	[tilespmem:s0+$0x1000] =	vst v2  }
0x27e: {  	v2 =	vld.idx.msk [tilespmem:v3+s13+$0x0], $0xffff  }
0x27f: {  	v3 =	vor.u32 $0x1A, v1;
	_ =	sdelay $0x3  }
0x280: {  	[tilespmem:s0+$0x1200] =	vst v2  }
0x281: {  	v2 =	vld.idx.msk [tilespmem:v3+s13+$0x0], $0xffff  }
0x282: {  	v3 =	vor.u32 $0x1B, v1;
	_ =	sdelay $0x3  }
0x283: {  	[tilespmem:s0+$0x1400] =	vst v2  }
0x284: {  	v2 =	vld.idx.msk [tilespmem:v3+s13+$0x0], $0xffff  }
0x285: {  	v3 =	vor.u32 $0x1C, v1;
	_ =	sdelay $0x3  }
0x286: {  	[tilespmem:s0+$0x1600] =	vst v2  }
0x287: {  	v2 =	vld.idx.msk [tilespmem:v3+s13+$0x0], $0xffff  }
0x288: {  	v3 =	vor.u32 $0x1D, v1;
	_ =	sdelay $0x3  }
0x289: {  	[tilespmem:s0+$0x1800] =	vst v2  }
0x28a: {  	v2 =	vld.idx.msk [tilespmem:v3+s13+$0x0], $0xffff  }
0x28b: {  	v3 =	vor.u32 $0x1E, v1;
	_ =	sdelay $0x3  }
0x28c: {  	[tilespmem:s0+$0x1A00] =	vst v2  }
0x28d: {  	v2 =	vld.idx.msk [tilespmem:v3+s13+$0x0], $0xffff  }
0x28e: {  	v1 =	vor.u32 $0x1F, v1;
	_ =	sdelay $0x3  }
0x28f: {  	[tilespmem:s0+$0x1C00] =	vst v2  }
0x290: {  	v1 =	vld.idx.msk [tilespmem:v1+s13+$0x0], $0xffff  }
0x291: {  	p0 =	seq.s32 s28, $0xC  }
.Ltmp9:
0x292: {  	_ = 	snop;
	(pc) =	sbr.rel @p0 .LBB2_20-.Ltmp9, $3  }
0x293: {  	_ =	sdelay $0x1  }
0x294: {  	s31 =	sadd.s32 s30, s7;
	[tilespmem:s0+$0x1E00] =	vst v1  }
0x295: {  	[hbm4b:s31+s9] =	stream.strided.scatter [tilespmem:s22], [sflag:$0x7], $0x4000, s10, s9, $0x38;
	[tilespmem:$0x1E400] =	vst v63  }
0x296: {  	s31 =	sor.u32 $0x2, s29  }
0x297: {  	p0 =	sgt.u32 s31, $0x31  }
.Ltmp10:
0x298: {  	_ = 	snop;
	(pc) =	sbr.rel @p0 .LBB2_15-.Ltmp10, $4  }
0x299: {  	s0 =	sshll.u32 s28, $0xB  }
0x29a: {  	s30 =	sand.u32 $0x3FFFF800, s0  }
0x29b: {  	s0 =	sadd.s32 $0xA00, s30  }
0x29c: {  	[tilespmem:s13], [sflag:$0x3] =	stream.indirect.gather [hbm4b:s3+s9], $0x20, s0, s9, $0xb8;
	[tilespmem:$0x1E400] =	vst v63  }
0x29d: {  	s0 =	simm.s32 $0x0  }
0x29e: {  	v1 =	vmov s0  }
0x29f: {  	_ =	swait.ge [sflag:s24], $0x4000;
	v1 =	vshll.u32 v1, $0x5  }
0x2a0: {  	[sflag:s24] =	ssyncset.done $0x0;
	v1 =	vor.u32 v0, v1  }
0x2a1: {  	[sflag:s24] =	ssyncadd.s32 $0xFFFFC000  }
0x2a2: {  	_ =	swait.ge [sflag:s23], $0x4000  }
0x2a3: {  	[sflag:s23] =	ssyncset.done $0x0  }
0x2a4: {  	[sflag:s23] =	ssyncadd.s32 $0xFFFFC000  }
0x2a5: {  	v2 =	vld.idx.msk [tilespmem:v1+s15+$0x0], $0xffff  }
0x2a6: {  	v3 =	vor.u32 $0x1, v1;
	_ =	sdelay $0x2  }
0x2a7: {  	s0 =	simm.s32 $0x18400  }
0x2a8: {  	[tilespmem:s0+$0xFFFFE000] =	vst v2  }
0x2a9: {  	v2 =	vld.idx.msk [tilespmem:v3+s15+$0x0], $0xffff  }
0x2aa: {  	v3 =	vor.u32 $0x2, v1;
	_ =	sdelay $0x3  }
0x2ab: {  	[tilespmem:s0+$0xFFFFE200] =	vst v2  }
0x2ac: {  	v2 =	vld.idx.msk [tilespmem:v3+s15+$0x0], $0xffff  }
0x2ad: {  	v3 =	vor.u32 $0x3, v1;
	_ =	sdelay $0x3  }
0x2ae: {  	[tilespmem:s0+$0xFFFFE400] =	vst v2  }
0x2af: {  	v2 =	vld.idx.msk [tilespmem:v3+s15+$0x0], $0xffff  }
0x2b0: {  	v3 =	vor.u32 $0x4, v1;
	_ =	sdelay $0x3  }
0x2b1: {  	[tilespmem:s0+$0xFFFFE600] =	vst v2  }
0x2b2: {  	v2 =	vld.idx.msk [tilespmem:v3+s15+$0x0], $0xffff  }
0x2b3: {  	v3 =	vor.u32 $0x5, v1;
	_ =	sdelay $0x3  }
0x2b4: {  	[tilespmem:s0+$0xFFFFE800] =	vst v2  }
0x2b5: {  	v2 =	vld.idx.msk [tilespmem:v3+s15+$0x0], $0xffff  }
0x2b6: {  	v3 =	vor.u32 $0x6, v1;
	_ =	sdelay $0x3  }
0x2b7: {  	[tilespmem:s0+$0xFFFFEA00] =	vst v2  }
0x2b8: {  	v2 =	vld.idx.msk [tilespmem:v3+s15+$0x0], $0xffff  }
0x2b9: {  	v3 =	vor.u32 $0x7, v1;
	_ =	sdelay $0x3  }
0x2ba: {  	[tilespmem:s0+$0xFFFFEC00] =	vst v2  }
0x2bb: {  	v2 =	vld.idx.msk [tilespmem:v3+s15+$0x0], $0xffff  }
0x2bc: {  	v3 =	vor.u32 $0x8, v1;
	_ =	sdelay $0x3  }
0x2bd: {  	[tilespmem:s0+$0xFFFFEE00] =	vst v2  }
0x2be: {  	v2 =	vld.idx.msk [tilespmem:v3+s15+$0x0], $0xffff  }
0x2bf: {  	v3 =	vor.u32 $0x9, v1;
	_ =	sdelay $0x3  }
0x2c0: {  	[tilespmem:s0+$0xFFFFF000] =	vst v2  }
0x2c1: {  	v2 =	vld.idx.msk [tilespmem:v3+s15+$0x0], $0xffff  }
0x2c2: {  	v3 =	vor.u32 $0xA, v1;
	_ =	sdelay $0x3  }
0x2c3: {  	[tilespmem:s0+$0xFFFFF200] =	vst v2  }
0x2c4: {  	v2 =	vld.idx.msk [tilespmem:v3+s15+$0x0], $0xffff  }
0x2c5: {  	v3 =	vor.u32 $0xB, v1;
	_ =	sdelay $0x3  }
0x2c6: {  	[tilespmem:s0+$0xFFFFF400] =	vst v2  }
0x2c7: {  	v2 =	vld.idx.msk [tilespmem:v3+s15+$0x0], $0xffff  }
0x2c8: {  	v3 =	vor.u32 $0xC, v1;
	_ =	sdelay $0x3  }
0x2c9: {  	[tilespmem:s0+$0xFFFFF600] =	vst v2  }
0x2ca: {  	v2 =	vld.idx.msk [tilespmem:v3+s15+$0x0], $0xffff  }
0x2cb: {  	v3 =	vor.u32 $0xD, v1;
	_ =	sdelay $0x3  }
0x2cc: {  	[tilespmem:s0+$0xFFFFF800] =	vst v2  }
0x2cd: {  	v2 =	vld.idx.msk [tilespmem:v3+s15+$0x0], $0xffff  }
0x2ce: {  	v3 =	vor.u32 $0xE, v1;
	_ =	sdelay $0x3  }
0x2cf: {  	[tilespmem:s0+$0xFFFFFA00] =	vst v2  }
0x2d0: {  	v2 =	vld.idx.msk [tilespmem:v3+s15+$0x0], $0xffff  }
0x2d1: {  	v3 =	vor.u32 $0xF, v1;
	_ =	sdelay $0x3  }
0x2d2: {  	[tilespmem:s0+$0xFFFFFC00] =	vst v2  }
0x2d3: {  	v2 =	vld.idx.msk [tilespmem:v3+s15+$0x0], $0xffff  }
0x2d4: {  	v3 =	vor.u32 $0x10, v1;
	_ =	sdelay $0x3  }
0x2d5: {  	[tilespmem:s0+$0xFFFFFE00] =	vst v2  }
0x2d6: {  	v2 =	vld.idx.msk [tilespmem:v3+s15+$0x0], $0xffff  }
0x2d7: {  	v3 =	vor.u32 $0x11, v1;
	_ =	sdelay $0x3  }
0x2d8: {  	[tilespmem:s0+$0x0] =	vst v2  }
0x2d9: {  	v2 =	vld.idx.msk [tilespmem:v3+s15+$0x0], $0xffff  }
0x2da: {  	v3 =	vor.u32 $0x12, v1;
	_ =	sdelay $0x3  }
0x2db: {  	[tilespmem:s0+$0x200] =	vst v2  }
0x2dc: {  	v2 =	vld.idx.msk [tilespmem:v3+s15+$0x0], $0xffff  }
0x2dd: {  	v3 =	vor.u32 $0x13, v1;
	_ =	sdelay $0x3  }
0x2de: {  	[tilespmem:s0+$0x400] =	vst v2  }
0x2df: {  	v2 =	vld.idx.msk [tilespmem:v3+s15+$0x0], $0xffff  }
0x2e0: {  	v3 =	vor.u32 $0x14, v1;
	_ =	sdelay $0x3  }
0x2e1: {  	[tilespmem:s0+$0x600] =	vst v2  }
0x2e2: {  	v2 =	vld.idx.msk [tilespmem:v3+s15+$0x0], $0xffff  }
0x2e3: {  	v3 =	vor.u32 $0x15, v1;
	_ =	sdelay $0x3  }
0x2e4: {  	[tilespmem:s0+$0x800] =	vst v2  }
0x2e5: {  	v2 =	vld.idx.msk [tilespmem:v3+s15+$0x0], $0xffff  }
0x2e6: {  	v3 =	vor.u32 $0x16, v1;
	_ =	sdelay $0x3  }
0x2e7: {  	[tilespmem:s0+$0xA00] =	vst v2  }
0x2e8: {  	v2 =	vld.idx.msk [tilespmem:v3+s15+$0x0], $0xffff  }
0x2e9: {  	v3 =	vor.u32 $0x17, v1;
	_ =	sdelay $0x3  }
0x2ea: {  	[tilespmem:s0+$0xC00] =	vst v2  }
0x2eb: {  	v2 =	vld.idx.msk [tilespmem:v3+s15+$0x0], $0xffff  }
0x2ec: {  	v3 =	vor.u32 $0x18, v1;
	_ =	sdelay $0x3  }
0x2ed: {  	[tilespmem:s0+$0xE00] =	vst v2  }
0x2ee: {  	v2 =	vld.idx.msk [tilespmem:v3+s15+$0x0], $0xffff  }
0x2ef: {  	v3 =	vor.u32 $0x19, v1;
	_ =	sdelay $0x3  }
0x2f0: {  	[tilespmem:s0+$0x1000] =	vst v2  }
0x2f1: {  	v2 =	vld.idx.msk [tilespmem:v3+s15+$0x0], $0xffff  }
0x2f2: {  	v3 =	vor.u32 $0x1A, v1;
	_ =	sdelay $0x3  }
0x2f3: {  	[tilespmem:s0+$0x1200] =	vst v2  }
0x2f4: {  	v2 =	vld.idx.msk [tilespmem:v3+s15+$0x0], $0xffff  }
0x2f5: {  	v3 =	vor.u32 $0x1B, v1;
	_ =	sdelay $0x3  }
0x2f6: {  	[tilespmem:s0+$0x1400] =	vst v2  }
0x2f7: {  	v2 =	vld.idx.msk [tilespmem:v3+s15+$0x0], $0xffff  }
0x2f8: {  	v3 =	vor.u32 $0x1C, v1;
	_ =	sdelay $0x3  }
0x2f9: {  	[tilespmem:s0+$0x1600] =	vst v2  }
0x2fa: {  	v2 =	vld.idx.msk [tilespmem:v3+s15+$0x0], $0xffff  }
0x2fb: {  	v3 =	vor.u32 $0x1D, v1;
	_ =	sdelay $0x3  }
0x2fc: {  	[tilespmem:s0+$0x1800] =	vst v2  }
0x2fd: {  	v2 =	vld.idx.msk [tilespmem:v3+s15+$0x0], $0xffff  }
0x2fe: {  	v3 =	vor.u32 $0x1E, v1;
	_ =	sdelay $0x3  }
0x2ff: {  	[tilespmem:s0+$0x1A00] =	vst v2  }
0x300: {  	v2 =	vld.idx.msk [tilespmem:v3+s15+$0x0], $0xffff  }
0x301: {  	v3 =	vor.u32 $0x1F, v1;
	_ =	sdelay $0x3  }
0x302: {  	s1 =	simm.s32 $0x10;
	[tilespmem:s0+$0x1C00] =	vst v2  }
0x303: {  	v1 =	vmov s1;
	s1 =	simm.s32 $0x20;
	v2 =	vld.idx.msk [tilespmem:v3+s15+$0x0], $0xffff  }
.LBB2_13:
0x304: {  	p0 =	sne.s32 s1, $0x1F0;
	v1 =	vshll.u32 v1, $0x5  }
0x305: {  	v1 =	vor.u32 v0, v1;
	_ =	sdelay $0x3  }
0x306: {  	[tilespmem:s0+$0x1E00] =	vst v2  }
0x307: {  	v2 =	vld.idx.msk [tilespmem:v1+s15+$0x0], $0xffff;
	_ =	sdelay $0x1  }
0x308: {  	v3 =	vor.u32 $0x1, v1;
	_ =	sdelay $0x2  }
0x309: {  	s0 =	sadd.s32 $0x10, s0  }
0x30a: {  	[tilespmem:s0+$0xFFFFE000] =	vst v2  }
0x30b: {  	v2 =	vld.idx.msk [tilespmem:v3+s15+$0x0], $0xffff;
	_ =	sdelay $0x1  }
0x30c: {  	v3 =	vor.u32 $0x2, v1;
	_ =	sdelay $0x3  }
0x30d: {  	[tilespmem:s0+$0xFFFFE200] =	vst v2  }
0x30e: {  	v2 =	vld.idx.msk [tilespmem:v3+s15+$0x0], $0xffff;
	_ =	sdelay $0x1  }
0x30f: {  	v3 =	vor.u32 $0x3, v1;
	_ =	sdelay $0x3  }
0x310: {  	[tilespmem:s0+$0xFFFFE400] =	vst v2  }
0x311: {  	v2 =	vld.idx.msk [tilespmem:v3+s15+$0x0], $0xffff;
	_ =	sdelay $0x1  }
0x312: {  	v3 =	vor.u32 $0x4, v1;
	_ =	sdelay $0x3  }
0x313: {  	[tilespmem:s0+$0xFFFFE600] =	vst v2  }
0x314: {  	v2 =	vld.idx.msk [tilespmem:v3+s15+$0x0], $0xffff;
	_ =	sdelay $0x1  }
0x315: {  	v3 =	vor.u32 $0x5, v1;
	_ =	sdelay $0x3  }
0x316: {  	[tilespmem:s0+$0xFFFFE800] =	vst v2  }
0x317: {  	v2 =	vld.idx.msk [tilespmem:v3+s15+$0x0], $0xffff;
	_ =	sdelay $0x1  }
0x318: {  	v3 =	vor.u32 $0x6, v1;
	_ =	sdelay $0x3  }
0x319: {  	[tilespmem:s0+$0xFFFFEA00] =	vst v2  }
0x31a: {  	v2 =	vld.idx.msk [tilespmem:v3+s15+$0x0], $0xffff;
	_ =	sdelay $0x1  }
0x31b: {  	v3 =	vor.u32 $0x7, v1;
	_ =	sdelay $0x3  }
0x31c: {  	[tilespmem:s0+$0xFFFFEC00] =	vst v2  }
0x31d: {  	v2 =	vld.idx.msk [tilespmem:v3+s15+$0x0], $0xffff;
	_ =	sdelay $0x1  }
0x31e: {  	v3 =	vor.u32 $0x8, v1;
	_ =	sdelay $0x3  }
0x31f: {  	[tilespmem:s0+$0xFFFFEE00] =	vst v2  }
0x320: {  	v2 =	vld.idx.msk [tilespmem:v3+s15+$0x0], $0xffff;
	_ =	sdelay $0x1  }
0x321: {  	v3 =	vor.u32 $0x9, v1;
	_ =	sdelay $0x3  }
0x322: {  	[tilespmem:s0+$0xFFFFF000] =	vst v2  }
0x323: {  	v2 =	vld.idx.msk [tilespmem:v3+s15+$0x0], $0xffff;
	_ =	sdelay $0x1  }
0x324: {  	v3 =	vor.u32 $0xA, v1;
	_ =	sdelay $0x3  }
0x325: {  	[tilespmem:s0+$0xFFFFF200] =	vst v2  }
0x326: {  	v2 =	vld.idx.msk [tilespmem:v3+s15+$0x0], $0xffff;
	_ =	sdelay $0x1  }
0x327: {  	v3 =	vor.u32 $0xB, v1;
	_ =	sdelay $0x3  }
0x328: {  	[tilespmem:s0+$0xFFFFF400] =	vst v2  }
0x329: {  	v2 =	vld.idx.msk [tilespmem:v3+s15+$0x0], $0xffff;
	_ =	sdelay $0x1  }
0x32a: {  	v3 =	vor.u32 $0xC, v1;
	_ =	sdelay $0x3  }
0x32b: {  	[tilespmem:s0+$0xFFFFF600] =	vst v2  }
0x32c: {  	v2 =	vld.idx.msk [tilespmem:v3+s15+$0x0], $0xffff;
	_ =	sdelay $0x1  }
0x32d: {  	v3 =	vor.u32 $0xD, v1;
	_ =	sdelay $0x3  }
0x32e: {  	[tilespmem:s0+$0xFFFFF800] =	vst v2  }
0x32f: {  	v2 =	vld.idx.msk [tilespmem:v3+s15+$0x0], $0xffff;
	_ =	sdelay $0x1  }
0x330: {  	v3 =	vor.u32 $0xE, v1;
	_ =	sdelay $0x3  }
0x331: {  	[tilespmem:s0+$0xFFFFFA00] =	vst v2  }
0x332: {  	v2 =	vld.idx.msk [tilespmem:v3+s15+$0x0], $0xffff;
	_ =	sdelay $0x1  }
0x333: {  	v3 =	vor.u32 $0xF, v1;
	_ =	sdelay $0x3  }
0x334: {  	[tilespmem:s0+$0xFFFFFC00] =	vst v2  }
0x335: {  	v2 =	vld.idx.msk [tilespmem:v3+s15+$0x0], $0xffff;
	_ =	sdelay $0x1  }
0x336: {  	v3 =	vor.u32 $0x10, v1;
	_ =	sdelay $0x3  }
0x337: {  	[tilespmem:s0+$0xFFFFFE00] =	vst v2  }
0x338: {  	v2 =	vld.idx.msk [tilespmem:v3+s15+$0x0], $0xffff;
	_ =	sdelay $0x1  }
0x339: {  	v3 =	vor.u32 $0x11, v1;
	_ =	sdelay $0x3  }
0x33a: {  	[tilespmem:s0+$0x0] =	vst v2  }
0x33b: {  	v2 =	vld.idx.msk [tilespmem:v3+s15+$0x0], $0xffff;
	_ =	sdelay $0x1  }
0x33c: {  	v3 =	vor.u32 $0x12, v1;
	_ =	sdelay $0x3  }
0x33d: {  	[tilespmem:s0+$0x200] =	vst v2  }
0x33e: {  	v2 =	vld.idx.msk [tilespmem:v3+s15+$0x0], $0xffff;
	_ =	sdelay $0x1  }
0x33f: {  	v3 =	vor.u32 $0x13, v1;
	_ =	sdelay $0x3  }
0x340: {  	[tilespmem:s0+$0x400] =	vst v2  }
0x341: {  	v2 =	vld.idx.msk [tilespmem:v3+s15+$0x0], $0xffff;
	_ =	sdelay $0x1  }
0x342: {  	v3 =	vor.u32 $0x14, v1;
	_ =	sdelay $0x3  }
0x343: {  	[tilespmem:s0+$0x600] =	vst v2  }
0x344: {  	v2 =	vld.idx.msk [tilespmem:v3+s15+$0x0], $0xffff;
	_ =	sdelay $0x1  }
0x345: {  	v3 =	vor.u32 $0x15, v1;
	_ =	sdelay $0x3  }
0x346: {  	[tilespmem:s0+$0x800] =	vst v2  }
0x347: {  	v2 =	vld.idx.msk [tilespmem:v3+s15+$0x0], $0xffff;
	_ =	sdelay $0x1  }
0x348: {  	v3 =	vor.u32 $0x16, v1;
	_ =	sdelay $0x3  }
0x349: {  	[tilespmem:s0+$0xA00] =	vst v2  }
0x34a: {  	v2 =	vld.idx.msk [tilespmem:v3+s15+$0x0], $0xffff;
	_ =	sdelay $0x1  }
0x34b: {  	v3 =	vor.u32 $0x17, v1;
	_ =	sdelay $0x3  }
0x34c: {  	[tilespmem:s0+$0xC00] =	vst v2  }
0x34d: {  	v2 =	vld.idx.msk [tilespmem:v3+s15+$0x0], $0xffff;
	_ =	sdelay $0x1  }
0x34e: {  	v3 =	vor.u32 $0x18, v1;
	_ =	sdelay $0x3  }
0x34f: {  	[tilespmem:s0+$0xE00] =	vst v2  }
0x350: {  	v2 =	vld.idx.msk [tilespmem:v3+s15+$0x0], $0xffff;
	_ =	sdelay $0x1  }
0x351: {  	v3 =	vor.u32 $0x19, v1;
	_ =	sdelay $0x3  }
0x352: {  	[tilespmem:s0+$0x1000] =	vst v2  }
0x353: {  	v2 =	vld.idx.msk [tilespmem:v3+s15+$0x0], $0xffff;
	_ =	sdelay $0x1  }
0x354: {  	v3 =	vor.u32 $0x1A, v1;
	_ =	sdelay $0x3  }
0x355: {  	[tilespmem:s0+$0x1200] =	vst v2  }
0x356: {  	v2 =	vld.idx.msk [tilespmem:v3+s15+$0x0], $0xffff;
	_ =	sdelay $0x1  }
0x357: {  	v3 =	vor.u32 $0x1B, v1;
	_ =	sdelay $0x3  }
0x358: {  	[tilespmem:s0+$0x1400] =	vst v2  }
0x359: {  	v2 =	vld.idx.msk [tilespmem:v3+s15+$0x0], $0xffff;
	_ =	sdelay $0x1  }
0x35a: {  	v3 =	vor.u32 $0x1C, v1;
	_ =	sdelay $0x3  }
0x35b: {  	[tilespmem:s0+$0x1600] =	vst v2  }
0x35c: {  	v2 =	vld.idx.msk [tilespmem:v3+s15+$0x0], $0xffff;
	_ =	sdelay $0x1  }
0x35d: {  	v3 =	vor.u32 $0x1D, v1;
	_ =	sdelay $0x3  }
0x35e: {  	[tilespmem:s0+$0x1800] =	vst v2  }
0x35f: {  	v2 =	vld.idx.msk [tilespmem:v3+s15+$0x0], $0xffff;
	_ =	sdelay $0x1  }
0x360: {  	v3 =	vor.u32 $0x1E, v1;
	_ =	sdelay $0x3  }
0x361: {  	[tilespmem:s0+$0x1A00] =	vst v2  }
0x362: {  	v2 =	vld.idx.msk [tilespmem:v3+s15+$0x0], $0xffff;
	_ =	sdelay $0x1  }
0x363: {  	v3 =	vor.u32 $0x1F, v1  }
.Ltmp11:
0x364: {  	(pc) =	sbr.rel @p0 .LBB2_13-.Ltmp11, $3  }
0x365: {  	_ =	sdelay $0x1  }
0x366: {  	[tilespmem:s0+$0x1C00] =	vst v2  }
0x367: {  	v1 =	vmov s1;
	s1 =	sadd.s32 $0x10, s1;
	v2 =	vld.idx.msk [tilespmem:v3+s15+$0x0], $0xffff  }
0x368: {  	v1 =	vshll.u32 v1, $0x5  }
0x369: {  	v1 =	vor.u32 v0, v1;
	_ =	sdelay $0x3  }
0x36a: {  	[tilespmem:s0+$0x1E00] =	vst v2  }
0x36b: {  	v2 =	vld.idx.msk [tilespmem:v1+s15+$0x0], $0xffff  }
0x36c: {  	v3 =	vor.u32 $0x1, v1;
	_ =	sdelay $0x2  }
0x36d: {  	s0 =	sadd.s32 $0x10, s0  }
0x36e: {  	[tilespmem:s0+$0xFFFFE000] =	vst v2  }
0x36f: {  	v2 =	vld.idx.msk [tilespmem:v3+s15+$0x0], $0xffff  }
0x370: {  	v3 =	vor.u32 $0x2, v1;
	_ =	sdelay $0x3  }
0x371: {  	[tilespmem:s0+$0xFFFFE200] =	vst v2  }
0x372: {  	v2 =	vld.idx.msk [tilespmem:v3+s15+$0x0], $0xffff  }
0x373: {  	v3 =	vor.u32 $0x3, v1;
	_ =	sdelay $0x3  }
0x374: {  	[tilespmem:s0+$0xFFFFE400] =	vst v2  }
0x375: {  	v2 =	vld.idx.msk [tilespmem:v3+s15+$0x0], $0xffff  }
0x376: {  	v3 =	vor.u32 $0x4, v1;
	_ =	sdelay $0x3  }
0x377: {  	[tilespmem:s0+$0xFFFFE600] =	vst v2  }
0x378: {  	v2 =	vld.idx.msk [tilespmem:v3+s15+$0x0], $0xffff  }
0x379: {  	v3 =	vor.u32 $0x5, v1;
	_ =	sdelay $0x3  }
0x37a: {  	[tilespmem:s0+$0xFFFFE800] =	vst v2  }
0x37b: {  	v2 =	vld.idx.msk [tilespmem:v3+s15+$0x0], $0xffff  }
0x37c: {  	v3 =	vor.u32 $0x6, v1;
	_ =	sdelay $0x3  }
0x37d: {  	[tilespmem:s0+$0xFFFFEA00] =	vst v2  }
0x37e: {  	v2 =	vld.idx.msk [tilespmem:v3+s15+$0x0], $0xffff  }
0x37f: {  	v3 =	vor.u32 $0x7, v1;
	_ =	sdelay $0x3  }
0x380: {  	[tilespmem:s0+$0xFFFFEC00] =	vst v2  }
0x381: {  	v2 =	vld.idx.msk [tilespmem:v3+s15+$0x0], $0xffff  }
0x382: {  	v3 =	vor.u32 $0x8, v1;
	_ =	sdelay $0x3  }
0x383: {  	[tilespmem:s0+$0xFFFFEE00] =	vst v2  }
0x384: {  	v2 =	vld.idx.msk [tilespmem:v3+s15+$0x0], $0xffff  }
0x385: {  	v3 =	vor.u32 $0x9, v1;
	_ =	sdelay $0x3  }
0x386: {  	[tilespmem:s0+$0xFFFFF000] =	vst v2  }
0x387: {  	v2 =	vld.idx.msk [tilespmem:v3+s15+$0x0], $0xffff  }
0x388: {  	v3 =	vor.u32 $0xA, v1;
	_ =	sdelay $0x3  }
0x389: {  	[tilespmem:s0+$0xFFFFF200] =	vst v2  }
0x38a: {  	v2 =	vld.idx.msk [tilespmem:v3+s15+$0x0], $0xffff  }
0x38b: {  	v3 =	vor.u32 $0xB, v1;
	_ =	sdelay $0x3  }
0x38c: {  	[tilespmem:s0+$0xFFFFF400] =	vst v2  }
0x38d: {  	v2 =	vld.idx.msk [tilespmem:v3+s15+$0x0], $0xffff  }
0x38e: {  	v3 =	vor.u32 $0xC, v1;
	_ =	sdelay $0x3  }
0x38f: {  	[tilespmem:s0+$0xFFFFF600] =	vst v2  }
0x390: {  	v2 =	vld.idx.msk [tilespmem:v3+s15+$0x0], $0xffff  }
0x391: {  	v3 =	vor.u32 $0xD, v1;
	_ =	sdelay $0x3  }
0x392: {  	[tilespmem:s0+$0xFFFFF800] =	vst v2  }
0x393: {  	v2 =	vld.idx.msk [tilespmem:v3+s15+$0x0], $0xffff  }
0x394: {  	v3 =	vor.u32 $0xE, v1;
	_ =	sdelay $0x3  }
0x395: {  	[tilespmem:s0+$0xFFFFFA00] =	vst v2  }
0x396: {  	v2 =	vld.idx.msk [tilespmem:v3+s15+$0x0], $0xffff  }
0x397: {  	v3 =	vor.u32 $0xF, v1;
	_ =	sdelay $0x3  }
0x398: {  	[tilespmem:s0+$0xFFFFFC00] =	vst v2  }
0x399: {  	v2 =	vld.idx.msk [tilespmem:v3+s15+$0x0], $0xffff  }
0x39a: {  	v3 =	vor.u32 $0x10, v1;
	_ =	sdelay $0x3  }
0x39b: {  	[tilespmem:s0+$0xFFFFFE00] =	vst v2  }
0x39c: {  	v2 =	vld.idx.msk [tilespmem:v3+s15+$0x0], $0xffff  }
0x39d: {  	v3 =	vor.u32 $0x11, v1;
	_ =	sdelay $0x3  }
0x39e: {  	[tilespmem:s0+$0x0] =	vst v2  }
0x39f: {  	v2 =	vld.idx.msk [tilespmem:v3+s15+$0x0], $0xffff  }
0x3a0: {  	v3 =	vor.u32 $0x12, v1;
	_ =	sdelay $0x3  }
0x3a1: {  	[tilespmem:s0+$0x200] =	vst v2  }
0x3a2: {  	v2 =	vld.idx.msk [tilespmem:v3+s15+$0x0], $0xffff  }
0x3a3: {  	v3 =	vor.u32 $0x13, v1;
	_ =	sdelay $0x3  }
0x3a4: {  	[tilespmem:s0+$0x400] =	vst v2  }
0x3a5: {  	v2 =	vld.idx.msk [tilespmem:v3+s15+$0x0], $0xffff  }
0x3a6: {  	v3 =	vor.u32 $0x14, v1;
	_ =	sdelay $0x3  }
0x3a7: {  	[tilespmem:s0+$0x600] =	vst v2  }
0x3a8: {  	v2 =	vld.idx.msk [tilespmem:v3+s15+$0x0], $0xffff  }
0x3a9: {  	v3 =	vor.u32 $0x15, v1;
	_ =	sdelay $0x3  }
0x3aa: {  	[tilespmem:s0+$0x800] =	vst v2  }
0x3ab: {  	v2 =	vld.idx.msk [tilespmem:v3+s15+$0x0], $0xffff  }
0x3ac: {  	v3 =	vor.u32 $0x16, v1;
	_ =	sdelay $0x3  }
0x3ad: {  	[tilespmem:s0+$0xA00] =	vst v2  }
0x3ae: {  	v2 =	vld.idx.msk [tilespmem:v3+s15+$0x0], $0xffff  }
0x3af: {  	v3 =	vor.u32 $0x17, v1;
	_ =	sdelay $0x3  }
0x3b0: {  	[tilespmem:s0+$0xC00] =	vst v2  }
0x3b1: {  	v2 =	vld.idx.msk [tilespmem:v3+s15+$0x0], $0xffff  }
0x3b2: {  	v3 =	vor.u32 $0x18, v1;
	_ =	sdelay $0x3  }
0x3b3: {  	[tilespmem:s0+$0xE00] =	vst v2  }
0x3b4: {  	v2 =	vld.idx.msk [tilespmem:v3+s15+$0x0], $0xffff  }
0x3b5: {  	v3 =	vor.u32 $0x19, v1;
	_ =	sdelay $0x3  }
0x3b6: {  	[tilespmem:s0+$0x1000] =	vst v2  }
0x3b7: {  	v2 =	vld.idx.msk [tilespmem:v3+s15+$0x0], $0xffff  }
0x3b8: {  	v3 =	vor.u32 $0x1A, v1;
	_ =	sdelay $0x3  }
0x3b9: {  	[tilespmem:s0+$0x1200] =	vst v2  }
0x3ba: {  	v2 =	vld.idx.msk [tilespmem:v3+s15+$0x0], $0xffff  }
0x3bb: {  	v3 =	vor.u32 $0x1B, v1;
	_ =	sdelay $0x3  }
0x3bc: {  	[tilespmem:s0+$0x1400] =	vst v2  }
0x3bd: {  	v2 =	vld.idx.msk [tilespmem:v3+s15+$0x0], $0xffff  }
0x3be: {  	v3 =	vor.u32 $0x1C, v1;
	_ =	sdelay $0x3  }
0x3bf: {  	[tilespmem:s0+$0x1600] =	vst v2  }
0x3c0: {  	v2 =	vld.idx.msk [tilespmem:v3+s15+$0x0], $0xffff  }
0x3c1: {  	v3 =	vor.u32 $0x1D, v1;
	_ =	sdelay $0x3  }
0x3c2: {  	[tilespmem:s0+$0x1800] =	vst v2  }
0x3c3: {  	v2 =	vld.idx.msk [tilespmem:v3+s15+$0x0], $0xffff  }
0x3c4: {  	v3 =	vor.u32 $0x1E, v1;
	_ =	sdelay $0x3  }
0x3c5: {  	[tilespmem:s0+$0x1A00] =	vst v2  }
0x3c6: {  	v2 =	vld.idx.msk [tilespmem:v3+s15+$0x0], $0xffff  }
0x3c7: {  	v1 =	vor.u32 $0x1F, v1;
	_ =	sdelay $0x3  }
0x3c8: {  	[tilespmem:s0+$0x1C00] =	vst v2  }
0x3c9: {  	v1 =	vld.idx.msk [tilespmem:v1+s15+$0x0], $0xffff;
	_ =	sdelay $0x1  }
0x3ca: {  	s1 =	sshll.u32 s31, $0x13  }
0x3cb: {  	s1 =	sor.u32 s4, s1  }
0x3cc: {  	s1 =	sshrl.u32 s1, $0x3  }
0x3cd: {  	p0 =	sgt.u32 s28, $0xA;
	s31 =	sadd.s32 s5, s1;
	[tilespmem:s0+$0x1E00] =	vst v1  }
0x3ce: {  	[hbm4b:s31+s9] =	stream.strided.scatter [tilespmem:s19], [sflag:$0x6], $0x4000, s10, s9, $0x38;
	[tilespmem:$0x1E400] =	vst v63  }
0x3cf: {  	s1 =	simm.s32 @!p0 $0x200;
	s0 =	sadd.s32 @!p0 $0xC00, s30;
	s31 =	simm.s32 @!p0 $0xE400  }
0x3d0: {  	[tilespmem:s31], [sflag:$0x4] =	stream.indirect.gather @!p0 [hbm4b:s3+s1], $0x20, s0, s1, $0xb8;
	[tilespmem:$0x1E400] =	vst v63  }
.LBB2_15:
0x3d1: {  	s29 =	sor.u32 $0x3, s29  }
0x3d2: {  	p0 =	sgt.u32 s29, $0x31  }
.Ltmp12:
0x3d3: {  	_ = 	snop;
	(pc) =	sbr.rel @p0 .LBB2_19-.Ltmp12, $1  }
0x3d4: {  	_ =	sdelay $0x3  }
0x3d5: {  	s0 =	simm.s32 $0x0  }
0x3d6: {  	v1 =	vmov s0  }
0x3d7: {  	_ =	swait.ge [sflag:s25], $0x4000;
	v1 =	vshll.u32 v1, $0x5  }
0x3d8: {  	[sflag:s25] =	ssyncset.done $0x0;
	v1 =	vor.u32 v0, v1  }
0x3d9: {  	[sflag:s25] =	ssyncadd.s32 $0xFFFFC000  }
0x3da: {  	_ =	swait.ge [sflag:s21], $0x4000  }
0x3db: {  	[sflag:s21] =	ssyncset.done $0x0  }
0x3dc: {  	[sflag:s21] =	ssyncadd.s32 $0xFFFFC000  }
0x3dd: {  	v2 =	vld.idx.msk [tilespmem:v1+s17+$0x0], $0xffff  }
0x3de: {  	v3 =	vor.u32 $0x1, v1;
	_ =	sdelay $0x2  }
0x3df: {  	s0 =	simm.s32 $0x1C400  }
0x3e0: {  	[tilespmem:s0+$0xFFFFE000] =	vst v2  }
0x3e1: {  	v2 =	vld.idx.msk [tilespmem:v3+s17+$0x0], $0xffff  }
0x3e2: {  	v3 =	vor.u32 $0x2, v1;
	_ =	sdelay $0x3  }
0x3e3: {  	[tilespmem:s0+$0xFFFFE200] =	vst v2  }
0x3e4: {  	v2 =	vld.idx.msk [tilespmem:v3+s17+$0x0], $0xffff  }
0x3e5: {  	v3 =	vor.u32 $0x3, v1;
	_ =	sdelay $0x3  }
0x3e6: {  	[tilespmem:s0+$0xFFFFE400] =	vst v2  }
0x3e7: {  	v2 =	vld.idx.msk [tilespmem:v3+s17+$0x0], $0xffff  }
0x3e8: {  	v3 =	vor.u32 $0x4, v1;
	_ =	sdelay $0x3  }
0x3e9: {  	[tilespmem:s0+$0xFFFFE600] =	vst v2  }
0x3ea: {  	v2 =	vld.idx.msk [tilespmem:v3+s17+$0x0], $0xffff  }
0x3eb: {  	v3 =	vor.u32 $0x5, v1;
	_ =	sdelay $0x3  }
0x3ec: {  	[tilespmem:s0+$0xFFFFE800] =	vst v2  }
0x3ed: {  	v2 =	vld.idx.msk [tilespmem:v3+s17+$0x0], $0xffff  }
0x3ee: {  	v3 =	vor.u32 $0x6, v1;
	_ =	sdelay $0x3  }
0x3ef: {  	[tilespmem:s0+$0xFFFFEA00] =	vst v2  }
0x3f0: {  	v2 =	vld.idx.msk [tilespmem:v3+s17+$0x0], $0xffff  }
0x3f1: {  	v3 =	vor.u32 $0x7, v1;
	_ =	sdelay $0x3  }
0x3f2: {  	[tilespmem:s0+$0xFFFFEC00] =	vst v2  }
0x3f3: {  	v2 =	vld.idx.msk [tilespmem:v3+s17+$0x0], $0xffff  }
0x3f4: {  	v3 =	vor.u32 $0x8, v1;
	_ =	sdelay $0x3  }
0x3f5: {  	[tilespmem:s0+$0xFFFFEE00] =	vst v2  }
0x3f6: {  	v2 =	vld.idx.msk [tilespmem:v3+s17+$0x0], $0xffff  }
0x3f7: {  	v3 =	vor.u32 $0x9, v1;
	_ =	sdelay $0x3  }
0x3f8: {  	[tilespmem:s0+$0xFFFFF000] =	vst v2  }
0x3f9: {  	v2 =	vld.idx.msk [tilespmem:v3+s17+$0x0], $0xffff  }
0x3fa: {  	v3 =	vor.u32 $0xA, v1;
	_ =	sdelay $0x3  }
0x3fb: {  	[tilespmem:s0+$0xFFFFF200] =	vst v2  }
0x3fc: {  	v2 =	vld.idx.msk [tilespmem:v3+s17+$0x0], $0xffff  }
0x3fd: {  	v3 =	vor.u32 $0xB, v1;
	_ =	sdelay $0x3  }
0x3fe: {  	[tilespmem:s0+$0xFFFFF400] =	vst v2  }
0x3ff: {  	v2 =	vld.idx.msk [tilespmem:v3+s17+$0x0], $0xffff  }
0x400: {  	v3 =	vor.u32 $0xC, v1;
	_ =	sdelay $0x3  }
0x401: {  	[tilespmem:s0+$0xFFFFF600] =	vst v2  }
0x402: {  	v2 =	vld.idx.msk [tilespmem:v3+s17+$0x0], $0xffff  }
0x403: {  	v3 =	vor.u32 $0xD, v1;
	_ =	sdelay $0x3  }
0x404: {  	[tilespmem:s0+$0xFFFFF800] =	vst v2  }
0x405: {  	v2 =	vld.idx.msk [tilespmem:v3+s17+$0x0], $0xffff  }
0x406: {  	v3 =	vor.u32 $0xE, v1;
	_ =	sdelay $0x3  }
0x407: {  	[tilespmem:s0+$0xFFFFFA00] =	vst v2  }
0x408: {  	v2 =	vld.idx.msk [tilespmem:v3+s17+$0x0], $0xffff  }
0x409: {  	v3 =	vor.u32 $0xF, v1;
	_ =	sdelay $0x3  }
0x40a: {  	[tilespmem:s0+$0xFFFFFC00] =	vst v2  }
0x40b: {  	v2 =	vld.idx.msk [tilespmem:v3+s17+$0x0], $0xffff  }
0x40c: {  	v3 =	vor.u32 $0x10, v1;
	_ =	sdelay $0x3  }
0x40d: {  	[tilespmem:s0+$0xFFFFFE00] =	vst v2  }
0x40e: {  	v2 =	vld.idx.msk [tilespmem:v3+s17+$0x0], $0xffff  }
0x40f: {  	v3 =	vor.u32 $0x11, v1;
	_ =	sdelay $0x3  }
0x410: {  	[tilespmem:s0+$0x0] =	vst v2  }
0x411: {  	v2 =	vld.idx.msk [tilespmem:v3+s17+$0x0], $0xffff  }
0x412: {  	v3 =	vor.u32 $0x12, v1;
	_ =	sdelay $0x3  }
0x413: {  	[tilespmem:s0+$0x200] =	vst v2  }
0x414: {  	v2 =	vld.idx.msk [tilespmem:v3+s17+$0x0], $0xffff  }
0x415: {  	v3 =	vor.u32 $0x13, v1;
	_ =	sdelay $0x3  }
0x416: {  	[tilespmem:s0+$0x400] =	vst v2  }
0x417: {  	v2 =	vld.idx.msk [tilespmem:v3+s17+$0x0], $0xffff  }
0x418: {  	v3 =	vor.u32 $0x14, v1;
	_ =	sdelay $0x3  }
0x419: {  	[tilespmem:s0+$0x600] =	vst v2  }
0x41a: {  	v2 =	vld.idx.msk [tilespmem:v3+s17+$0x0], $0xffff  }
0x41b: {  	v3 =	vor.u32 $0x15, v1;
	_ =	sdelay $0x3  }
0x41c: {  	[tilespmem:s0+$0x800] =	vst v2  }
0x41d: {  	v2 =	vld.idx.msk [tilespmem:v3+s17+$0x0], $0xffff  }
0x41e: {  	v3 =	vor.u32 $0x16, v1;
	_ =	sdelay $0x3  }
0x41f: {  	[tilespmem:s0+$0xA00] =	vst v2  }
0x420: {  	v2 =	vld.idx.msk [tilespmem:v3+s17+$0x0], $0xffff  }
0x421: {  	v3 =	vor.u32 $0x17, v1;
	_ =	sdelay $0x3  }
0x422: {  	[tilespmem:s0+$0xC00] =	vst v2  }
0x423: {  	v2 =	vld.idx.msk [tilespmem:v3+s17+$0x0], $0xffff  }
0x424: {  	v3 =	vor.u32 $0x18, v1;
	_ =	sdelay $0x3  }
0x425: {  	[tilespmem:s0+$0xE00] =	vst v2  }
0x426: {  	v2 =	vld.idx.msk [tilespmem:v3+s17+$0x0], $0xffff  }
0x427: {  	v3 =	vor.u32 $0x19, v1;
	_ =	sdelay $0x3  }
0x428: {  	[tilespmem:s0+$0x1000] =	vst v2  }
0x429: {  	v2 =	vld.idx.msk [tilespmem:v3+s17+$0x0], $0xffff  }
0x42a: {  	v3 =	vor.u32 $0x1A, v1;
	_ =	sdelay $0x3  }
0x42b: {  	[tilespmem:s0+$0x1200] =	vst v2  }
0x42c: {  	v2 =	vld.idx.msk [tilespmem:v3+s17+$0x0], $0xffff  }
0x42d: {  	v3 =	vor.u32 $0x1B, v1;
	_ =	sdelay $0x3  }
0x42e: {  	[tilespmem:s0+$0x1400] =	vst v2  }
0x42f: {  	v2 =	vld.idx.msk [tilespmem:v3+s17+$0x0], $0xffff  }
0x430: {  	v3 =	vor.u32 $0x1C, v1;
	_ =	sdelay $0x3  }
0x431: {  	[tilespmem:s0+$0x1600] =	vst v2  }
0x432: {  	v2 =	vld.idx.msk [tilespmem:v3+s17+$0x0], $0xffff  }
0x433: {  	v3 =	vor.u32 $0x1D, v1;
	_ =	sdelay $0x3  }
0x434: {  	[tilespmem:s0+$0x1800] =	vst v2  }
0x435: {  	v2 =	vld.idx.msk [tilespmem:v3+s17+$0x0], $0xffff  }
0x436: {  	v3 =	vor.u32 $0x1E, v1;
	_ =	sdelay $0x3  }
0x437: {  	[tilespmem:s0+$0x1A00] =	vst v2  }
0x438: {  	v2 =	vld.idx.msk [tilespmem:v3+s17+$0x0], $0xffff  }
0x439: {  	v3 =	vor.u32 $0x1F, v1;
	_ =	sdelay $0x3  }
0x43a: {  	s1 =	simm.s32 $0x10;
	[tilespmem:s0+$0x1C00] =	vst v2  }
0x43b: {  	v1 =	vmov s1;
	s1 =	simm.s32 $0x20;
	v2 =	vld.idx.msk [tilespmem:v3+s17+$0x0], $0xffff  }
.LBB2_17:
0x43c: {  	p0 =	sne.s32 s1, $0x1F0;
	v1 =	vshll.u32 v1, $0x5  }
0x43d: {  	v1 =	vor.u32 v0, v1;
	_ =	sdelay $0x3  }
0x43e: {  	[tilespmem:s0+$0x1E00] =	vst v2  }
0x43f: {  	v2 =	vld.idx.msk [tilespmem:v1+s17+$0x0], $0xffff;
	_ =	sdelay $0x1  }
0x440: {  	v3 =	vor.u32 $0x1, v1;
	_ =	sdelay $0x2  }
0x441: {  	s0 =	sadd.s32 $0x10, s0  }
0x442: {  	[tilespmem:s0+$0xFFFFE000] =	vst v2  }
0x443: {  	v2 =	vld.idx.msk [tilespmem:v3+s17+$0x0], $0xffff;
	_ =	sdelay $0x1  }
0x444: {  	v3 =	vor.u32 $0x2, v1;
	_ =	sdelay $0x3  }
0x445: {  	[tilespmem:s0+$0xFFFFE200] =	vst v2  }
0x446: {  	v2 =	vld.idx.msk [tilespmem:v3+s17+$0x0], $0xffff;
	_ =	sdelay $0x1  }
0x447: {  	v3 =	vor.u32 $0x3, v1;
	_ =	sdelay $0x3  }
0x448: {  	[tilespmem:s0+$0xFFFFE400] =	vst v2  }
0x449: {  	v2 =	vld.idx.msk [tilespmem:v3+s17+$0x0], $0xffff;
	_ =	sdelay $0x1  }
0x44a: {  	v3 =	vor.u32 $0x4, v1;
	_ =	sdelay $0x3  }
0x44b: {  	[tilespmem:s0+$0xFFFFE600] =	vst v2  }
0x44c: {  	v2 =	vld.idx.msk [tilespmem:v3+s17+$0x0], $0xffff;
	_ =	sdelay $0x1  }
0x44d: {  	v3 =	vor.u32 $0x5, v1;
	_ =	sdelay $0x3  }
0x44e: {  	[tilespmem:s0+$0xFFFFE800] =	vst v2  }
0x44f: {  	v2 =	vld.idx.msk [tilespmem:v3+s17+$0x0], $0xffff;
	_ =	sdelay $0x1  }
0x450: {  	v3 =	vor.u32 $0x6, v1;
	_ =	sdelay $0x3  }
0x451: {  	[tilespmem:s0+$0xFFFFEA00] =	vst v2  }
0x452: {  	v2 =	vld.idx.msk [tilespmem:v3+s17+$0x0], $0xffff;
	_ =	sdelay $0x1  }
0x453: {  	v3 =	vor.u32 $0x7, v1;
	_ =	sdelay $0x3  }
0x454: {  	[tilespmem:s0+$0xFFFFEC00] =	vst v2  }
0x455: {  	v2 =	vld.idx.msk [tilespmem:v3+s17+$0x0], $0xffff;
	_ =	sdelay $0x1  }
0x456: {  	v3 =	vor.u32 $0x8, v1;
	_ =	sdelay $0x3  }
0x457: {  	[tilespmem:s0+$0xFFFFEE00] =	vst v2  }
0x458: {  	v2 =	vld.idx.msk [tilespmem:v3+s17+$0x0], $0xffff;
	_ =	sdelay $0x1  }
0x459: {  	v3 =	vor.u32 $0x9, v1;
	_ =	sdelay $0x3  }
0x45a: {  	[tilespmem:s0+$0xFFFFF000] =	vst v2  }
0x45b: {  	v2 =	vld.idx.msk [tilespmem:v3+s17+$0x0], $0xffff;
	_ =	sdelay $0x1  }
0x45c: {  	v3 =	vor.u32 $0xA, v1;
	_ =	sdelay $0x3  }
0x45d: {  	[tilespmem:s0+$0xFFFFF200] =	vst v2  }
0x45e: {  	v2 =	vld.idx.msk [tilespmem:v3+s17+$0x0], $0xffff;
	_ =	sdelay $0x1  }
0x45f: {  	v3 =	vor.u32 $0xB, v1;
	_ =	sdelay $0x3  }
0x460: {  	[tilespmem:s0+$0xFFFFF400] =	vst v2  }
0x461: {  	v2 =	vld.idx.msk [tilespmem:v3+s17+$0x0], $0xffff;
	_ =	sdelay $0x1  }
0x462: {  	v3 =	vor.u32 $0xC, v1;
	_ =	sdelay $0x3  }
0x463: {  	[tilespmem:s0+$0xFFFFF600] =	vst v2  }
0x464: {  	v2 =	vld.idx.msk [tilespmem:v3+s17+$0x0], $0xffff;
	_ =	sdelay $0x1  }
0x465: {  	v3 =	vor.u32 $0xD, v1;
	_ =	sdelay $0x3  }
0x466: {  	[tilespmem:s0+$0xFFFFF800] =	vst v2  }
0x467: {  	v2 =	vld.idx.msk [tilespmem:v3+s17+$0x0], $0xffff;
	_ =	sdelay $0x1  }
0x468: {  	v3 =	vor.u32 $0xE, v1;
	_ =	sdelay $0x3  }
0x469: {  	[tilespmem:s0+$0xFFFFFA00] =	vst v2  }
0x46a: {  	v2 =	vld.idx.msk [tilespmem:v3+s17+$0x0], $0xffff;
	_ =	sdelay $0x1  }
0x46b: {  	v3 =	vor.u32 $0xF, v1;
	_ =	sdelay $0x3  }
0x46c: {  	[tilespmem:s0+$0xFFFFFC00] =	vst v2  }
0x46d: {  	v2 =	vld.idx.msk [tilespmem:v3+s17+$0x0], $0xffff;
	_ =	sdelay $0x1  }
0x46e: {  	v3 =	vor.u32 $0x10, v1;
	_ =	sdelay $0x3  }
0x46f: {  	[tilespmem:s0+$0xFFFFFE00] =	vst v2  }
0x470: {  	v2 =	vld.idx.msk [tilespmem:v3+s17+$0x0], $0xffff;
	_ =	sdelay $0x1  }
0x471: {  	v3 =	vor.u32 $0x11, v1;
	_ =	sdelay $0x3  }
0x472: {  	[tilespmem:s0+$0x0] =	vst v2  }
0x473: {  	v2 =	vld.idx.msk [tilespmem:v3+s17+$0x0], $0xffff;
	_ =	sdelay $0x1  }
0x474: {  	v3 =	vor.u32 $0x12, v1;
	_ =	sdelay $0x3  }
0x475: {  	[tilespmem:s0+$0x200] =	vst v2  }
0x476: {  	v2 =	vld.idx.msk [tilespmem:v3+s17+$0x0], $0xffff;
	_ =	sdelay $0x1  }
0x477: {  	v3 =	vor.u32 $0x13, v1;
	_ =	sdelay $0x3  }
0x478: {  	[tilespmem:s0+$0x400] =	vst v2  }
0x479: {  	v2 =	vld.idx.msk [tilespmem:v3+s17+$0x0], $0xffff;
	_ =	sdelay $0x1  }
0x47a: {  	v3 =	vor.u32 $0x14, v1;
	_ =	sdelay $0x3  }
0x47b: {  	[tilespmem:s0+$0x600] =	vst v2  }
0x47c: {  	v2 =	vld.idx.msk [tilespmem:v3+s17+$0x0], $0xffff;
	_ =	sdelay $0x1  }
0x47d: {  	v3 =	vor.u32 $0x15, v1;
	_ =	sdelay $0x3  }
0x47e: {  	[tilespmem:s0+$0x800] =	vst v2  }
0x47f: {  	v2 =	vld.idx.msk [tilespmem:v3+s17+$0x0], $0xffff;
	_ =	sdelay $0x1  }
0x480: {  	v3 =	vor.u32 $0x16, v1;
	_ =	sdelay $0x3  }
0x481: {  	[tilespmem:s0+$0xA00] =	vst v2  }
0x482: {  	v2 =	vld.idx.msk [tilespmem:v3+s17+$0x0], $0xffff;
	_ =	sdelay $0x1  }
0x483: {  	v3 =	vor.u32 $0x17, v1;
	_ =	sdelay $0x3  }
0x484: {  	[tilespmem:s0+$0xC00] =	vst v2  }
0x485: {  	v2 =	vld.idx.msk [tilespmem:v3+s17+$0x0], $0xffff;
	_ =	sdelay $0x1  }
0x486: {  	v3 =	vor.u32 $0x18, v1;
	_ =	sdelay $0x3  }
0x487: {  	[tilespmem:s0+$0xE00] =	vst v2  }
0x488: {  	v2 =	vld.idx.msk [tilespmem:v3+s17+$0x0], $0xffff;
	_ =	sdelay $0x1  }
0x489: {  	v3 =	vor.u32 $0x19, v1;
	_ =	sdelay $0x3  }
0x48a: {  	[tilespmem:s0+$0x1000] =	vst v2  }
0x48b: {  	v2 =	vld.idx.msk [tilespmem:v3+s17+$0x0], $0xffff;
	_ =	sdelay $0x1  }
0x48c: {  	v3 =	vor.u32 $0x1A, v1;
	_ =	sdelay $0x3  }
0x48d: {  	[tilespmem:s0+$0x1200] =	vst v2  }
0x48e: {  	v2 =	vld.idx.msk [tilespmem:v3+s17+$0x0], $0xffff;
	_ =	sdelay $0x1  }
0x48f: {  	v3 =	vor.u32 $0x1B, v1;
	_ =	sdelay $0x3  }
0x490: {  	[tilespmem:s0+$0x1400] =	vst v2  }
0x491: {  	v2 =	vld.idx.msk [tilespmem:v3+s17+$0x0], $0xffff;
	_ =	sdelay $0x1  }
0x492: {  	v3 =	vor.u32 $0x1C, v1;
	_ =	sdelay $0x3  }
0x493: {  	[tilespmem:s0+$0x1600] =	vst v2  }
0x494: {  	v2 =	vld.idx.msk [tilespmem:v3+s17+$0x0], $0xffff;
	_ =	sdelay $0x1  }
0x495: {  	v3 =	vor.u32 $0x1D, v1;
	_ =	sdelay $0x3  }
0x496: {  	[tilespmem:s0+$0x1800] =	vst v2  }
0x497: {  	v2 =	vld.idx.msk [tilespmem:v3+s17+$0x0], $0xffff;
	_ =	sdelay $0x1  }
0x498: {  	v3 =	vor.u32 $0x1E, v1;
	_ =	sdelay $0x3  }
0x499: {  	[tilespmem:s0+$0x1A00] =	vst v2  }
0x49a: {  	v2 =	vld.idx.msk [tilespmem:v3+s17+$0x0], $0xffff;
	_ =	sdelay $0x1  }
0x49b: {  	v3 =	vor.u32 $0x1F, v1  }
.Ltmp13:
0x49c: {  	(pc) =	sbr.rel @p0 .LBB2_17-.Ltmp13, $3  }
0x49d: {  	_ =	sdelay $0x1  }
0x49e: {  	[tilespmem:s0+$0x1C00] =	vst v2  }
0x49f: {  	v1 =	vmov s1;
	s1 =	sadd.s32 $0x10, s1;
	v2 =	vld.idx.msk [tilespmem:v3+s17+$0x0], $0xffff  }
0x4a0: {  	v1 =	vshll.u32 v1, $0x5  }
0x4a1: {  	v1 =	vor.u32 v0, v1;
	_ =	sdelay $0x3  }
0x4a2: {  	[tilespmem:s0+$0x1E00] =	vst v2  }
0x4a3: {  	v2 =	vld.idx.msk [tilespmem:v1+s17+$0x0], $0xffff  }
0x4a4: {  	v3 =	vor.u32 $0x1, v1;
	_ =	sdelay $0x2  }
0x4a5: {  	s31 =	sadd.s32 $0x10, s0  }
0x4a6: {  	[tilespmem:s31+$0xFFFFE000] =	vst v2  }
0x4a7: {  	v2 =	vld.idx.msk [tilespmem:v3+s17+$0x0], $0xffff  }
0x4a8: {  	v3 =	vor.u32 $0x2, v1;
	_ =	sdelay $0x3  }
0x4a9: {  	[tilespmem:s31+$0xFFFFE200] =	vst v2  }
0x4aa: {  	v2 =	vld.idx.msk [tilespmem:v3+s17+$0x0], $0xffff  }
0x4ab: {  	v3 =	vor.u32 $0x3, v1;
	_ =	sdelay $0x3  }
0x4ac: {  	[tilespmem:s31+$0xFFFFE400] =	vst v2  }
0x4ad: {  	v2 =	vld.idx.msk [tilespmem:v3+s17+$0x0], $0xffff  }
0x4ae: {  	v3 =	vor.u32 $0x4, v1;
	_ =	sdelay $0x3  }
0x4af: {  	[tilespmem:s31+$0xFFFFE600] =	vst v2  }
0x4b0: {  	v2 =	vld.idx.msk [tilespmem:v3+s17+$0x0], $0xffff  }
0x4b1: {  	v3 =	vor.u32 $0x5, v1;
	_ =	sdelay $0x3  }
0x4b2: {  	[tilespmem:s31+$0xFFFFE800] =	vst v2  }
0x4b3: {  	v2 =	vld.idx.msk [tilespmem:v3+s17+$0x0], $0xffff  }
0x4b4: {  	v3 =	vor.u32 $0x6, v1;
	_ =	sdelay $0x3  }
0x4b5: {  	[tilespmem:s31+$0xFFFFEA00] =	vst v2  }
0x4b6: {  	v2 =	vld.idx.msk [tilespmem:v3+s17+$0x0], $0xffff  }
0x4b7: {  	v3 =	vor.u32 $0x7, v1;
	_ =	sdelay $0x3  }
0x4b8: {  	[tilespmem:s31+$0xFFFFEC00] =	vst v2  }
0x4b9: {  	v2 =	vld.idx.msk [tilespmem:v3+s17+$0x0], $0xffff  }
0x4ba: {  	v3 =	vor.u32 $0x8, v1;
	_ =	sdelay $0x3  }
0x4bb: {  	[tilespmem:s31+$0xFFFFEE00] =	vst v2  }
0x4bc: {  	v2 =	vld.idx.msk [tilespmem:v3+s17+$0x0], $0xffff  }
0x4bd: {  	v3 =	vor.u32 $0x9, v1;
	_ =	sdelay $0x3  }
0x4be: {  	[tilespmem:s31+$0xFFFFF000] =	vst v2  }
0x4bf: {  	v2 =	vld.idx.msk [tilespmem:v3+s17+$0x0], $0xffff  }
0x4c0: {  	v3 =	vor.u32 $0xA, v1;
	_ =	sdelay $0x3  }
0x4c1: {  	[tilespmem:s31+$0xFFFFF200] =	vst v2  }
0x4c2: {  	v2 =	vld.idx.msk [tilespmem:v3+s17+$0x0], $0xffff  }
0x4c3: {  	v3 =	vor.u32 $0xB, v1;
	_ =	sdelay $0x3  }
0x4c4: {  	[tilespmem:s31+$0xFFFFF400] =	vst v2  }
0x4c5: {  	v2 =	vld.idx.msk [tilespmem:v3+s17+$0x0], $0xffff  }
0x4c6: {  	v3 =	vor.u32 $0xC, v1;
	_ =	sdelay $0x3  }
0x4c7: {  	[tilespmem:s31+$0xFFFFF600] =	vst v2  }
0x4c8: {  	v2 =	vld.idx.msk [tilespmem:v3+s17+$0x0], $0xffff  }
0x4c9: {  	v3 =	vor.u32 $0xD, v1;
	_ =	sdelay $0x3  }
0x4ca: {  	[tilespmem:s31+$0xFFFFF800] =	vst v2  }
0x4cb: {  	v2 =	vld.idx.msk [tilespmem:v3+s17+$0x0], $0xffff  }
0x4cc: {  	v3 =	vor.u32 $0xE, v1;
	_ =	sdelay $0x3  }
0x4cd: {  	[tilespmem:s31+$0xFFFFFA00] =	vst v2  }
0x4ce: {  	v2 =	vld.idx.msk [tilespmem:v3+s17+$0x0], $0xffff  }
0x4cf: {  	v3 =	vor.u32 $0xF, v1;
	_ =	sdelay $0x3  }
0x4d0: {  	[tilespmem:s31+$0xFFFFFC00] =	vst v2  }
0x4d1: {  	v2 =	vld.idx.msk [tilespmem:v3+s17+$0x0], $0xffff  }
0x4d2: {  	v3 =	vor.u32 $0x10, v1;
	_ =	sdelay $0x3  }
0x4d3: {  	[tilespmem:s31+$0xFFFFFE00] =	vst v2  }
0x4d4: {  	v2 =	vld.idx.msk [tilespmem:v3+s17+$0x0], $0xffff  }
0x4d5: {  	v3 =	vor.u32 $0x11, v1;
	_ =	sdelay $0x3  }
0x4d6: {  	[tilespmem:s31+$0x0] =	vst v2  }
0x4d7: {  	v2 =	vld.idx.msk [tilespmem:v3+s17+$0x0], $0xffff  }
0x4d8: {  	v3 =	vor.u32 $0x12, v1;
	_ =	sdelay $0x3  }
0x4d9: {  	[tilespmem:s31+$0x200] =	vst v2  }
0x4da: {  	v2 =	vld.idx.msk [tilespmem:v3+s17+$0x0], $0xffff  }
0x4db: {  	v3 =	vor.u32 $0x13, v1;
	_ =	sdelay $0x3  }
0x4dc: {  	[tilespmem:s31+$0x400] =	vst v2  }
0x4dd: {  	v2 =	vld.idx.msk [tilespmem:v3+s17+$0x0], $0xffff  }
0x4de: {  	v3 =	vor.u32 $0x14, v1;
	_ =	sdelay $0x3  }
0x4df: {  	[tilespmem:s31+$0x600] =	vst v2  }
0x4e0: {  	v2 =	vld.idx.msk [tilespmem:v3+s17+$0x0], $0xffff  }
0x4e1: {  	v3 =	vor.u32 $0x15, v1;
	_ =	sdelay $0x3  }
0x4e2: {  	[tilespmem:s31+$0x800] =	vst v2  }
0x4e3: {  	v2 =	vld.idx.msk [tilespmem:v3+s17+$0x0], $0xffff  }
0x4e4: {  	v3 =	vor.u32 $0x16, v1;
	_ =	sdelay $0x3  }
0x4e5: {  	[tilespmem:s31+$0xA00] =	vst v2  }
0x4e6: {  	v2 =	vld.idx.msk [tilespmem:v3+s17+$0x0], $0xffff  }
0x4e7: {  	v3 =	vor.u32 $0x17, v1;
	_ =	sdelay $0x3  }
0x4e8: {  	[tilespmem:s31+$0xC00] =	vst v2  }
0x4e9: {  	v2 =	vld.idx.msk [tilespmem:v3+s17+$0x0], $0xffff  }
0x4ea: {  	v3 =	vor.u32 $0x18, v1;
	_ =	sdelay $0x3  }
0x4eb: {  	[tilespmem:s31+$0xE00] =	vst v2  }
0x4ec: {  	v2 =	vld.idx.msk [tilespmem:v3+s17+$0x0], $0xffff  }
0x4ed: {  	v3 =	vor.u32 $0x19, v1;
	_ =	sdelay $0x3  }
0x4ee: {  	[tilespmem:s31+$0x1000] =	vst v2  }
0x4ef: {  	v2 =	vld.idx.msk [tilespmem:v3+s17+$0x0], $0xffff  }
0x4f0: {  	v3 =	vor.u32 $0x1A, v1;
	_ =	sdelay $0x3  }
0x4f1: {  	[tilespmem:s31+$0x1200] =	vst v2  }
0x4f2: {  	v2 =	vld.idx.msk [tilespmem:v3+s17+$0x0], $0xffff  }
0x4f3: {  	v3 =	vor.u32 $0x1B, v1;
	_ =	sdelay $0x3  }
0x4f4: {  	[tilespmem:s31+$0x1400] =	vst v2  }
0x4f5: {  	v2 =	vld.idx.msk [tilespmem:v3+s17+$0x0], $0xffff  }
0x4f6: {  	v3 =	vor.u32 $0x1C, v1;
	_ =	sdelay $0x3  }
0x4f7: {  	[tilespmem:s31+$0x1600] =	vst v2  }
0x4f8: {  	v2 =	vld.idx.msk [tilespmem:v3+s17+$0x0], $0xffff  }
0x4f9: {  	v3 =	vor.u32 $0x1D, v1;
	_ =	sdelay $0x3  }
0x4fa: {  	[tilespmem:s31+$0x1800] =	vst v2  }
0x4fb: {  	v2 =	vld.idx.msk [tilespmem:v3+s17+$0x0], $0xffff  }
0x4fc: {  	v3 =	vor.u32 $0x1E, v1;
	_ =	sdelay $0x3  }
0x4fd: {  	[tilespmem:s31+$0x1A00] =	vst v2  }
0x4fe: {  	v2 =	vld.idx.msk [tilespmem:v3+s17+$0x0], $0xffff  }
0x4ff: {  	v1 =	vor.u32 $0x1F, v1;
	_ =	sdelay $0x3  }
0x500: {  	[tilespmem:s31+$0x1C00] =	vst v2  }
0x501: {  	v1 =	vld.idx.msk [tilespmem:v1+s17+$0x0], $0xffff;
	_ =	sdelay $0x1  }
0x502: {  	s1 =	sshll.u32 s29, $0x13  }
0x503: {  	s1 =	sor.u32 s4, s1  }
.Ltmp14:
0x504: {  	s1 =	sshrl.u32 s1, $0x3;
	(pc) =	sbr.rel .LBB2_19-.Ltmp14, $4  }
0x505: {  	p0 =	sgt.u32 s28, $0xA;
	[tilespmem:s31+$0x1E00] =	vst v1;
	s31 =	sadd.s32 s5, s1  }
0x506: {  	[hbm4b:s31+s9] =	stream.strided.scatter [tilespmem:s22], [sflag:$0x7], $0x4000, s10, s9, $0x38;
	[tilespmem:$0x1E400] =	vst v63  }
0x507: {  	s29 =	simm.s32 @!p0 $0x12400;
	s0 =	sadd.s32 @!p0 $0xE00, s30;
	s1 =	simm.s32 @!p0 $0x200  }
0x508: {  	[tilespmem:s29], [sflag:$0x5] =	stream.indirect.gather @!p0 [hbm4b:s3+s1], $0x20, s0, s1, $0xb8;
	[tilespmem:$0x1E400] =	vst v63  }
.LBB2_21:
0x509: {  	_ =	sfence.sel $0x180000  }
0x50a: {  	[bflag:$0x0] =	sbarrier.arrive $0xFFFF  }
0x50b: {  	_ =	strace $0x90000047  }
0x50c: {  	s0 =	stileid.u32;
	[bflag:$0x2] =	sbarrier.arrive $0xFFFF  }
0x50d: {  	p0 =	sne.s32 s0, $0x0;
	s0 =	rddreg [dreg:$0x2]  }
0x50e: {  	s0 =	sadd.s32 @!p0 $0x100000, s0  }
0x50f: {  	[sflag:s0] =	ssyncadd.tile.s32 @!p0 $0x1;
	_ =	shalt  }
.Lfunc_end2:
_tile_overlayer_lowered:
.L_overlay_start_2:
0x510: {  	(tag) =	ssettag $0x2  }
0x511: {  	s0 =	rddreg [dreg:$0x0];
	s2 =	stileid.u32  }
0x512: {  	s1 =	rddreg [dreg:$0x1];
	p0 =	sne.s32 s2, $0x0  }
0x513: {  	s3 =	rddreg [dreg:$0x2];
	[bflag:$0x3] =	sbarrier.arrive $0xFFFF;
	s2 =	simm.s32 @!p0 $0x1C08  }
0x514: {  	[timem:s3], [sflag:s2] =	dma.local @!p0 [hbm:s0], s1  }
0x515: {  	s0 =	simm.s32 @!p0 $0x8  }
0x516: {  	_ =	swait.ge @!p0 [sflag:s0], s1  }
0x517: {  	s1 =	ssub.s32 @!p0 $0x0, s1;
	[sflag:s0] =	ssyncset.done @!p0 $0x0  }
0x518: {  	[sflag:s0] =	ssyncadd.s32 @!p0 s1  }
0x519: {  	[bflag:$0x3] =	sbarrier.arrive $0xFFFF  }
0x51a: {  	_ =	shalt  }

</sc_bundles>
